<compile_context>
chip_gen: v7x
topology: tpu7x:2x2x1
jax: 0.10.2.dev20260603
libtpu: 0.0.44.dev20260713+nightly
codegen_flags: <defaults>
</compile_context>

<pallas_src>
import functools

import jax
import jax.numpy as jnp
from jax import lax
from jax.experimental import pallas as pl
from jax.experimental.pallas import tpu as pltpu
from jax.experimental.pallas import tpu_sc as plsc

N_GENES = 20000
N_DIM = 100
N_CELLS = 1024
G_BATCH = 1024

D_PAD = 128
BIAS_ROW = N_DIM

_info = plsc.get_sparse_core_info()
_NC, _NS = _info.num_cores, _info.num_subcores
_NW = _NC * _NS
_PPW = D_PAD // _NW


def _sc_gather_body(w1t_hbm, bias_hbm, idx_hbm, wt_out,
                    idx_v, p0, p1, p2, p3, out_v, s0, s1, s2, s3):
    wid = lax.axis_index("s") * _NC + lax.axis_index("c")
    planes = (p0, p1, p2, p3)
    sems = (s0, s1, s2, s3)
    for k in range(_PPW):
        p = wid + _NW * k
        @pl.when(p < N_DIM)
        def _():
            pltpu.make_async_copy(w1t_hbm.at[p], planes[k], sems[k]).start()
        @pl.when(p == BIAS_ROW)
        def _():
            pltpu.make_async_copy(bias_hbm, planes[k], sems[k]).start()
    pltpu.sync_copy(idx_hbm, idx_v)
    for k in range(_PPW):
        p = wid + _NW * k
        @pl.when(p <= BIAS_ROW)
        def _():
            pltpu.make_async_copy(w1t_hbm.at[p], planes[k], sems[k]).wait()
            for j in range(G_BATCH // 16):
                idx16 = idx_v[pl.ds(j * 16, 16)]
                out_v[pl.ds(j * 16, 16)] = plsc.load_gather(planes[k], [idx16])
            pltpu.sync_copy(out_v, wt_out.at[p])


def _sc_gather(w1t, bias1, gene_ix):
    mesh = plsc.VectorSubcoreMesh(core_axis_name="c", subcore_axis_name="s")
    fn = functools.partial(
        pl.kernel,
        mesh=mesh,
        out_type=jax.ShapeDtypeStruct((D_PAD, G_BATCH), jnp.float32),
        scratch_types=[
            pltpu.VMEM((G_BATCH,), jnp.int32),
            pltpu.VMEM((N_GENES,), jnp.float32),
            pltpu.VMEM((N_GENES,), jnp.float32),
            pltpu.VMEM((N_GENES,), jnp.float32),
            pltpu.VMEM((N_GENES,), jnp.float32),
            pltpu.VMEM((G_BATCH,), jnp.float32),
            pltpu.SemaphoreType.DMA,
            pltpu.SemaphoreType.DMA,
            pltpu.SemaphoreType.DMA,
            pltpu.SemaphoreType.DMA,
        ],
        compiler_params=pltpu.CompilerParams(needs_layout_passes=False),
    )(_sc_gather_body)
    return fn(w1t, bias1, gene_ix)


CB = 32


def _tc_body(e0_ref, e1_ref, wt_ref, out_ref):
    wt = wt_ref[...]
    w = wt[:N_DIM, None, :]
    b = wt[BIAS_ROW, None, :]
    out_ref[:CB] = jnp.sum(e0_ref[...] * w, axis=0) + b
    out_ref[CB:] = jnp.sum(e1_ref[...] * w, axis=0) + b


def kernel(cell_gene_embedding, gene_ix, weight1, bias1):
    gene_ix = gene_ix.astype(jnp.int32)
    w1t = jnp.transpose(weight1, (1, 0))
    wt = _sc_gather(w1t, bias1, gene_ix)

    emb_t = jnp.transpose(cell_gene_embedding, (2, 0, 1))
    out = pl.pallas_call(
        _tc_body,
        grid=(N_CELLS // (2 * CB),),
        in_specs=[
            pl.BlockSpec((N_DIM, CB, G_BATCH), lambda i: (0, 2 * i, 0)),
            pl.BlockSpec((N_DIM, CB, G_BATCH), lambda i: (0, 2 * i + 1, 0)),
            pl.BlockSpec((D_PAD, G_BATCH), lambda i: (0, 0)),
        ],
        out_specs=pl.BlockSpec((2 * CB, G_BATCH), lambda i: (i, 0)),
        out_shape=jax.ShapeDtypeStruct((N_CELLS, G_BATCH), jnp.float32),
        compiler_params=pltpu.CompilerParams(
            dimension_semantics=("parallel",),
            vmem_limit_bytes=100 * 1024 * 1024,
        ),
    )(emb_t, emb_t, wt)
    return out

# --- scband reference (transcript-rebuilt; emitter-appended) ---
"""Pipeline reference for scband-embedding-to-expression-1443109012247 (READ-ONLY COPY).

The authoritative reference and input builder live on the scoring server;
editing this copy changes nothing except your own understanding.
"""

import jax, jax.numpy as jnp
import numpy as np

N_GENES = 20000
N_DIM = 100
N_CELLS = 1024
G_BATCH = 1024

def setup_inputs(seed: int = 0) -> dict:
    key = jax.random.key(seed)
    k1, k2, k3 = jax.random.split(key, 3)
    cell_gene_embedding = jax.random.normal(k1, (N_CELLS, G_BATCH, N_DIM), dtype=jnp.float32)
    gene_ix = jax.random.randint(k2, (G_BATCH,), 0, N_GENES, dtype=jnp.int64)
    # learned parameters per __init__: weight1 initialized to ones, bias1 = mean_gene_expression
    weight1 = jnp.ones((N_GENES, N_DIM), dtype=jnp.float32)
    bias1 = jax.random.normal(k3, (N_GENES,), dtype=jnp.float32)
    return {"cell_gene_embedding": cell_gene_embedding, "gene_ix": gene_ix, "weight1": weight1, "bias1": bias1}

def reference(cell_gene_embedding, gene_ix, weight1, bias1):
    # (cell_gene_embedding * self.weight1[gene_ix]).sum(-1) + self.bias1[gene_ix]
    w = jnp.take(weight1, gene_ix, axis=0)          # [G_BATCH, N_DIM] gather
    b = jnp.take(bias1, gene_ix, axis=0)            # [G_BATCH] gather
    out = (cell_gene_embedding * w[None, :, :]).sum(-1) + b[None, :]
    return out

if __name__ == "__main__":
    import jax
    _d = setup_inputs()
    print(jax.jit(kernel)(*tuple(_d.values())))

</pallas_src>

<mosaic_0001>
#map = affine_map<(d0, d1) -> (0, 0)>
#map1 = affine_map<(d0, d1) -> (0)>
module attributes {stable_mosaic.version = 14 : i64} {
  func.func @_sc_gather_body(%arg0: i32, %arg1: i32, %arg2: memref<100x20000xf32, #tpu.memory_space<hbm>>, %arg3: memref<20000xf32, #tpu.memory_space<hbm>>, %arg4: memref<1024xi32, #tpu.memory_space<hbm>>, %arg5: memref<128x1024xf32, #tpu.memory_space<hbm>>, %arg6: memref<1024xi32, #tpu.memory_space<vmem>>, %arg7: memref<20000xf32, #tpu.memory_space<vmem>>, %arg8: memref<20000xf32, #tpu.memory_space<vmem>>, %arg9: memref<20000xf32, #tpu.memory_space<vmem>>, %arg10: memref<20000xf32, #tpu.memory_space<vmem>>, %arg11: memref<1024xf32, #tpu.memory_space<vmem>>, %arg12: memref<!tpu.dma_semaphore, #tpu.memory_space<semaphore_mem>>, %arg13: memref<!tpu.dma_semaphore, #tpu.memory_space<semaphore_mem>>, %arg14: memref<!tpu.dma_semaphore, #tpu.memory_space<semaphore_mem>>, %arg15: memref<!tpu.dma_semaphore, #tpu.memory_space<semaphore_mem>>) attributes {dimension_semantics = [#tpu.dimension_semantics<core_parallel>, #tpu.dimension_semantics<subcore_parallel>], iteration_bounds = array<i64: 2, 16>, scalar_prefetch = 0 : i64, scratch_operands = 10 : i64, tpu.core_type = #tpu.core_type<sc_vector_subcore>, window_params = [{transform_indices = #map}, {transform_indices = #map1}, {transform_indices = #map1}, {transform_indices = #map}]} {
    %mul3A = arith.constant 2 : i32
    %mul3A_0 = arith.muli %arg1, %mul3A : i32
    %add3A = arith.addi %mul3A_0, %arg0 : i32
    %add3A_1 = arith.constant 0 : i32
    %add3A_2 = arith.addi %add3A, %add3A_1 : i32
    %lt3A = arith.constant 100 : i32
    %lt3A_3 = arith.cmpi slt, %add3A_2, %lt3A : i32
    %convert_element_type3A = arith.extui %lt3A_3 : i1 to i32
    %cond3A = arith.constant 0 : i32
    %cond3A_4 = arith.cmpi ne, %convert_element_type3A, %cond3A : i32
    scf.if %cond3A_4 {
      %dma_start3A = arith.constant 0 : i32
      %dma_start3A_72 = tpu.memref_slice %arg2[%add3A_2, %dma_start3A] : memref<100x20000xf32, #tpu.memory_space<hbm>> -> memref<1x20000xf32, #tpu.memory_space<hbm>>
      %dma_start3A_73 = tpu.memref_squeeze %dma_start3A_72 : memref<1x20000xf32, #tpu.memory_space<hbm>> -> memref<20000xf32, #tpu.memory_space<hbm>>
      %dma_start3A_74 = arith.constant 0 : i32
      %dma_start3A_75 = tpu.memref_slice %arg2[%add3A_2, %dma_start3A_74] : memref<100x20000xf32, #tpu.memory_space<hbm>> -> memref<1x20000xf32, #tpu.memory_space<hbm>>
      %dma_start3A_76 = tpu.memref_squeeze %dma_start3A_75 : memref<1x20000xf32, #tpu.memory_space<hbm>> -> memref<20000xf32, #tpu.memory_space<hbm>>
      tpu.enqueue_dma source(%dma_start3A_76 : memref<20000xf32, #tpu.memory_space<hbm>>) target(%arg7 : memref<20000xf32, #tpu.memory_space<vmem>>) target_semaphore(%arg12 : memref<!tpu.dma_semaphore, #tpu.memory_space<semaphore_mem>>)
    } else {
    }
    %eq3A = arith.constant 100 : i32
    %eq3A_5 = arith.cmpi eq, %add3A_2, %eq3A : i32
    %convert_element_type3A_6 = arith.extui %eq3A_5 : i1 to i32
    %cond3A_7 = arith.constant 0 : i32
    %cond3A_8 = arith.cmpi ne, %convert_element_type3A_6, %cond3A_7 : i32
    scf.if %cond3A_8 {
      tpu.enqueue_dma source(%arg3 : memref<20000xf32, #tpu.memory_space<hbm>>) target(%arg7 : memref<20000xf32, #tpu.memory_space<vmem>>) target_semaphore(%arg12 : memref<!tpu.dma_semaphore, #tpu.memory_space<semaphore_mem>>)
    } else {
    }
    %add3A_9 = arith.constant 32 : i32
    %add3A_10 = arith.addi %add3A, %add3A_9 : i32
    %lt3A_11 = arith.constant 100 : i32
    %lt3A_12 = arith.cmpi slt, %add3A_10, %lt3A_11 : i32
    %convert_element_type3A_13 = arith.extui %lt3A_12 : i1 to i32
    %cond3A_14 = arith.constant 0 : i32
    %cond3A_15 = arith.cmpi ne, %convert_element_type3A_13, %cond3A_14 : i32
    scf.if %cond3A_15 {
      %dma_start3A = arith.constant 0 : i32
      %dma_start3A_72 = tpu.memref_slice %arg2[%add3A_10, %dma_start3A] : memref<100x20000xf32, #tpu.memory_space<hbm>> -> memref<1x20000xf32, #tpu.memory_space<hbm>>
      %dma_start3A_73 = tpu.memref_squeeze %dma_start3A_72 : memref<1x20000xf32, #tpu.memory_space<hbm>> -> memref<20000xf32, #tpu.memory_space<hbm>>
      %dma_start3A_74 = arith.constant 0 : i32
      %dma_start3A_75 = tpu.memref_slice %arg2[%add3A_10, %dma_start3A_74] : memref<100x20000xf32, #tpu.memory_space<hbm>> -> memref<1x20000xf32, #tpu.memory_space<hbm>>
      %dma_start3A_76 = tpu.memref_squeeze %dma_start3A_75 : memref<1x20000xf32, #tpu.memory_space<hbm>> -> memref<20000xf32, #tpu.memory_space<hbm>>
      tpu.enqueue_dma source(%dma_start3A_76 : memref<20000xf32, #tpu.memory_space<hbm>>) target(%arg8 : memref<20000xf32, #tpu.memory_space<vmem>>) target_semaphore(%arg13 : memref<!tpu.dma_semaphore, #tpu.memory_space<semaphore_mem>>)
    } else {
    }
    %eq3A_16 = arith.constant 100 : i32
    %eq3A_17 = arith.cmpi eq, %add3A_10, %eq3A_16 : i32
    %convert_element_type3A_18 = arith.extui %eq3A_17 : i1 to i32
    %cond3A_19 = arith.constant 0 : i32
    %cond3A_20 = arith.cmpi ne, %convert_element_type3A_18, %cond3A_19 : i32
    scf.if %cond3A_20 {
      tpu.enqueue_dma source(%arg3 : memref<20000xf32, #tpu.memory_space<hbm>>) target(%arg8 : memref<20000xf32, #tpu.memory_space<vmem>>) target_semaphore(%arg13 : memref<!tpu.dma_semaphore, #tpu.memory_space<semaphore_mem>>)
    } else {
    }
    %add3A_21 = arith.constant 64 : i32
    %add3A_22 = arith.addi %add3A, %add3A_21 : i32
    %lt3A_23 = arith.constant 100 : i32
    %lt3A_24 = arith.cmpi slt, %add3A_22, %lt3A_23 : i32
    %convert_element_type3A_25 = arith.extui %lt3A_24 : i1 to i32
    %cond3A_26 = arith.constant 0 : i32
    %cond3A_27 = arith.cmpi ne, %convert_element_type3A_25, %cond3A_26 : i32
    scf.if %cond3A_27 {
      %dma_start3A = arith.constant 0 : i32
      %dma_start3A_72 = tpu.memref_slice %arg2[%add3A_22, %dma_start3A] : memref<100x20000xf32, #tpu.memory_space<hbm>> -> memref<1x20000xf32, #tpu.memory_space<hbm>>
      %dma_start3A_73 = tpu.memref_squeeze %dma_start3A_72 : memref<1x20000xf32, #tpu.memory_space<hbm>> -> memref<20000xf32, #tpu.memory_space<hbm>>
      %dma_start3A_74 = arith.constant 0 : i32
      %dma_start3A_75 = tpu.memref_slice %arg2[%add3A_22, %dma_start3A_74] : memref<100x20000xf32, #tpu.memory_space<hbm>> -> memref<1x20000xf32, #tpu.memory_space<hbm>>
      %dma_start3A_76 = tpu.memref_squeeze %dma_start3A_75 : memref<1x20000xf32, #tpu.memory_space<hbm>> -> memref<20000xf32, #tpu.memory_space<hbm>>
      tpu.enqueue_dma source(%dma_start3A_76 : memref<20000xf32, #tpu.memory_space<hbm>>) target(%arg9 : memref<20000xf32, #tpu.memory_space<vmem>>) target_semaphore(%arg14 : memref<!tpu.dma_semaphore, #tpu.memory_space<semaphore_mem>>)
    } else {
    }
    %eq3A_28 = arith.constant 100 : i32
    %eq3A_29 = arith.cmpi eq, %add3A_22, %eq3A_28 : i32
    %convert_element_type3A_30 = arith.extui %eq3A_29 : i1 to i32
    %cond3A_31 = arith.constant 0 : i32
    %cond3A_32 = arith.cmpi ne, %convert_element_type3A_30, %cond3A_31 : i32
    scf.if %cond3A_32 {
      tpu.enqueue_dma source(%arg3 : memref<20000xf32, #tpu.memory_space<hbm>>) target(%arg9 : memref<20000xf32, #tpu.memory_space<vmem>>) target_semaphore(%arg14 : memref<!tpu.dma_semaphore, #tpu.memory_space<semaphore_mem>>)
    } else {
    }
    %add3A_33 = arith.constant 96 : i32
    %add3A_34 = arith.addi %add3A, %add3A_33 : i32
    %lt3A_35 = arith.constant 100 : i32
    %lt3A_36 = arith.cmpi slt, %add3A_34, %lt3A_35 : i32
    %convert_element_type3A_37 = arith.extui %lt3A_36 : i1 to i32
    %cond3A_38 = arith.constant 0 : i32
    %cond3A_39 = arith.cmpi ne, %convert_element_type3A_37, %cond3A_38 : i32
    scf.if %cond3A_39 {
      %dma_start3A = arith.constant 0 : i32
      %dma_start3A_72 = tpu.memref_slice %arg2[%add3A_34, %dma_start3A] : memref<100x20000xf32, #tpu.memory_space<hbm>> -> memref<1x20000xf32, #tpu.memory_space<hbm>>
      %dma_start3A_73 = tpu.memref_squeeze %dma_start3A_72 : memref<1x20000xf32, #tpu.memory_space<hbm>> -> memref<20000xf32, #tpu.memory_space<hbm>>
      %dma_start3A_74 = arith.constant 0 : i32
      %dma_start3A_75 = tpu.memref_slice %arg2[%add3A_34, %dma_start3A_74] : memref<100x20000xf32, #tpu.memory_space<hbm>> -> memref<1x20000xf32, #tpu.memory_space<hbm>>
      %dma_start3A_76 = tpu.memref_squeeze %dma_start3A_75 : memref<1x20000xf32, #tpu.memory_space<hbm>> -> memref<20000xf32, #tpu.memory_space<hbm>>
      tpu.enqueue_dma source(%dma_start3A_76 : memref<20000xf32, #tpu.memory_space<hbm>>) target(%arg10 : memref<20000xf32, #tpu.memory_space<vmem>>) target_semaphore(%arg15 : memref<!tpu.dma_semaphore, #tpu.memory_space<semaphore_mem>>)
    } else {
    }
    %eq3A_40 = arith.constant 100 : i32
    %eq3A_41 = arith.cmpi eq, %add3A_34, %eq3A_40 : i32
    %convert_element_type3A_42 = arith.extui %eq3A_41 : i1 to i32
    %cond3A_43 = arith.constant 0 : i32
    %cond3A_44 = arith.cmpi ne, %convert_element_type3A_42, %cond3A_43 : i32
    scf.if %cond3A_44 {
      tpu.enqueue_dma source(%arg3 : memref<20000xf32, #tpu.memory_space<hbm>>) target(%arg10 : memref<20000xf32, #tpu.memory_space<vmem>>) target_semaphore(%arg15 : memref<!tpu.dma_semaphore, #tpu.memory_space<semaphore_mem>>)
    } else {
    }
    "tpu.region"() ({
      %run_scoped3A = tpu.sem_alloc : memref<!tpu.dma_semaphore, #tpu.memory_space<semaphore_mem>>
      tpu.enqueue_dma source(%arg4 : memref<1024xi32, #tpu.memory_space<hbm>>) target(%arg6 : memref<1024xi32, #tpu.memory_space<vmem>>) target_semaphore(%run_scoped3A : memref<!tpu.dma_semaphore, #tpu.memory_space<semaphore_mem>>)
      tpu.wait_dma2 semaphore(%run_scoped3A : memref<!tpu.dma_semaphore, #tpu.memory_space<semaphore_mem>>) src(%arg4 : memref<1024xi32, #tpu.memory_space<hbm>>) dst(%arg6 : memref<1024xi32, #tpu.memory_space<vmem>>)
      tpu.yield
    }) : () -> ()
    %add3A_45 = arith.constant 0 : i32
    %add3A_46 = arith.addi %add3A, %add3A_45 : i32
    %le3A = arith.constant 100 : i32
    %le3A_47 = arith.cmpi sle, %add3A_46, %le3A : i32
    %convert_element_type3A_48 = arith.extui %le3A_47 : i1 to i32
    %cond3A_49 = arith.constant 0 : i32
    %cond3A_50 = arith.cmpi ne, %convert_element_type3A_48, %cond3A_49 : i32
    scf.if %cond3A_50 {
      %dma_wait3A = arith.constant 0 : i32
      %dma_wait3A_72 = tpu.memref_slice %arg2[%add3A_46, %dma_wait3A] : memref<100x20000xf32, #tpu.memory_space<hbm>> -> memref<1x20000xf32, #tpu.memory_space<hbm>>
      %dma_wait3A_73 = tpu.memref_squeeze %dma_wait3A_72 : memref<1x20000xf32, #tpu.memory_space<hbm>> -> memref<20000xf32, #tpu.memory_space<hbm>>
      %dma_wait3A_74 = arith.constant 0 : i32
      %dma_wait3A_75 = tpu.memref_slice %arg2[%add3A_46, %dma_wait3A_74] : memref<100x20000xf32, #tpu.memory_space<hbm>> -> memref<1x20000xf32, #tpu.memory_space<hbm>>
      %dma_wait3A_76 = tpu.memref_squeeze %dma_wait3A_75 : memref<1x20000xf32, #tpu.memory_space<hbm>> -> memref<20000xf32, #tpu.memory_space<hbm>>
      tpu.wait_dma2 semaphore(%arg12 : memref<!tpu.dma_semaphore, #tpu.memory_space<semaphore_mem>>) src(%dma_wait3A_76 : memref<20000xf32, #tpu.memory_space<hbm>>) dst(%arg7 : memref<20000xf32, #tpu.memory_space<vmem>>)
      %get3A = arith.constant 0 : index
      %get3A_77 = tpu.vector_load %arg6[%get3A] {strides = array<i32>} : memref<1024xi32, #tpu.memory_space<vmem>>, vector<16xi32>,
      %gather3A = tpu.vector_load_idx %arg7[%get3A_77] : memref<20000xf32, #tpu.memory_space<vmem>>[vector<16xi32>], vector<16xf32>,
      %swap3A = arith.constant 0 : index
      %swap3A_78 = tpu.vector_load %arg11[%swap3A] {strides = array<i32>} : memref<1024xf32, #tpu.memory_space<vmem>>, vector<16xf32>,
      tpu.vector_store %arg11[%swap3A], %gather3A {strides = array<i32>} : memref<1024xf32, #tpu.memory_space<vmem>>, vector<16xf32>,
      %get3A_79 = arith.constant 16 : index
      %get3A_80 = tpu.vector_load %arg6[%get3A_79] {strides = array<i32>} : memref<1024xi32, #tpu.memory_space<vmem>>, vector<16xi32>,
      %gather3A_81 = tpu.vector_load_idx %arg7[%get3A_80] : memref<20000xf32, #tpu.memory_space<vmem>>[vector<16xi32>], vector<16xf32>,
      %swap3A_82 = arith.constant 16 : index
      %swap3A_83 = tpu.vector_load %arg11[%swap3A_82] {strides = array<i32>} : memref<1024xf32, #tpu.memory_space<vmem>>, vector<16xf32>,
      tpu.vector_store %arg11[%swap3A_82], %gather3A_81 {strides = array<i32>} : memref<1024xf32, #tpu.memory_space<vmem>>, vector<16xf32>,
      %get3A_84 = arith.constant 32 : index
      %get3A_85 = tpu.vector_load %arg6[%get3A_84] {strides = array<i32>} : memref<1024xi32, #tpu.memory_space<vmem>>, vector<16xi32>,
      %gather3A_86 = tpu.vector_load_idx %arg7[%get3A_85] : memref<20000xf32, #tpu.memory_space<vmem>>[vector<16xi32>], vector<16xf32>,
      %swap3A_87 = arith.constant 32 : index
      %swap3A_88 = tpu.vector_load %arg11[%swap3A_87] {strides = array<i32>} : memref<1024xf32, #tpu.memory_space<vmem>>, vector<16xf32>,
      tpu.vector_store %arg11[%swap3A_87], %gather3A_86 {strides = array<i32>} : memref<1024xf32, #tpu.memory_space<vmem>>, vector<16xf32>,
      %get3A_89 = arith.constant 48 : index
      %get3A_90 = tpu.vector_load %arg6[%get3A_89] {strides = array<i32>} : memref<1024xi32, #tpu.memory_space<vmem>>, vector<16xi32>,
      %gather3A_91 = tpu.vector_load_idx %arg7[%get3A_90] : memref<20000xf32, #tpu.memory_space<vmem>>[vector<16xi32>], vector<16xf32>,
      %swap3A_92 = arith.constant 48 : index
      %swap3A_93 = tpu.vector_load %arg11[%swap3A_92] {strides = array<i32>} : memref<1024xf32, #tpu.memory_space<vmem>>, vector<16xf32>,
      tpu.vector_store %arg11[%swap3A_92], %gather3A_91 {strides = array<i32>} : memref<1024xf32, #tpu.memory_space<vmem>>, vector<16xf32>,
      %get3A_94 = arith.constant 64 : index
      %get3A_95 = tpu.vector_load %arg6[%get3A_94] {strides = array<i32>} : memref<1024xi32, #tpu.memory_space<vmem>>, vector<16xi32>,
      %gather3A_96 = tpu.vector_load_idx %arg7[%get3A_95] : memref<20000xf32, #tpu.memory_space<vmem>>[vector<16xi32>], vector<16xf32>,
      %swap3A_97 = arith.constant 64 : index
      %swap3A_98 = tpu.vector_load %arg11[%swap3A_97] {strides = array<i32>} : memref<1024xf32, #tpu.memory_space<vmem>>, vector<16xf32>,
      tpu.vector_store %arg11[%swap3A_97], %gather3A_96 {strides = array<i32>} : memref<1024xf32, #tpu.memory_space<vmem>>, vector<16xf32>,
      %get3A_99 = arith.constant 80 : index
      %get3A_100 = tpu.vector_load %arg6[%get3A_99] {strides = array<i32>} : memref<1024xi32, #tpu.memory_space<vmem>>, vector<16xi32>,
      %gather3A_101 = tpu.vector_load_idx %arg7[%get3A_100] : memref<20000xf32, #tpu.memory_space<vmem>>[vector<16xi32>], vector<16xf32>,
      %swap3A_102 = arith.constant 80 : index
      %swap3A_103 = tpu.vector_load %arg11[%swap3A_102] {strides = array<i32>} : memref<1024xf32, #tpu.memory_space<vmem>>, vector<16xf32>,
      tpu.vector_store %arg11[%swap3A_102], %gather3A_101 {strides = array<i32>} : memref<1024xf32, #tpu.memory_space<vmem>>, vector<16xf32>,
      %get3A_104 = arith.constant 96 : index
      %get3A_105 = tpu.vector_load %arg6[%get3A_104] {strides = array<i32>} : memref<1024xi32, #tpu.memory_space<vmem>>, vector<16xi32>,
      %gather3A_106 = tpu.vector_load_idx %arg7[%get3A_105] : memref<20000xf32, #tpu.memory_space<vmem>>[vector<16xi32>], vector<16xf32>,
      %swap3A_107 = arith.constant 96 : index
      %swap3A_108 = tpu.vector_load %arg11[%swap3A_107] {strides = array<i32>} : memref<1024xf32, #tpu.memory_space<vmem>>, vector<16xf32>,
      tpu.vector_store %arg11[%swap3A_107], %gather3A_106 {strides = array<i32>} : memref<1024xf32, #tpu.memory_space<vmem>>, vector<16xf32>,
      %get3A_109 = arith.constant 112 : index
      %get3A_110 = tpu.vector_load %arg6[%get3A_109] {strides = array<i32>} : memref<1024xi32, #tpu.memory_space<vmem>>, vector<16xi32>,
      %gather3A_111 = tpu.vector_load_idx %arg7[%get3A_110] : memref<20000xf32, #tpu.memory_space<vmem>>[vector<16xi32>], vector<16xf32>,
      %swap3A_112 = arith.constant 112 : index
      %swap3A_113 = tpu.vector_load %arg11[%swap3A_112] {strides = array<i32>} : memref<1024xf32, #tpu.memory_space<vmem>>, vector<16xf32>,
      tpu.vector_store %arg11[%swap3A_112], %gather3A_111 {strides = array<i32>} : memref<1024xf32, #tpu.memory_space<vmem>>, vector<16xf32>,
      %get3A_114 = arith.constant 128 : index
      %get3A_115 = tpu.vector_load %arg6[%get3A_114] {strides = array<i32>} : memref<1024xi32, #tpu.memory_space<vmem>>, vector<16xi32>,
      %gather3A_116 = tpu.vector_load_idx %arg7[%get3A_115] : memref<20000xf32, #tpu.memory_space<vmem>>[vector<16xi32>], vector<16xf32>,
      %swap3A_117 = arith.constant 128 : index
      %swap3A_118 = tpu.vector_load %arg11[%swap3A_117] {strides = array<i32>} : memref<1024xf32, #tpu.memory_space<vmem>>, vector<16xf32>,
      tpu.vector_store %arg11[%swap3A_117], %gather3A_116 {strides = array<i32>} : memref<1024xf32, #tpu.memory_space<vmem>>, vector<16xf32>,
      %get3A_119 = arith.constant 144 : index
      %get3A_120 = tpu.vector_load %arg6[%get3A_119] {strides = array<i32>} : memref<1024xi32, #tpu.memory_space<vmem>>, vector<16xi32>,
      %gather3A_121 = tpu.vector_load_idx %arg7[%get3A_120] : memref<20000xf32, #tpu.memory_space<vmem>>[vector<16xi32>], vector<16xf32>,
      %swap3A_122 = arith.constant 144 : index
      %swap3A_123 = tpu.vector_load %arg11[%swap3A_122] {strides = array<i32>} : memref<1024xf32, #tpu.memory_space<vmem>>, vector<16xf32>,
      tpu.vector_store %arg11[%swap3A_122], %gather3A_121 {strides = array<i32>} : memref<1024xf32, #tpu.memory_space<vmem>>, vector<16xf32>,
      %get3A_124 = arith.constant 160 : index
      %get3A_125 = tpu.vector_load %arg6[%get3A_124] {strides = array<i32>} : memref<1024xi32, #tpu.memory_space<vmem>>, vector<16xi32>,
      %gather3A_126 = tpu.vector_load_idx %arg7[%get3A_125] : memref<20000xf32, #tpu.memory_space<vmem>>[vector<16xi32>], vector<16xf32>,
      %swap3A_127 = arith.constant 160 : index
      %swap3A_128 = tpu.vector_load %arg11[%swap3A_127] {strides = array<i32>} : memref<1024xf32, #tpu.memory_space<vmem>>, vector<16xf32>,
      tpu.vector_store %arg11[%swap3A_127], %gather3A_126 {strides = array<i32>} : memref<1024xf32, #tpu.memory_space<vmem>>, vector<16xf32>,
      %get3A_129 = arith.constant 176 : index
      %get3A_130 = tpu.vector_load %arg6[%get3A_129] {strides = array<i32>} : memref<1024xi32, #tpu.memory_space<vmem>>, vector<16xi32>,
      %gather3A_131 = tpu.vector_load_idx %arg7[%get3A_130] : memref<20000xf32, #tpu.memory_space<vmem>>[vector<16xi32>], vector<16xf32>,
      %swap3A_132 = arith.constant 176 : index
      %swap3A_133 = tpu.vector_load %arg11[%swap3A_132] {strides = array<i32>} : memref<1024xf32, #tpu.memory_space<vmem>>, vector<16xf32>,
      tpu.vector_store %arg11[%swap3A_132], %gather3A_131 {strides = array<i32>} : memref<1024xf32, #tpu.memory_space<vmem>>, vector<16xf32>,
      %get3A_134 = arith.constant 192 : index
      %get3A_135 = tpu.vector_load %arg6[%get3A_134] {strides = array<i32>} : memref<1024xi32, #tpu.memory_space<vmem>>, vector<16xi32>,
      %gather3A_136 = tpu.vector_load_idx %arg7[%get3A_135] : memref<20000xf32, #tpu.memory_space<vmem>>[vector<16xi32>], vector<16xf32>,
      %swap3A_137 = arith.constant 192 : index
      %swap3A_138 = tpu.vector_load %arg11[%swap3A_137] {strides = array<i32>} : memref<1024xf32, #tpu.memory_space<vmem>>, vector<16xf32>,
      tpu.vector_store %arg11[%swap3A_137], %gather3A_136 {strides = array<i32>} : memref<1024xf32, #tpu.memory_space<vmem>>, vector<16xf32>,
      %get3A_139 = arith.constant 208 : index
      %get3A_140 = tpu.vector_load %arg6[%get3A_139] {strides = array<i32>} : memref<1024xi32, #tpu.memory_space<vmem>>, vector<16xi32>,
      %gather3A_141 = tpu.vector_load_idx %arg7[%get3A_140] : memref<20000xf32, #tpu.memory_space<vmem>>[vector<16xi32>], vector<16xf32>,
      %swap3A_142 = arith.constant 208 : index
      %swap3A_143 = tpu.vector_load %arg11[%swap3A_142] {strides = array<i32>} : memref<1024xf32, #tpu.memory_space<vmem>>, vector<16xf32>,
      tpu.vector_store %arg11[%swap3A_142], %gather3A_141 {strides = array<i32>} : memref<1024xf32, #tpu.memory_space<vmem>>, vector<16xf32>,
      %get3A_144 = arith.constant 224 : index
      %get3A_145 = tpu.vector_load %arg6[%get3A_144] {strides = array<i32>} : memref<1024xi32, #tpu.memory_space<vmem>>, vector<16xi32>,
      %gather3A_146 = tpu.vector_load_idx %arg7[%get3A_145] : memref<20000xf32, #tpu.memory_space<vmem>>[vector<16xi32>], vector<16xf32>,
      %swap3A_147 = arith.constant 224 : index
      %swap3A_148 = tpu.vector_load %arg11[%swap3A_147] {strides = array<i32>} : memref<1024xf32, #tpu.memory_space<vmem>>, vector<16xf32>,
      tpu.vector_store %arg11[%swap3A_147], %gather3A_146 {strides = array<i32>} : memref<1024xf32, #tpu.memory_space<vmem>>, vector<16xf32>,
      %get3A_149 = arith.constant 240 : index
      %get3A_150 = tpu.vector_load %arg6[%get3A_149] {strides = array<i32>} : memref<1024xi32, #tpu.memory_space<vmem>>, vector<16xi32>,
      %gather3A_151 = tpu.vector_load_idx %arg7[%get3A_150] : memref<20000xf32, #tpu.memory_space<vmem>>[vector<16xi32>], vector<16xf32>,
      %swap3A_152 = arith.constant 240 : index
      %swap3A_153 = tpu.vector_load %arg11[%swap3A_152] {strides = array<i32>} : memref<1024xf32, #tpu.memory_space<vmem>>, vector<16xf32>,
      tpu.vector_store %arg11[%swap3A_152], %gather3A_151 {strides = array<i32>} : memref<1024xf32, #tpu.memory_space<vmem>>, vector<16xf32>,
      %get3A_154 = arith.constant 256 : index
      %get3A_155 = tpu.vector_load %arg6[%get3A_154] {strides = array<i32>} : memref<1024xi32, #tpu.memory_space<vmem>>, vector<16xi32>,
      %gather3A_156 = tpu.vector_load_idx %arg7[%get3A_155] : memref<20000xf32, #tpu.memory_space<vmem>>[vector<16xi32>], vector<16xf32>,
      %swap3A_157 = arith.constant 256 : index
      %swap3A_158 = tpu.vector_load %arg11[%swap3A_157] {strides = array<i32>} : memref<1024xf32, #tpu.memory_space<vmem>>, vector<16xf32>,
      tpu.vector_store %arg11[%swap3A_157], %gather3A_156 {strides = array<i32>} : memref<1024xf32, #tpu.memory_space<vmem>>, vector<16xf32>,
      %get3A_159 = arith.constant 272 : index
      %get3A_160 = tpu.vector_load %arg6[%get3A_159] {strides = array<i32>} : memref<1024xi32, #tpu.memory_space<vmem>>, vector<16xi32>,
      %gather3A_161 = tpu.vector_load_idx %arg7[%get3A_160] : memref<20000xf32, #tpu.memory_space<vmem>>[vector<16xi32>], vector<16xf32>,
      %swap3A_162 = arith.constant 272 : index
      %swap3A_163 = tpu.vector_load %arg11[%swap3A_162] {strides = array<i32>} : memref<1024xf32, #tpu.memory_space<vmem>>, vector<16xf32>,
      tpu.vector_store %arg11[%swap3A_162], %gather3A_161 {strides = array<i32>} : memref<1024xf32, #tpu.memory_space<vmem>>, vector<16xf32>,
      %get3A_164 = arith.constant 288 : index
      %get3A_165 = tpu.vector_load %arg6[%get3A_164] {strides = array<i32>} : memref<1024xi32, #tpu.memory_space<vmem>>, vector<16xi32>,
      %gather3A_166 = tpu.vector_load_idx %arg7[%get3A_165] : memref<20000xf32, #tpu.memory_space<vmem>>[vector<16xi32>], vector<16xf32>,
      %swap3A_167 = arith.constant 288 : index
      %swap3A_168 = tpu.vector_load %arg11[%swap3A_167] {strides = array<i32>} : memref<1024xf32, #tpu.memory_space<vmem>>, vector<16xf32>,
      tpu.vector_store %arg11[%swap3A_167], %gather3A_166 {strides = array<i32>} : memref<1024xf32, #tpu.memory_space<vmem>>, vector<16xf32>,
      %get3A_169 = arith.constant 304 : index
      %get3A_170 = tpu.vector_load %arg6[%get3A_169] {strides = array<i32>} : memref<1024xi32, #tpu.memory_space<vmem>>, vector<16xi32>,
      %gather3A_171 = tpu.vector_load_idx %arg7[%get3A_170] : memref<20000xf32, #tpu.memory_space<vmem>>[vector<16xi32>], vector<16xf32>,
      %swap3A_172 = arith.constant 304 : index
      %swap3A_173 = tpu.vector_load %arg11[%swap3A_172] {strides = array<i32>} : memref<1024xf32, #tpu.memory_space<vmem>>, vector<16xf32>,
      tpu.vector_store %arg11[%swap3A_172], %gather3A_171 {strides = array<i32>} : memref<1024xf32, #tpu.memory_space<vmem>>, vector<16xf32>,
      %get3A_174 = arith.constant 320 : index
      %get3A_175 = tpu.vector_load %arg6[%get3A_174] {strides = array<i32>} : memref<1024xi32, #tpu.memory_space<vmem>>, vector<16xi32>,
      %gather3A_176 = tpu.vector_load_idx %arg7[%get3A_175] : memref<20000xf32, #tpu.memory_space<vmem>>[vector<16xi32>], vector<16xf32>,
      %swap3A_177 = arith.constant 320 : index
      %swap3A_178 = tpu.vector_load %arg11[%swap3A_177] {strides = array<i32>} : memref<1024xf32, #tpu.memory_space<vmem>>, vector<16xf32>,
      tpu.vector_store %arg11[%swap3A_177], %gather3A_176 {strides = array<i32>} : memref<1024xf32, #tpu.memory_space<vmem>>, vector<16xf32>,
      %get3A_179 = arith.constant 336 : index
      %get3A_180 = tpu.vector_load %arg6[%get3A_179] {strides = array<i32>} : memref<1024xi32, #tpu.memory_space<vmem>>, vector<16xi32>,
      %gather3A_181 = tpu.vector_load_idx %arg7[%get3A_180] : memref<20000xf32, #tpu.memory_space<vmem>>[vector<16xi32>], vector<16xf32>,
      %swap3A_182 = arith.constant 336 : index
      %swap3A_183 = tpu.vector_load %arg11[%swap3A_182] {strides = array<i32>} : memref<1024xf32, #tpu.memory_space<vmem>>, vector<16xf32>,
      tpu.vector_store %arg11[%swap3A_182], %gather3A_181 {strides = array<i32>} : memref<1024xf32, #tpu.memory_space<vmem>>, vector<16xf32>,
      %get3A_184 = arith.constant 352 : index
      %get3A_185 = tpu.vector_load %arg6[%get3A_184] {strides = array<i32>} : memref<1024xi32, #tpu.memory_space<vmem>>, vector<16xi32>,
      %gather3A_186 = tpu.vector_load_idx %arg7[%get3A_185] : memref<20000xf32, #tpu.memory_space<vmem>>[vector<16xi32>], vector<16xf32>,
      %swap3A_187 = arith.constant 352 : index
      %swap3A_188 = tpu.vector_load %arg11[%swap3A_187] {strides = array<i32>} : memref<1024xf32, #tpu.memory_space<vmem>>, vector<16xf32>,
      tpu.vector_store %arg11[%swap3A_187], %gather3A_186 {strides = array<i32>} : memref<1024xf32, #tpu.memory_space<vmem>>, vector<16xf32>,
      %get3A_189 = arith.constant 368 : index
      %get3A_190 = tpu.vector_load %arg6[%get3A_189] {strides = array<i32>} : memref<1024xi32, #tpu.memory_space<vmem>>, vector<16xi32>,
      %gather3A_191 = tpu.vector_load_idx %arg7[%get3A_190] : memref<20000xf32, #tpu.memory_space<vmem>>[vector<16xi32>], vector<16xf32>,
      %swap3A_192 = arith.constant 368 : index
      %swap3A_193 = tpu.vector_load %arg11[%swap3A_192] {strides = array<i32>} : memref<1024xf32, #tpu.memory_space<vmem>>, vector<16xf32>,
      tpu.vector_store %arg11[%swap3A_192], %gather3A_191 {strides = array<i32>} : memref<1024xf32, #tpu.memory_space<vmem>>, vector<16xf32>,
      %get3A_194 = arith.constant 384 : index
      %get3A_195 = tpu.vector_load %arg6[%get3A_194] {strides = array<i32>} : memref<1024xi32, #tpu.memory_space<vmem>>, vector<16xi32>,
      %gather3A_196 = tpu.vector_load_idx %arg7[%get3A_195] : memref<20000xf32, #tpu.memory_space<vmem>>[vector<16xi32>], vector<16xf32>,
      %swap3A_197 = arith.constant 384 : index
      %swap3A_198 = tpu.vector_load %arg11[%swap3A_197] {strides = array<i32>} : memref<1024xf32, #tpu.memory_space<vmem>>, vector<16xf32>,
      tpu.vector_store %arg11[%swap3A_197], %gather3A_196 {strides = array<i32>} : memref<1024xf32, #tpu.memory_space<vmem>>, vector<16xf32>,
      %get3A_199 = arith.constant 400 : index
      %get3A_200 = tpu.vector_load %arg6[%get3A_199] {strides = array<i32>} : memref<1024xi32, #tpu.memory_space<vmem>>, vector<16xi32>,
      %gather3A_201 = tpu.vector_load_idx %arg7[%get3A_200] : memref<20000xf32, #tpu.memory_space<vmem>>[vector<16xi32>], vector<16xf32>,
      %swap3A_202 = arith.constant 400 : index
      %swap3A_203 = tpu.vector_load %arg11[%swap3A_202] {strides = array<i32>} : memref<1024xf32, #tpu.memory_space<vmem>>, vector<16xf32>,
      tpu.vector_store %arg11[%swap3A_202], %gather3A_201 {strides = array<i32>} : memref<1024xf32, #tpu.memory_space<vmem>>, vector<16xf32>,
      %get3A_204 = arith.constant 416 : index
      %get3A_205 = tpu.vector_load %arg6[%get3A_204] {strides = array<i32>} : memref<1024xi32, #tpu.memory_space<vmem>>, vector<16xi32>,
      %gather3A_206 = tpu.vector_load_idx %arg7[%get3A_205] : memref<20000xf32, #tpu.memory_space<vmem>>[vector<16xi32>], vector<16xf32>,
      %swap3A_207 = arith.constant 416 : index
      %swap3A_208 = tpu.vector_load %arg11[%swap3A_207] {strides = array<i32>} : memref<1024xf32, #tpu.memory_space<vmem>>, vector<16xf32>,
      tpu.vector_store %arg11[%swap3A_207], %gather3A_206 {strides = array<i32>} : memref<1024xf32, #tpu.memory_space<vmem>>, vector<16xf32>,
      %get3A_209 = arith.constant 432 : index
      %get3A_210 = tpu.vector_load %arg6[%get3A_209] {strides = array<i32>} : memref<1024xi32, #tpu.memory_space<vmem>>, vector<16xi32>,
      %gather3A_211 = tpu.vector_load_idx %arg7[%get3A_210] : memref<20000xf32, #tpu.memory_space<vmem>>[vector<16xi32>], vector<16xf32>,
      %swap3A_212 = arith.constant 432 : index
      %swap3A_213 = tpu.vector_load %arg11[%swap3A_212] {strides = array<i32>} : memref<1024xf32, #tpu.memory_space<vmem>>, vector<16xf32>,
      tpu.vector_store %arg11[%swap3A_212], %gather3A_211 {strides = array<i32>} : memref<1024xf32, #tpu.memory_space<vmem>>, vector<16xf32>,
      %get3A_214 = arith.constant 448 : index
      %get3A_215 = tpu.vector_load %arg6[%get3A_214] {strides = array<i32>} : memref<1024xi32, #tpu.memory_space<vmem>>, vector<16xi32>,
      %gather3A_216 = tpu.vector_load_idx %arg7[%get3A_215] : memref<20000xf32, #tpu.memory_space<vmem>>[vector<16xi32>], vector<16xf32>,
      %swap3A_217 = arith.constant 448 : index
      %swap3A_218 = tpu.vector_load %arg11[%swap3A_217] {strides = array<i32>} : memref<1024xf32, #tpu.memory_space<vmem>>, vector<16xf32>,
      tpu.vector_store %arg11[%swap3A_217], %gather3A_216 {strides = array<i32>} : memref<1024xf32, #tpu.memory_space<vmem>>, vector<16xf32>,
      %get3A_219 = arith.constant 464 : index
      %get3A_220 = tpu.vector_load %arg6[%get3A_219] {strides = array<i32>} : memref<1024xi32, #tpu.memory_space<vmem>>, vector<16xi32>,
      %gather3A_221 = tpu.vector_load_idx %arg7[%get3A_220] : memref<20000xf32, #tpu.memory_space<vmem>>[vector<16xi32>], vector<16xf32>,
      %swap3A_222 = arith.constant 464 : index
      %swap3A_223 = tpu.vector_load %arg11[%swap3A_222] {strides = array<i32>} : memref<1024xf32, #tpu.memory_space<vmem>>, vector<16xf32>,
      tpu.vector_store %arg11[%swap3A_222], %gather3A_221 {strides = array<i32>} : memref<1024xf32, #tpu.memory_space<vmem>>, vector<16xf32>,
      %get3A_224 = arith.constant 480 : index
      %get3A_225 = tpu.vector_load %arg6[%get3A_224] {strides = array<i32>} : memref<1024xi32, #tpu.memory_space<vmem>>, vector<16xi32>,
      %gather3A_226 = tpu.vector_load_idx %arg7[%get3A_225] : memref<20000xf32, #tpu.memory_space<vmem>>[vector<16xi32>], vector<16xf32>,
      %swap3A_227 = arith.constant 480 : index
      %swap3A_228 = tpu.vector_load %arg11[%swap3A_227] {strides = array<i32>} : memref<1024xf32, #tpu.memory_space<vmem>>, vector<16xf32>,
      tpu.vector_store %arg11[%swap3A_227], %gather3A_226 {strides = array<i32>} : memref<1024xf32, #tpu.memory_space<vmem>>, vector<16xf32>,
      %get3A_229 = arith.constant 496 : index
      %get3A_230 = tpu.vector_load %arg6[%get3A_229] {strides = array<i32>} : memref<1024xi32, #tpu.memory_space<vmem>>, vector<16xi32>,
      %gather3A_231 = tpu.vector_load_idx %arg7[%get3A_230] : memref<20000xf32, #tpu.memory_space<vmem>>[vector<16xi32>], vector<16xf32>,
      %swap3A_232 = arith.constant 496 : index
      %swap3A_233 = tpu.vector_load %arg11[%swap3A_232] {strides = array<i32>} : memref<1024xf32, #tpu.memory_space<vmem>>, vector<16xf32>,
      tpu.vector_store %arg11[%swap3A_232], %gather3A_231 {strides = array<i32>} : memref<1024xf32, #tpu.memory_space<vmem>>, vector<16xf32>,
      %get3A_234 = arith.constant 512 : index
      %get3A_235 = tpu.vector_load %arg6[%get3A_234] {strides = array<i32>} : memref<1024xi32, #tpu.memory_space<vmem>>, vector<16xi32>,
      %gather3A_236 = tpu.vector_load_idx %arg7[%get3A_235] : memref<20000xf32, #tpu.memory_space<vmem>>[vector<16xi32>], vector<16xf32>,
      %swap3A_237 = arith.constant 512 : index
      %swap3A_238 = tpu.vector_load %arg11[%swap3A_237] {strides = array<i32>} : memref<1024xf32, #tpu.memory_space<vmem>>, vector<16xf32>,
      tpu.vector_store %arg11[%swap3A_237], %gather3A_236 {strides = array<i32>} : memref<1024xf32, #tpu.memory_space<vmem>>, vector<16xf32>,
      %get3A_239 = arith.constant 528 : index
      %get3A_240 = tpu.vector_load %arg6[%get3A_239] {strides = array<i32>} : memref<1024xi32, #tpu.memory_space<vmem>>, vector<16xi32>,
      %gather3A_241 = tpu.vector_load_idx %arg7[%get3A_240] : memref<20000xf32, #tpu.memory_space<vmem>>[vector<16xi32>], vector<16xf32>,
      %swap3A_242 = arith.constant 528 : index
      %swap3A_243 = tpu.vector_load %arg11[%swap3A_242] {strides = array<i32>} : memref<1024xf32, #tpu.memory_space<vmem>>, vector<16xf32>,
      tpu.vector_store %arg11[%swap3A_242], %gather3A_241 {strides = array<i32>} : memref<1024xf32, #tpu.memory_space<vmem>>, vector<16xf32>,
      %get3A_244 = arith.constant 544 : index
      %get3A_245 = tpu.vector_load %arg6[%get3A_244] {strides = array<i32>} : memref<1024xi32, #tpu.memory_space<vmem>>, vector<16xi32>,
      %gather3A_246 = tpu.vector_load_idx %arg7[%get3A_245] : memref<20000xf32, #tpu.memory_space<vmem>>[vector<16xi32>], vector<16xf32>,
      %swap3A_247 = arith.constant 544 : index
      %swap3A_248 = tpu.vector_load %arg11[%swap3A_247] {strides = array<i32>} : memref<1024xf32, #tpu.memory_space<vmem>>, vector<16xf32>,
      tpu.vector_store %arg11[%swap3A_247], %gather3A_246 {strides = array<i32>} : memref<1024xf32, #tpu.memory_space<vmem>>, vector<16xf32>,
      %get3A_249 = arith.constant 560 : index
      %get3A_250 = tpu.vector_load %arg6[%get3A_249] {strides = array<i32>} : memref<1024xi32, #tpu.memory_space<vmem>>, vector<16xi32>,
      %gather3A_251 = tpu.vector_load_idx %arg7[%get3A_250] : memref<20000xf32, #tpu.memory_space<vmem>>[vector<16xi32>], vector<16xf32>,
      %swap3A_252 = arith.constant 560 : index
      %swap3A_253 = tpu.vector_load %arg11[%swap3A_252] {strides = array<i32>} : memref<1024xf32, #tpu.memory_space<vmem>>, vector<16xf32>,
      tpu.vector_store %arg11[%swap3A_252], %gather3A_251 {strides = array<i32>} : memref<1024xf32, #tpu.memory_space<vmem>>, vector<16xf32>,
      %get3A_254 = arith.constant 576 : index
      %get3A_255 = tpu.vector_load %arg6[%get3A_254] {strides = array<i32>} : memref<1024xi32, #tpu.memory_space<vmem>>, vector<16xi32>,
      %gather3A_256 = tpu.vector_load_idx %arg7[%get3A_255] : memref<20000xf32, #tpu.memory_space<vmem>>[vector<16xi32>], vector<16xf32>,
      %swap3A_257 = arith.constant 576 : index
      %swap3A_258 = tpu.vector_load %arg11[%swap3A_257] {strides = array<i32>} : memref<1024xf32, #tpu.memory_space<vmem>>, vector<16xf32>,
      tpu.vector_store %arg11[%swap3A_257], %gather3A_256 {strides = array<i32>} : memref<1024xf32, #tpu.memory_space<vmem>>, vector<16xf32>,
      %get3A_259 = arith.constant 592 : index
      %get3A_260 = tpu.vector_load %arg6[%get3A_259] {strides = array<i32>} : memref<1024xi32, #tpu.memory_space<vmem>>, vector<16xi32>,
      %gather3A_261 = tpu.vector_load_idx %arg7[%get3A_260] : memref<20000xf32, #tpu.memory_space<vmem>>[vector<16xi32>], vector<16xf32>,
      %swap3A_262 = arith.constant 592 : index
      %swap3A_263 = tpu.vector_load %arg11[%swap3A_262] {strides = array<i32>} : memref<1024xf32, #tpu.memory_space<vmem>>, vector<16xf32>,
      tpu.vector_store %arg11[%swap3A_262], %gather3A_261 {strides = array<i32>} : memref<1024xf32, #tpu.memory_space<vmem>>, vector<16xf32>,
      %get3A_264 = arith.constant 608 : index
      %get3A_265 = tpu.vector_load %arg6[%get3A_264] {strides = array<i32>} : memref<1024xi32, #tpu.memory_space<vmem>>, vector<16xi32>,
      %gather3A_266 = tpu.vector_load_idx %arg7[%get3A_265] : memref<20000xf32, #tpu.memory_space<vmem>>[vector<16xi32>], vector<16xf32>,
      %swap3A_267 = arith.constant 608 : index
      %swap3A_268 = tpu.vector_load %arg11[%swap3A_267] {strides = array<i32>} : memref<1024xf32, #tpu.memory_space<vmem>>, vector<16xf32>,
      tpu.vector_store %arg11[%swap3A_267], %gather3A_266 {strides = array<i32>} : memref<1024xf32, #tpu.memory_space<vmem>>, vector<16xf32>,
      %get3A_269 = arith.constant 624 : index
      %get3A_270 = tpu.vector_load %arg6[%get3A_269] {strides = array<i32>} : memref<1024xi32, #tpu.memory_space<vmem>>, vector<16xi32>,
      %gather3A_271 = tpu.vector_load_idx %arg7[%get3A_270] : memref<20000xf32, #tpu.memory_space<vmem>>[vector<16xi32>], vector<16xf32>,
      %swap3A_272 = arith.constant 624 : index
      %swap3A_273 = tpu.vector_load %arg11[%swap3A_272] {strides = array<i32>} : memref<1024xf32, #tpu.memory_space<vmem>>, vector<16xf32>,
      tpu.vector_store %arg11[%swap3A_272], %gather3A_271 {strides = array<i32>} : memref<1024xf32, #tpu.memory_space<vmem>>, vector<16xf32>,
      %get3A_274 = arith.constant 640 : index
      %get3A_275 = tpu.vector_load %arg6[%get3A_274] {strides = array<i32>} : memref<1024xi32, #tpu.memory_space<vmem>>, vector<16xi32>,
      %gather3A_276 = tpu.vector_load_idx %arg7[%get3A_275] : memref<20000xf32, #tpu.memory_space<vmem>>[vector<16xi32>], vector<16xf32>,
      %swap3A_277 = arith.constant 640 : index
      %swap3A_278 = tpu.vector_load %arg11[%swap3A_277] {strides = array<i32>} : memref<1024xf32, #tpu.memory_space<vmem>>, vector<16xf32>,
      tpu.vector_store %arg11[%swap3A_277], %gather3A_276 {strides = array<i32>} : memref<1024xf32, #tpu.memory_space<vmem>>, vector<16xf32>,
      %get3A_279 = arith.constant 656 : index
      %get3A_280 = tpu.vector_load %arg6[%get3A_279] {strides = array<i32>} : memref<1024xi32, #tpu.memory_space<vmem>>, vector<16xi32>,
      %gather3A_281 = tpu.vector_load_idx %arg7[%get3A_280] : memref<20000xf32, #tpu.memory_space<vmem>>[vector<16xi32>], vector<16xf32>,
      %swap3A_282 = arith.constant 656 : index
      %swap3A_283 = tpu.vector_load %arg11[%swap3A_282] {strides = array<i32>} : memref<1024xf32, #tpu.memory_space<vmem>>, vector<16xf32>,
      tpu.vector_store %arg11[%swap3A_282], %gather3A_281 {strides = array<i32>} : memref<1024xf32, #tpu.memory_space<vmem>>, vector<16xf32>,
      %get3A_284 = arith.constant 672 : index
      %get3A_285 = tpu.vector_load %arg6[%get3A_284] {strides = array<i32>} : memref<1024xi32, #tpu.memory_space<vmem>>, vector<16xi32>,
      %gather3A_286 = tpu.vector_load_idx %arg7[%get3A_285] : memref<20000xf32, #tpu.memory_space<vmem>>[vector<16xi32>], vector<16xf32>,
      %swap3A_287 = arith.constant 672 : index
      %swap3A_288 = tpu.vector_load %arg11[%swap3A_287] {strides = array<i32>} : memref<1024xf32, #tpu.memory_space<vmem>>, vector<16xf32>,
      tpu.vector_store %arg11[%swap3A_287], %gather3A_286 {strides = array<i32>} : memref<1024xf32, #tpu.memory_space<vmem>>, vector<16xf32>,
      %get3A_289 = arith.constant 688 : index
      %get3A_290 = tpu.vector_load %arg6[%get3A_289] {strides = array<i32>} : memref<1024xi32, #tpu.memory_space<vmem>>, vector<16xi32>,
      %gather3A_291 = tpu.vector_load_idx %arg7[%get3A_290] : memref<20000xf32, #tpu.memory_space<vmem>>[vector<16xi32>], vector<16xf32>,
      %swap3A_292 = arith.constant 688 : index
      %swap3A_293 = tpu.vector_load %arg11[%swap3A_292] {strides = array<i32>} : memref<1024xf32, #tpu.memory_space<vmem>>, vector<16xf32>,
      tpu.vector_store %arg11[%swap3A_292], %gather3A_291 {strides = array<i32>} : memref<1024xf32, #tpu.memory_space<vmem>>, vector<16xf32>,
      %get3A_294 = arith.constant 704 : index
      %get3A_295 = tpu.vector_load %arg6[%get3A_294] {strides = array<i32>} : memref<1024xi32, #tpu.memory_space<vmem>>, vector<16xi32>,
      %gather3A_296 = tpu.vector_load_idx %arg7[%get3A_295] : memref<20000xf32, #tpu.memory_space<vmem>>[vector<16xi32>], vector<16xf32>,
      %swap3A_297 = arith.constant 704 : index
      %swap3A_298 = tpu.vector_load %arg11[%swap3A_297] {strides = array<i32>} : memref<1024xf32, #tpu.memory_space<vmem>>, vector<16xf32>,
      tpu.vector_store %arg11[%swap3A_297], %gather3A_296 {strides = array<i32>} : memref<1024xf32, #tpu.memory_space<vmem>>, vector<16xf32>,
      %get3A_299 = arith.constant 720 : index
      %get3A_300 = tpu.vector_load %arg6[%get3A_299] {strides = array<i32>} : memref<1024xi32, #tpu.memory_space<vmem>>, vector<16xi32>,
      %gather3A_301 = tpu.vector_load_idx %arg7[%get3A_300] : memref<20000xf32, #tpu.memory_space<vmem>>[vector<16xi32>], vector<16xf32>,
      %swap3A_302 = arith.constant 720 : index
      %swap3A_303 = tpu.vector_load %arg11[%swap3A_302] {strides = array<i32>} : memref<1024xf32, #tpu.memory_space<vmem>>, vector<16xf32>,
      tpu.vector_store %arg11[%swap3A_302], %gather3A_301 {strides = array<i32>} : memref<1024xf32, #tpu.memory_space<vmem>>, vector<16xf32>,
      %get3A_304 = arith.constant 736 : index
      %get3A_305 = tpu.vector_load %arg6[%get3A_304] {strides = array<i32>} : memref<1024xi32, #tpu.memory_space<vmem>>, vector<16xi32>,
      %gather3A_306 = tpu.vector_load_idx %arg7[%get3A_305] : memref<20000xf32, #tpu.memory_space<vmem>>[vector<16xi32>], vector<16xf32>,
      %swap3A_307 = arith.constant 736 : index
      %swap3A_308 = tpu.vector_load %arg11[%swap3A_307] {strides = array<i32>} : memref<1024xf32, #tpu.memory_space<vmem>>, vector<16xf32>,
      tpu.vector_store %arg11[%swap3A_307], %gather3A_306 {strides = array<i32>} : memref<1024xf32, #tpu.memory_space<vmem>>, vector<16xf32>,
      %get3A_309 = arith.constant 752 : index
      %get3A_310 = tpu.vector_load %arg6[%get3A_309] {strides = array<i32>} : memref<1024xi32, #tpu.memory_space<vmem>>, vector<16xi32>,
      %gather3A_311 = tpu.vector_load_idx %arg7[%get3A_310] : memref<20000xf32, #tpu.memory_space<vmem>>[vector<16xi32>], vector<16xf32>,
      %swap3A_312 = arith.constant 752 : index
      %swap3A_313 = tpu.vector_load %arg11[%swap3A_312] {strides = array<i32>} : memref<1024xf32, #tpu.memory_space<vmem>>, vector<16xf32>,
      tpu.vector_store %arg11[%swap3A_312], %gather3A_311 {strides = array<i32>} : memref<1024xf32, #tpu.memory_space<vmem>>, vector<16xf32>,
      %get3A_314 = arith.constant 768 : index
      %get3A_315 = tpu.vector_load %arg6[%get3A_314] {strides = array<i32>} : memref<1024xi32, #tpu.memory_space<vmem>>, vector<16xi32>,
      %gather3A_316 = tpu.vector_load_idx %arg7[%get3A_315] : memref<20000xf32, #tpu.memory_space<vmem>>[vector<16xi32>], vector<16xf32>,
      %swap3A_317 = arith.constant 768 : index
      %swap3A_318 = tpu.vector_load %arg11[%swap3A_317] {strides = array<i32>} : memref<1024xf32, #tpu.memory_space<vmem>>, vector<16xf32>,
      tpu.vector_store %arg11[%swap3A_317], %gather3A_316 {strides = array<i32>} : memref<1024xf32, #tpu.memory_space<vmem>>, vector<16xf32>,
      %get3A_319 = arith.constant 784 : index
      %get3A_320 = tpu.vector_load %arg6[%get3A_319] {strides = array<i32>} : memref<1024xi32, #tpu.memory_space<vmem>>, vector<16xi32>,
      %gather3A_321 = tpu.vector_load_idx %arg7[%get3A_320] : memref<20000xf32, #tpu.memory_space<vmem>>[vector<16xi32>], vector<16xf32>,
      %swap3A_322 = arith.constant 784 : index
      %swap3A_323 = tpu.vector_load %arg11[%swap3A_322] {strides = array<i32>} : memref<1024xf32, #tpu.memory_space<vmem>>, vector<16xf32>,
      tpu.vector_store %arg11[%swap3A_322], %gather3A_321 {strides = array<i32>} : memref<1024xf32, #tpu.memory_space<vmem>>, vector<16xf32>,
      %get3A_324 = arith.constant 800 : index
      %get3A_325 = tpu.vector_load %arg6[%get3A_324] {strides = array<i32>} : memref<1024xi32, #tpu.memory_space<vmem>>, vector<16xi32>,
      %gather3A_326 = tpu.vector_load_idx %arg7[%get3A_325] : memref<20000xf32, #tpu.memory_space<vmem>>[vector<16xi32>], vector<16xf32>,
      %swap3A_327 = arith.constant 800 : index
      %swap3A_328 = tpu.vector_load %arg11[%swap3A_327] {strides = array<i32>} : memref<1024xf32, #tpu.memory_space<vmem>>, vector<16xf32>,
      tpu.vector_store %arg11[%swap3A_327], %gather3A_326 {strides = array<i32>} : memref<1024xf32, #tpu.memory_space<vmem>>, vector<16xf32>,
      %get3A_329 = arith.constant 816 : index
      %get3A_330 = tpu.vector_load %arg6[%get3A_329] {strides = array<i32>} : memref<1024xi32, #tpu.memory_space<vmem>>, vector<16xi32>,
      %gather3A_331 = tpu.vector_load_idx %arg7[%get3A_330] : memref<20000xf32, #tpu.memory_space<vmem>>[vector<16xi32>], vector<16xf32>,
      %swap3A_332 = arith.constant 816 : index
      %swap3A_333 = tpu.vector_load %arg11[%swap3A_332] {strides = array<i32>} : memref<1024xf32, #tpu.memory_space<vmem>>, vector<16xf32>,
      tpu.vector_store %arg11[%swap3A_332], %gather3A_331 {strides = array<i32>} : memref<1024xf32, #tpu.memory_space<vmem>>, vector<16xf32>,
      %get3A_334 = arith.constant 832 : index
      %get3A_335 = tpu.vector_load %arg6[%get3A_334] {strides = array<i32>} : memref<1024xi32, #tpu.memory_space<vmem>>, vector<16xi32>,
      %gather3A_336 = tpu.vector_load_idx %arg7[%get3A_335] : memref<20000xf32, #tpu.memory_space<vmem>>[vector<16xi32>], vector<16xf32>,
      %swap3A_337 = arith.constant 832 : index
      %swap3A_338 = tpu.vector_load %arg11[%swap3A_337] {strides = array<i32>} : memref<1024xf32, #tpu.memory_space<vmem>>, vector<16xf32>,
      tpu.vector_store %arg11[%swap3A_337], %gather3A_336 {strides = array<i32>} : memref<1024xf32, #tpu.memory_space<vmem>>, vector<16xf32>,
      %get3A_339 = arith.constant 848 : index
      %get3A_340 = tpu.vector_load %arg6[%get3A_339] {strides = array<i32>} : memref<1024xi32, #tpu.memory_space<vmem>>, vector<16xi32>,
      %gather3A_341 = tpu.vector_load_idx %arg7[%get3A_340] : memref<20000xf32, #tpu.memory_space<vmem>>[vector<16xi32>], vector<16xf32>,
      %swap3A_342 = arith.constant 848 : index
      %swap3A_343 = tpu.vector_load %arg11[%swap3A_342] {strides = array<i32>} : memref<1024xf32, #tpu.memory_space<vmem>>, vector<16xf32>,
      tpu.vector_store %arg11[%swap3A_342], %gather3A_341 {strides = array<i32>} : memref<1024xf32, #tpu.memory_space<vmem>>, vector<16xf32>,
      %get3A_344 = arith.constant 864 : index
      %get3A_345 = tpu.vector_load %arg6[%get3A_344] {strides = array<i32>} : memref<1024xi32, #tpu.memory_space<vmem>>, vector<16xi32>,
      %gather3A_346 = tpu.vector_load_idx %arg7[%get3A_345] : memref<20000xf32, #tpu.memory_space<vmem>>[vector<16xi32>], vector<16xf32>,
      %swap3A_347 = arith.constant 864 : index
      %swap3A_348 = tpu.vector_load %arg11[%swap3A_347] {strides = array<i32>} : memref<1024xf32, #tpu.memory_space<vmem>>, vector<16xf32>,
      tpu.vector_store %arg11[%swap3A_347], %gather3A_346 {strides = array<i32>} : memref<1024xf32, #tpu.memory_space<vmem>>, vector<16xf32>,
      %get3A_349 = arith.constant 880 : index
      %get3A_350 = tpu.vector_load %arg6[%get3A_349] {strides = array<i32>} : memref<1024xi32, #tpu.memory_space<vmem>>, vector<16xi32>,
      %gather3A_351 = tpu.vector_load_idx %arg7[%get3A_350] : memref<20000xf32, #tpu.memory_space<vmem>>[vector<16xi32>], vector<16xf32>,
      %swap3A_352 = arith.constant 880 : index
      %swap3A_353 = tpu.vector_load %arg11[%swap3A_352] {strides = array<i32>} : memref<1024xf32, #tpu.memory_space<vmem>>, vector<16xf32>,
      tpu.vector_store %arg11[%swap3A_352], %gather3A_351 {strides = array<i32>} : memref<1024xf32, #tpu.memory_space<vmem>>, vector<16xf32>,
      %get3A_354 = arith.constant 896 : index
      %get3A_355 = tpu.vector_load %arg6[%get3A_354] {strides = array<i32>} : memref<1024xi32, #tpu.memory_space<vmem>>, vector<16xi32>,
      %gather3A_356 = tpu.vector_load_idx %arg7[%get3A_355] : memref<20000xf32, #tpu.memory_space<vmem>>[vector<16xi32>], vector<16xf32>,
      %swap3A_357 = arith.constant 896 : index
      %swap3A_358 = tpu.vector_load %arg11[%swap3A_357] {strides = array<i32>} : memref<1024xf32, #tpu.memory_space<vmem>>, vector<16xf32>,
      tpu.vector_store %arg11[%swap3A_357], %gather3A_356 {strides = array<i32>} : memref<1024xf32, #tpu.memory_space<vmem>>, vector<16xf32>,
      %get3A_359 = arith.constant 912 : index
      %get3A_360 = tpu.vector_load %arg6[%get3A_359] {strides = array<i32>} : memref<1024xi32, #tpu.memory_space<vmem>>, vector<16xi32>,
      %gather3A_361 = tpu.vector_load_idx %arg7[%get3A_360] : memref<20000xf32, #tpu.memory_space<vmem>>[vector<16xi32>], vector<16xf32>,
      %swap3A_362 = arith.constant 912 : index
      %swap3A_363 = tpu.vector_load %arg11[%swap3A_362] {strides = array<i32>} : memref<1024xf32, #tpu.memory_space<vmem>>, vector<16xf32>,
      tpu.vector_store %arg11[%swap3A_362], %gather3A_361 {strides = array<i32>} : memref<1024xf32, #tpu.memory_space<vmem>>, vector<16xf32>,
      %get3A_364 = arith.constant 928 : index
      %get3A_365 = tpu.vector_load %arg6[%get3A_364] {strides = array<i32>} : memref<1024xi32, #tpu.memory_space<vmem>>, vector<16xi32>,
      %gather3A_366 = tpu.vector_load_idx %arg7[%get3A_365] : memref<20000xf32, #tpu.memory_space<vmem>>[vector<16xi32>], vector<16xf32>,
      %swap3A_367 = arith.constant 928 : index
      %swap3A_368 = tpu.vector_load %arg11[%swap3A_367] {strides = array<i32>} : memref<1024xf32, #tpu.memory_space<vmem>>, vector<16xf32>,
      tpu.vector_store %arg11[%swap3A_367], %gather3A_366 {strides = array<i32>} : memref<1024xf32, #tpu.memory_space<vmem>>, vector<16xf32>,
      %get3A_369 = arith.constant 944 : index
      %get3A_370 = tpu.vector_load %arg6[%get3A_369] {strides = array<i32>} : memref<1024xi32, #tpu.memory_space<vmem>>, vector<16xi32>,
      %gather3A_371 = tpu.vector_load_idx %arg7[%get3A_370] : memref<20000xf32, #tpu.memory_space<vmem>>[vector<16xi32>], vector<16xf32>,
      %swap3A_372 = arith.constant 944 : index
      %swap3A_373 = tpu.vector_load %arg11[%swap3A_372] {strides = array<i32>} : memref<1024xf32, #tpu.memory_space<vmem>>, vector<16xf32>,
      tpu.vector_store %arg11[%swap3A_372], %gather3A_371 {strides = array<i32>} : memref<1024xf32, #tpu.memory_space<vmem>>, vector<16xf32>,
      %get3A_374 = arith.constant 960 : index
      %get3A_375 = tpu.vector_load %arg6[%get3A_374] {strides = array<i32>} : memref<1024xi32, #tpu.memory_space<vmem>>, vector<16xi32>,
      %gather3A_376 = tpu.vector_load_idx %arg7[%get3A_375] : memref<20000xf32, #tpu.memory_space<vmem>>[vector<16xi32>], vector<16xf32>,
      %swap3A_377 = arith.constant 960 : index
      %swap3A_378 = tpu.vector_load %arg11[%swap3A_377] {strides = array<i32>} : memref<1024xf32, #tpu.memory_space<vmem>>, vector<16xf32>,
      tpu.vector_store %arg11[%swap3A_377], %gather3A_376 {strides = array<i32>} : memref<1024xf32, #tpu.memory_space<vmem>>, vector<16xf32>,
      %get3A_379 = arith.constant 976 : index
      %get3A_380 = tpu.vector_load %arg6[%get3A_379] {strides = array<i32>} : memref<1024xi32, #tpu.memory_space<vmem>>, vector<16xi32>,
      %gather3A_381 = tpu.vector_load_idx %arg7[%get3A_380] : memref<20000xf32, #tpu.memory_space<vmem>>[vector<16xi32>], vector<16xf32>,
      %swap3A_382 = arith.constant 976 : index
      %swap3A_383 = tpu.vector_load %arg11[%swap3A_382] {strides = array<i32>} : memref<1024xf32, #tpu.memory_space<vmem>>, vector<16xf32>,
      tpu.vector_store %arg11[%swap3A_382], %gather3A_381 {strides = array<i32>} : memref<1024xf32, #tpu.memory_space<vmem>>, vector<16xf32>,
      %get3A_384 = arith.constant 992 : index
      %get3A_385 = tpu.vector_load %arg6[%get3A_384] {strides = array<i32>} : memref<1024xi32, #tpu.memory_space<vmem>>, vector<16xi32>,
      %gather3A_386 = tpu.vector_load_idx %arg7[%get3A_385] : memref<20000xf32, #tpu.memory_space<vmem>>[vector<16xi32>], vector<16xf32>,
      %swap3A_387 = arith.constant 992 : index
      %swap3A_388 = tpu.vector_load %arg11[%swap3A_387] {strides = array<i32>} : memref<1024xf32, #tpu.memory_space<vmem>>, vector<16xf32>,
      tpu.vector_store %arg11[%swap3A_387], %gather3A_386 {strides = array<i32>} : memref<1024xf32, #tpu.memory_space<vmem>>, vector<16xf32>,
      %get3A_389 = arith.constant 1008 : index
      %get3A_390 = tpu.vector_load %arg6[%get3A_389] {strides = array<i32>} : memref<1024xi32, #tpu.memory_space<vmem>>, vector<16xi32>,
      %gather3A_391 = tpu.vector_load_idx %arg7[%get3A_390] : memref<20000xf32, #tpu.memory_space<vmem>>[vector<16xi32>], vector<16xf32>,
      %swap3A_392 = arith.constant 1008 : index
      %swap3A_393 = tpu.vector_load %arg11[%swap3A_392] {strides = array<i32>} : memref<1024xf32, #tpu.memory_space<vmem>>, vector<16xf32>,
      tpu.vector_store %arg11[%swap3A_392], %gather3A_391 {strides = array<i32>} : memref<1024xf32, #tpu.memory_space<vmem>>, vector<16xf32>,
      "tpu.region"() ({
        %run_scoped3A = tpu.sem_alloc : memref<!tpu.dma_semaphore, #tpu.memory_space<semaphore_mem>>
        %dma_start3A = arith.constant 0 : i32
        %dma_start3A_394 = tpu.memref_slice %arg5[%add3A_46, %dma_start3A] : memref<128x1024xf32, #tpu.memory_space<hbm>> -> memref<1x1024xf32, #tpu.memory_space<hbm>>
        %dma_start3A_395 = tpu.memref_squeeze %dma_start3A_394 : memref<1x1024xf32, #tpu.memory_space<hbm>> -> memref<1024xf32, #tpu.memory_space<hbm>>
        %dma_start3A_396 = arith.constant 0 : i32
        %dma_start3A_397 = tpu.memref_slice %arg5[%add3A_46, %dma_start3A_396] : memref<128x1024xf32, #tpu.memory_space<hbm>> -> memref<1x1024xf32, #tpu.memory_space<hbm>>
        %dma_start3A_398 = tpu.memref_squeeze %dma_start3A_397 : memref<1x1024xf32, #tpu.memory_space<hbm>> -> memref<1024xf32, #tpu.memory_space<hbm>>
        tpu.enqueue_dma source(%arg11 : memref<1024xf32, #tpu.memory_space<vmem>>) target(%dma_start3A_398 : memref<1024xf32, #tpu.memory_space<hbm>>) target_semaphore(%run_scoped3A : memref<!tpu.dma_semaphore, #tpu.memory_space<semaphore_mem>>)
        %dma_wait3A_399 = arith.constant 0 : i32
        %dma_wait3A_400 = tpu.memref_slice %arg5[%add3A_46, %dma_wait3A_399] : memref<128x1024xf32, #tpu.memory_space<hbm>> -> memref<1x1024xf32, #tpu.memory_space<hbm>>
        %dma_wait3A_401 = tpu.memref_squeeze %dma_wait3A_400 : memref<1x1024xf32, #tpu.memory_space<hbm>> -> memref<1024xf32, #tpu.memory_space<hbm>>
        %dma_wait3A_402 = arith.constant 0 : i32
        %dma_wait3A_403 = tpu.memref_slice %arg5[%add3A_46, %dma_wait3A_402] : memref<128x1024xf32, #tpu.memory_space<hbm>> -> memref<1x1024xf32, #tpu.memory_space<hbm>>
        %dma_wait3A_404 = tpu.memref_squeeze %dma_wait3A_403 : memref<1x1024xf32, #tpu.memory_space<hbm>> -> memref<1024xf32, #tpu.memory_space<hbm>>
        tpu.wait_dma2 semaphore(%run_scoped3A : memref<!tpu.dma_semaphore, #tpu.memory_space<semaphore_mem>>) src(%arg11 : memref<1024xf32, #tpu.memory_space<vmem>>) dst(%dma_wait3A_404 : memref<1024xf32, #tpu.memory_space<hbm>>)
        tpu.yield
      }) : () -> ()
    } else {
    }
    %add3A_51 = arith.constant 32 : i32
    %add3A_52 = arith.addi %add3A, %add3A_51 : i32
    %le3A_53 = arith.constant 100 : i32
    %le3A_54 = arith.cmpi sle, %add3A_52, %le3A_53 : i32
    %convert_element_type3A_55 = arith.extui %le3A_54 : i1 to i32
    %cond3A_56 = arith.constant 0 : i32
    %cond3A_57 = arith.cmpi ne, %convert_element_type3A_55, %cond3A_56 : i32
    scf.if %cond3A_57 {
      %dma_wait3A = arith.constant 0 : i32
      %dma_wait3A_72 = tpu.memref_slice %arg2[%add3A_52, %dma_wait3A] : memref<100x20000xf32, #tpu.memory_space<hbm>> -> memref<1x20000xf32, #tpu.memory_space<hbm>>
      %dma_wait3A_73 = tpu.memref_squeeze %dma_wait3A_72 : memref<1x20000xf32, #tpu.memory_space<hbm>> -> memref<20000xf32, #tpu.memory_space<hbm>>
      %dma_wait3A_74 = arith.constant 0 : i32
      %dma_wait3A_75 = tpu.memref_slice %arg2[%add3A_52, %dma_wait3A_74] : memref<100x20000xf32, #tpu.memory_space<hbm>> -> memref<1x20000xf32, #tpu.memory_space<hbm>>
      %dma_wait3A_76 = tpu.memref_squeeze %dma_wait3A_75 : memref<1x20000xf32, #tpu.memory_space<hbm>> -> memref<20000xf32, #tpu.memory_space<hbm>>
      tpu.wait_dma2 semaphore(%arg13 : memref<!tpu.dma_semaphore, #tpu.memory_space<semaphore_mem>>) src(%dma_wait3A_76 : memref<20000xf32, #tpu.memory_space<hbm>>) dst(%arg8 : memref<20000xf32, #tpu.memory_space<vmem>>)
      %get3A = arith.constant 0 : index
      %get3A_77 = tpu.vector_load %arg6[%get3A] {strides = array<i32>} : memref<1024xi32, #tpu.memory_space<vmem>>, vector<16xi32>,
      %gather3A = tpu.vector_load_idx %arg8[%get3A_77] : memref<20000xf32, #tpu.memory_space<vmem>>[vector<16xi32>], vector<16xf32>,
      %swap3A = arith.constant 0 : index
      %swap3A_78 = tpu.vector_load %arg11[%swap3A] {strides = array<i32>} : memref<1024xf32, #tpu.memory_space<vmem>>, vector<16xf32>,
      tpu.vector_store %arg11[%swap3A], %gather3A {strides = array<i32>} : memref<1024xf32, #tpu.memory_space<vmem>>, vector<16xf32>,
      %get3A_79 = arith.constant 16 : index
      %get3A_80 = tpu.vector_load %arg6[%get3A_79] {strides = array<i32>} : memref<1024xi32, #tpu.memory_space<vmem>>, vector<16xi32>,
      %gather3A_81 = tpu.vector_load_idx %arg8[%get3A_80] : memref<20000xf32, #tpu.memory_space<vmem>>[vector<16xi32>], vector<16xf32>,
      %swap3A_82 = arith.constant 16 : index
      %swap3A_83 = tpu.vector_load %arg11[%swap3A_82] {strides = array<i32>} : memref<1024xf32, #tpu.memory_space<vmem>>, vector<16xf32>,
      tpu.vector_store %arg11[%swap3A_82], %gather3A_81 {strides = array<i32>} : memref<1024xf32, #tpu.memory_space<vmem>>, vector<16xf32>,
      %get3A_84 = arith.constant 32 : index
      %get3A_85 = tpu.vector_load %arg6[%get3A_84] {strides = array<i32>} : memref<1024xi32, #tpu.memory_space<vmem>>, vector<16xi32>,
      %gather3A_86 = tpu.vector_load_idx %arg8[%get3A_85] : memref<20000xf32, #tpu.memory_space<vmem>>[vector<16xi32>], vector<16xf32>,
      %swap3A_87 = arith.constant 32 : index
      %swap3A_88 = tpu.vector_load %arg11[%swap3A_87] {strides = array<i32>} : memref<1024xf32, #tpu.memory_space<vmem>>, vector<16xf32>,
      tpu.vector_store %arg11[%swap3A_87], %gather3A_86 {strides = array<i32>} : memref<1024xf32, #tpu.memory_space<vmem>>, vector<16xf32>,
      %get3A_89 = arith.constant 48 : index
      %get3A_90 = tpu.vector_load %arg6[%get3A_89] {strides = array<i32>} : memref<1024xi32, #tpu.memory_space<vmem>>, vector<16xi32>,
      %gather3A_91 = tpu.vector_load_idx %arg8[%get3A_90] : memref<20000xf32, #tpu.memory_space<vmem>>[vector<16xi32>], vector<16xf32>,
      %swap3A_92 = arith.constant 48 : index
      %swap3A_93 = tpu.vector_load %arg11[%swap3A_92] {strides = array<i32>} : memref<1024xf32, #tpu.memory_space<vmem>>, vector<16xf32>,
      tpu.vector_store %arg11[%swap3A_92], %gather3A_91 {strides = array<i32>} : memref<1024xf32, #tpu.memory_space<vmem>>, vector<16xf32>,
      %get3A_94 = arith.constant 64 : index
      %get3A_95 = tpu.vector_load %arg6[%get3A_94] {strides = array<i32>} : memref<1024xi32, #tpu.memory_space<vmem>>, vector<16xi32>,
      %gather3A_96 = tpu.vector_load_idx %arg8[%get3A_95] : memref<20000xf32, #tpu.memory_space<vmem>>[vector<16xi32>], vector<16xf32>,
      %swap3A_97 = arith.constant 64 : index
      %swap3A_98 = tpu.vector_load %arg11[%swap3A_97] {strides = array<i32>} : memref<1024xf32, #tpu.memory_space<vmem>>, vector<16xf32>,
      tpu.vector_store %arg11[%swap3A_97], %gather3A_96 {strides = array<i32>} : memref<1024xf32, #tpu.memory_space<vmem>>, vector<16xf32>,
      %get3A_99 = arith.constant 80 : index
      %get3A_100 = tpu.vector_load %arg6[%get3A_99] {strides = array<i32>} : memref<1024xi32, #tpu.memory_space<vmem>>, vector<16xi32>,
      %gather3A_101 = tpu.vector_load_idx %arg8[%get3A_100] : memref<20000xf32, #tpu.memory_space<vmem>>[vector<16xi32>], vector<16xf32>,
      %swap3A_102 = arith.constant 80 : index
      %swap3A_103 = tpu.vector_load %arg11[%swap3A_102] {strides = array<i32>} : memref<1024xf32, #tpu.memory_space<vmem>>, vector<16xf32>,
      tpu.vector_store %arg11[%swap3A_102], %gather3A_101 {strides = array<i32>} : memref<1024xf32, #tpu.memory_space<vmem>>, vector<16xf32>,
      %get3A_104 = arith.constant 96 : index
      %get3A_105 = tpu.vector_load %arg6[%get3A_104] {strides = array<i32>} : memref<1024xi32, #tpu.memory_space<vmem>>, vector<16xi32>,
      %gather3A_106 = tpu.vector_load_idx %arg8[%get3A_105] : memref<20000xf32, #tpu.memory_space<vmem>>[vector<16xi32>], vector<16xf32>,
      %swap3A_107 = arith.constant 96 : index
      %swap3A_108 = tpu.vector_load %arg11[%swap3A_107] {strides = array<i32>} : memref<1024xf32, #tpu.memory_space<vmem>>, vector<16xf32>,
      tpu.vector_store %arg11[%swap3A_107], %gather3A_106 {strides = array<i32>} : memref<1024xf32, #tpu.memory_space<vmem>>, vector<16xf32>,
      %get3A_109 = arith.constant 112 : index
      %get3A_110 = tpu.vector_load %arg6[%get3A_109] {strides = array<i32>} : memref<1024xi32, #tpu.memory_space<vmem>>, vector<16xi32>,
      %gather3A_111 = tpu.vector_load_idx %arg8[%get3A_110] : memref<20000xf32, #tpu.memory_space<vmem>>[vector<16xi32>], vector<16xf32>,
      %swap3A_112 = arith.constant 112 : index
      %swap3A_113 = tpu.vector_load %arg11[%swap3A_112] {strides = array<i32>} : memref<1024xf32, #tpu.memory_space<vmem>>, vector<16xf32>,
      tpu.vector_store %arg11[%swap3A_112], %gather3A_111 {strides = array<i32>} : memref<1024xf32, #tpu.memory_space<vmem>>, vector<16xf32>,
      %get3A_114 = arith.constant 128 : index
      %get3A_115 = tpu.vector_load %arg6[%get3A_114] {strides = array<i32>} : memref<1024xi32, #tpu.memory_space<vmem>>, vector<16xi32>,
      %gather3A_116 = tpu.vector_load_idx %arg8[%get3A_115] : memref<20000xf32, #tpu.memory_space<vmem>>[vector<16xi32>], vector<16xf32>,
      %swap3A_117 = arith.constant 128 : index
      %swap3A_118 = tpu.vector_load %arg11[%swap3A_117] {strides = array<i32>} : memref<1024xf32, #tpu.memory_space<vmem>>, vector<16xf32>,
      tpu.vector_store %arg11[%swap3A_117], %gather3A_116 {strides = array<i32>} : memref<1024xf32, #tpu.memory_space<vmem>>, vector<16xf32>,
      %get3A_119 = arith.constant 144 : index
      %get3A_120 = tpu.vector_load %arg6[%get3A_119] {strides = array<i32>} : memref<1024xi32, #tpu.memory_space<vmem>>, vector<16xi32>,
      %gather3A_121 = tpu.vector_load_idx %arg8[%get3A_120] : memref<20000xf32, #tpu.memory_space<vmem>>[vector<16xi32>], vector<16xf32>,
      %swap3A_122 = arith.constant 144 : index
      %swap3A_123 = tpu.vector_load %arg11[%swap3A_122] {strides = array<i32>} : memref<1024xf32, #tpu.memory_space<vmem>>, vector<16xf32>,
      tpu.vector_store %arg11[%swap3A_122], %gather3A_121 {strides = array<i32>} : memref<1024xf32, #tpu.memory_space<vmem>>, vector<16xf32>,
      %get3A_124 = arith.constant 160 : index
      %get3A_125 = tpu.vector_load %arg6[%get3A_124] {strides = array<i32>} : memref<1024xi32, #tpu.memory_space<vmem>>, vector<16xi32>,
      %gather3A_126 = tpu.vector_load_idx %arg8[%get3A_125] : memref<20000xf32, #tpu.memory_space<vmem>>[vector<16xi32>], vector<16xf32>,
      %swap3A_127 = arith.constant 160 : index
      %swap3A_128 = tpu.vector_load %arg11[%swap3A_127] {strides = array<i32>} : memref<1024xf32, #tpu.memory_space<vmem>>, vector<16xf32>,
      tpu.vector_store %arg11[%swap3A_127], %gather3A_126 {strides = array<i32>} : memref<1024xf32, #tpu.memory_space<vmem>>, vector<16xf32>,
      %get3A_129 = arith.constant 176 : index
      %get3A_130 = tpu.vector_load %arg6[%get3A_129] {strides = array<i32>} : memref<1024xi32, #tpu.memory_space<vmem>>, vector<16xi32>,
      %gather3A_131 = tpu.vector_load_idx %arg8[%get3A_130] : memref<20000xf32, #tpu.memory_space<vmem>>[vector<16xi32>], vector<16xf32>,
      %swap3A_132 = arith.constant 176 : index
      %swap3A_133 = tpu.vector_load %arg11[%swap3A_132] {strides = array<i32>} : memref<1024xf32, #tpu.memory_space<vmem>>, vector<16xf32>,
      tpu.vector_store %arg11[%swap3A_132], %gather3A_131 {strides = array<i32>} : memref<1024xf32, #tpu.memory_space<vmem>>, vector<16xf32>,
      %get3A_134 = arith.constant 192 : index
      %get3A_135 = tpu.vector_load %arg6[%get3A_134] {strides = array<i32>} : memref<1024xi32, #tpu.memory_space<vmem>>, vector<16xi32>,
      %gather3A_136 = tpu.vector_load_idx %arg8[%get3A_135] : memref<20000xf32, #tpu.memory_space<vmem>>[vector<16xi32>], vector<16xf32>,
      %swap3A_137 = arith.constant 192 : index
      %swap3A_138 = tpu.vector_load %arg11[%swap3A_137] {strides = array<i32>} : memref<1024xf32, #tpu.memory_space<vmem>>, vector<16xf32>,
      tpu.vector_store %arg11[%swap3A_137], %gather3A_136 {strides = array<i32>} : memref<1024xf32, #tpu.memory_space<vmem>>, vector<16xf32>,
      %get3A_139 = arith.constant 208 : index
      %get3A_140 = tpu.vector_load %arg6[%get3A_139] {strides = array<i32>} : memref<1024xi32, #tpu.memory_space<vmem>>, vector<16xi32>,
      %gather3A_141 = tpu.vector_load_idx %arg8[%get3A_140] : memref<20000xf32, #tpu.memory_space<vmem>>[vector<16xi32>], vector<16xf32>,
      %swap3A_142 = arith.constant 208 : index
      %swap3A_143 = tpu.vector_load %arg11[%swap3A_142] {strides = array<i32>} : memref<1024xf32, #tpu.memory_space<vmem>>, vector<16xf32>,
      tpu.vector_store %arg11[%swap3A_142], %gather3A_141 {strides = array<i32>} : memref<1024xf32, #tpu.memory_space<vmem>>, vector<16xf32>,
      %get3A_144 = arith.constant 224 : index
      %get3A_145 = tpu.vector_load %arg6[%get3A_144] {strides = array<i32>} : memref<1024xi32, #tpu.memory_space<vmem>>, vector<16xi32>,
      %gather3A_146 = tpu.vector_load_idx %arg8[%get3A_145] : memref<20000xf32, #tpu.memory_space<vmem>>[vector<16xi32>], vector<16xf32>,
      %swap3A_147 = arith.constant 224 : index
      %swap3A_148 = tpu.vector_load %arg11[%swap3A_147] {strides = array<i32>} : memref<1024xf32, #tpu.memory_space<vmem>>, vector<16xf32>,
      tpu.vector_store %arg11[%swap3A_147], %gather3A_146 {strides = array<i32>} : memref<1024xf32, #tpu.memory_space<vmem>>, vector<16xf32>,
      %get3A_149 = arith.constant 240 : index
      %get3A_150 = tpu.vector_load %arg6[%get3A_149] {strides = array<i32>} : memref<1024xi32, #tpu.memory_space<vmem>>, vector<16xi32>,
      %gather3A_151 = tpu.vector_load_idx %arg8[%get3A_150] : memref<20000xf32, #tpu.memory_space<vmem>>[vector<16xi32>], vector<16xf32>,
      %swap3A_152 = arith.constant 240 : index
      %swap3A_153 = tpu.vector_load %arg11[%swap3A_152] {strides = array<i32>} : memref<1024xf32, #tpu.memory_space<vmem>>, vector<16xf32>,
      tpu.vector_store %arg11[%swap3A_152], %gather3A_151 {strides = array<i32>} : memref<1024xf32, #tpu.memory_space<vmem>>, vector<16xf32>,
      %get3A_154 = arith.constant 256 : index
      %get3A_155 = tpu.vector_load %arg6[%get3A_154] {strides = array<i32>} : memref<1024xi32, #tpu.memory_space<vmem>>, vector<16xi32>,
      %gather3A_156 = tpu.vector_load_idx %arg8[%get3A_155] : memref<20000xf32, #tpu.memory_space<vmem>>[vector<16xi32>], vector<16xf32>,
      %swap3A_157 = arith.constant 256 : index
      %swap3A_158 = tpu.vector_load %arg11[%swap3A_157] {strides = array<i32>} : memref<1024xf32, #tpu.memory_space<vmem>>, vector<16xf32>,
      tpu.vector_store %arg11[%swap3A_157], %gather3A_156 {strides = array<i32>} : memref<1024xf32, #tpu.memory_space<vmem>>, vector<16xf32>,
      %get3A_159 = arith.constant 272 : index
      %get3A_160 = tpu.vector_load %arg6[%get3A_159] {strides = array<i32>} : memref<1024xi32, #tpu.memory_space<vmem>>, vector<16xi32>,
      %gather3A_161 = tpu.vector_load_idx %arg8[%get3A_160] : memref<20000xf32, #tpu.memory_space<vmem>>[vector<16xi32>], vector<16xf32>,
      %swap3A_162 = arith.constant 272 : index
      %swap3A_163 = tpu.vector_load %arg11[%swap3A_162] {strides = array<i32>} : memref<1024xf32, #tpu.memory_space<vmem>>, vector<16xf32>,
      tpu.vector_store %arg11[%swap3A_162], %gather3A_161 {strides = array<i32>} : memref<1024xf32, #tpu.memory_space<vmem>>, vector<16xf32>,
      %get3A_164 = arith.constant 288 : index
      %get3A_165 = tpu.vector_load %arg6[%get3A_164] {strides = array<i32>} : memref<1024xi32, #tpu.memory_space<vmem>>, vector<16xi32>,
      %gather3A_166 = tpu.vector_load_idx %arg8[%get3A_165] : memref<20000xf32, #tpu.memory_space<vmem>>[vector<16xi32>], vector<16xf32>,
      %swap3A_167 = arith.constant 288 : index
      %swap3A_168 = tpu.vector_load %arg11[%swap3A_167] {strides = array<i32>} : memref<1024xf32, #tpu.memory_space<vmem>>, vector<16xf32>,
      tpu.vector_store %arg11[%swap3A_167], %gather3A_166 {strides = array<i32>} : memref<1024xf32, #tpu.memory_space<vmem>>, vector<16xf32>,
      %get3A_169 = arith.constant 304 : index
      %get3A_170 = tpu.vector_load %arg6[%get3A_169] {strides = array<i32>} : memref<1024xi32, #tpu.memory_space<vmem>>, vector<16xi32>,
      %gather3A_171 = tpu.vector_load_idx %arg8[%get3A_170] : memref<20000xf32, #tpu.memory_space<vmem>>[vector<16xi32>], vector<16xf32>,
      %swap3A_172 = arith.constant 304 : index
      %swap3A_173 = tpu.vector_load %arg11[%swap3A_172] {strides = array<i32>} : memref<1024xf32, #tpu.memory_space<vmem>>, vector<16xf32>,
      tpu.vector_store %arg11[%swap3A_172], %gather3A_171 {strides = array<i32>} : memref<1024xf32, #tpu.memory_space<vmem>>, vector<16xf32>,
      %get3A_174 = arith.constant 320 : index
      %get3A_175 = tpu.vector_load %arg6[%get3A_174] {strides = array<i32>} : memref<1024xi32, #tpu.memory_space<vmem>>, vector<16xi32>,
      %gather3A_176 = tpu.vector_load_idx %arg8[%get3A_175] : memref<20000xf32, #tpu.memory_space<vmem>>[vector<16xi32>], vector<16xf32>,
      %swap3A_177 = arith.constant 320 : index
      %swap3A_178 = tpu.vector_load %arg11[%swap3A_177] {strides = array<i32>} : memref<1024xf32, #tpu.memory_space<vmem>>, vector<16xf32>,
      tpu.vector_store %arg11[%swap3A_177], %gather3A_176 {strides = array<i32>} : memref<1024xf32, #tpu.memory_space<vmem>>, vector<16xf32>,
      %get3A_179 = arith.constant 336 : index
      %get3A_180 = tpu.vector_load %arg6[%get3A_179] {strides = array<i32>} : memref<1024xi32, #tpu.memory_space<vmem>>, vector<16xi32>,
      %gather3A_181 = tpu.vector_load_idx %arg8[%get3A_180] : memref<20000xf32, #tpu.memory_space<vmem>>[vector<16xi32>], vector<16xf32>,
      %swap3A_182 = arith.constant 336 : index
      %swap3A_183 = tpu.vector_load %arg11[%swap3A_182] {strides = array<i32>} : memref<1024xf32, #tpu.memory_space<vmem>>, vector<16xf32>,
      tpu.vector_store %arg11[%swap3A_182], %gather3A_181 {strides = array<i32>} : memref<1024xf32, #tpu.memory_space<vmem>>, vector<16xf32>,
      %get3A_184 = arith.constant 352 : index
      %get3A_185 = tpu.vector_load %arg6[%get3A_184] {strides = array<i32>} : memref<1024xi32, #tpu.memory_space<vmem>>, vector<16xi32>,
      %gather3A_186 = tpu.vector_load_idx %arg8[%get3A_185] : memref<20000xf32, #tpu.memory_space<vmem>>[vector<16xi32>], vector<16xf32>,
      %swap3A_187 = arith.constant 352 : index
      %swap3A_188 = tpu.vector_load %arg11[%swap3A_187] {strides = array<i32>} : memref<1024xf32, #tpu.memory_space<vmem>>, vector<16xf32>,
      tpu.vector_store %arg11[%swap3A_187], %gather3A_186 {strides = array<i32>} : memref<1024xf32, #tpu.memory_space<vmem>>, vector<16xf32>,
      %get3A_189 = arith.constant 368 : index
      %get3A_190 = tpu.vector_load %arg6[%get3A_189] {strides = array<i32>} : memref<1024xi32, #tpu.memory_space<vmem>>, vector<16xi32>,
      %gather3A_191 = tpu.vector_load_idx %arg8[%get3A_190] : memref<20000xf32, #tpu.memory_space<vmem>>[vector<16xi32>], vector<16xf32>,
      %swap3A_192 = arith.constant 368 : index
      %swap3A_193 = tpu.vector_load %arg11[%swap3A_192] {strides = array<i32>} : memref<1024xf32, #tpu.memory_space<vmem>>, vector<16xf32>,
      tpu.vector_store %arg11[%swap3A_192], %gather3A_191 {strides = array<i32>} : memref<1024xf32, #tpu.memory_space<vmem>>, vector<16xf32>,
      %get3A_194 = arith.constant 384 : index
      %get3A_195 = tpu.vector_load %arg6[%get3A_194] {strides = array<i32>} : memref<1024xi32, #tpu.memory_space<vmem>>, vector<16xi32>,
      %gather3A_196 = tpu.vector_load_idx %arg8[%get3A_195] : memref<20000xf32, #tpu.memory_space<vmem>>[vector<16xi32>], vector<16xf32>,
      %swap3A_197 = arith.constant 384 : index
      %swap3A_198 = tpu.vector_load %arg11[%swap3A_197] {strides = array<i32>} : memref<1024xf32, #tpu.memory_space<vmem>>, vector<16xf32>,
      tpu.vector_store %arg11[%swap3A_197], %gather3A_196 {strides = array<i32>} : memref<1024xf32, #tpu.memory_space<vmem>>, vector<16xf32>,
      %get3A_199 = arith.constant 400 : index
      %get3A_200 = tpu.vector_load %arg6[%get3A_199] {strides = array<i32>} : memref<1024xi32, #tpu.memory_space<vmem>>, vector<16xi32>,
      %gather3A_201 = tpu.vector_load_idx %arg8[%get3A_200] : memref<20000xf32, #tpu.memory_space<vmem>>[vector<16xi32>], vector<16xf32>,
      %swap3A_202 = arith.constant 400 : index
      %swap3A_203 = tpu.vector_load %arg11[%swap3A_202] {strides = array<i32>} : memref<1024xf32, #tpu.memory_space<vmem>>, vector<16xf32>,
      tpu.vector_store %arg11[%swap3A_202], %gather3A_201 {strides = array<i32>} : memref<1024xf32, #tpu.memory_space<vmem>>, vector<16xf32>,
      %get3A_204 = arith.constant 416 : index
      %get3A_205 = tpu.vector_load %arg6[%get3A_204] {strides = array<i32>} : memref<1024xi32, #tpu.memory_space<vmem>>, vector<16xi32>,
      %gather3A_206 = tpu.vector_load_idx %arg8[%get3A_205] : memref<20000xf32, #tpu.memory_space<vmem>>[vector<16xi32>], vector<16xf32>,
      %swap3A_207 = arith.constant 416 : index
      %swap3A_208 = tpu.vector_load %arg11[%swap3A_207] {strides = array<i32>} : memref<1024xf32, #tpu.memory_space<vmem>>, vector<16xf32>,
      tpu.vector_store %arg11[%swap3A_207], %gather3A_206 {strides = array<i32>} : memref<1024xf32, #tpu.memory_space<vmem>>, vector<16xf32>,
      %get3A_209 = arith.constant 432 : index
      %get3A_210 = tpu.vector_load %arg6[%get3A_209] {strides = array<i32>} : memref<1024xi32, #tpu.memory_space<vmem>>, vector<16xi32>,
      %gather3A_211 = tpu.vector_load_idx %arg8[%get3A_210] : memref<20000xf32, #tpu.memory_space<vmem>>[vector<16xi32>], vector<16xf32>,
      %swap3A_212 = arith.constant 432 : index
      %swap3A_213 = tpu.vector_load %arg11[%swap3A_212] {strides = array<i32>} : memref<1024xf32, #tpu.memory_space<vmem>>, vector<16xf32>,
      tpu.vector_store %arg11[%swap3A_212], %gather3A_211 {strides = array<i32>} : memref<1024xf32, #tpu.memory_space<vmem>>, vector<16xf32>,
      %get3A_214 = arith.constant 448 : index
      %get3A_215 = tpu.vector_load %arg6[%get3A_214] {strides = array<i32>} : memref<1024xi32, #tpu.memory_space<vmem>>, vector<16xi32>,
      %gather3A_216 = tpu.vector_load_idx %arg8[%get3A_215] : memref<20000xf32, #tpu.memory_space<vmem>>[vector<16xi32>], vector<16xf32>,
      %swap3A_217 = arith.constant 448 : index
      %swap3A_218 = tpu.vector_load %arg11[%swap3A_217] {strides = array<i32>} : memref<1024xf32, #tpu.memory_space<vmem>>, vector<16xf32>,
      tpu.vector_store %arg11[%swap3A_217], %gather3A_216 {strides = array<i32>} : memref<1024xf32, #tpu.memory_space<vmem>>, vector<16xf32>,
      %get3A_219 = arith.constant 464 : index
      %get3A_220 = tpu.vector_load %arg6[%get3A_219] {strides = array<i32>} : memref<1024xi32, #tpu.memory_space<vmem>>, vector<16xi32>,
      %gather3A_221 = tpu.vector_load_idx %arg8[%get3A_220] : memref<20000xf32, #tpu.memory_space<vmem>>[vector<16xi32>], vector<16xf32>,
      %swap3A_222 = arith.constant 464 : index
      %swap3A_223 = tpu.vector_load %arg11[%swap3A_222] {strides = array<i32>} : memref<1024xf32, #tpu.memory_space<vmem>>, vector<16xf32>,
      tpu.vector_store %arg11[%swap3A_222], %gather3A_221 {strides = array<i32>} : memref<1024xf32, #tpu.memory_space<vmem>>, vector<16xf32>,
      %get3A_224 = arith.constant 480 : index
      %get3A_225 = tpu.vector_load %arg6[%get3A_224] {strides = array<i32>} : memref<1024xi32, #tpu.memory_space<vmem>>, vector<16xi32>,
      %gather3A_226 = tpu.vector_load_idx %arg8[%get3A_225] : memref<20000xf32, #tpu.memory_space<vmem>>[vector<16xi32>], vector<16xf32>,
      %swap3A_227 = arith.constant 480 : index
      %swap3A_228 = tpu.vector_load %arg11[%swap3A_227] {strides = array<i32>} : memref<1024xf32, #tpu.memory_space<vmem>>, vector<16xf32>,
      tpu.vector_store %arg11[%swap3A_227], %gather3A_226 {strides = array<i32>} : memref<1024xf32, #tpu.memory_space<vmem>>, vector<16xf32>,
      %get3A_229 = arith.constant 496 : index
      %get3A_230 = tpu.vector_load %arg6[%get3A_229] {strides = array<i32>} : memref<1024xi32, #tpu.memory_space<vmem>>, vector<16xi32>,
      %gather3A_231 = tpu.vector_load_idx %arg8[%get3A_230] : memref<20000xf32, #tpu.memory_space<vmem>>[vector<16xi32>], vector<16xf32>,
      %swap3A_232 = arith.constant 496 : index
      %swap3A_233 = tpu.vector_load %arg11[%swap3A_232] {strides = array<i32>} : memref<1024xf32, #tpu.memory_space<vmem>>, vector<16xf32>,
      tpu.vector_store %arg11[%swap3A_232], %gather3A_231 {strides = array<i32>} : memref<1024xf32, #tpu.memory_space<vmem>>, vector<16xf32>,
      %get3A_234 = arith.constant 512 : index
      %get3A_235 = tpu.vector_load %arg6[%get3A_234] {strides = array<i32>} : memref<1024xi32, #tpu.memory_space<vmem>>, vector<16xi32>,
      %gather3A_236 = tpu.vector_load_idx %arg8[%get3A_235] : memref<20000xf32, #tpu.memory_space<vmem>>[vector<16xi32>], vector<16xf32>,
      %swap3A_237 = arith.constant 512 : index
      %swap3A_238 = tpu.vector_load %arg11[%swap3A_237] {strides = array<i32>} : memref<1024xf32, #tpu.memory_space<vmem>>, vector<16xf32>,
      tpu.vector_store %arg11[%swap3A_237], %gather3A_236 {strides = array<i32>} : memref<1024xf32, #tpu.memory_space<vmem>>, vector<16xf32>,
      %get3A_239 = arith.constant 528 : index
      %get3A_240 = tpu.vector_load %arg6[%get3A_239] {strides = array<i32>} : memref<1024xi32, #tpu.memory_space<vmem>>, vector<16xi32>,
      %gather3A_241 = tpu.vector_load_idx %arg8[%get3A_240] : memref<20000xf32, #tpu.memory_space<vmem>>[vector<16xi32>], vector<16xf32>,
      %swap3A_242 = arith.constant 528 : index
      %swap3A_243 = tpu.vector_load %arg11[%swap3A_242] {strides = array<i32>} : memref<1024xf32, #tpu.memory_space<vmem>>, vector<16xf32>,
      tpu.vector_store %arg11[%swap3A_242], %gather3A_241 {strides = array<i32>} : memref<1024xf32, #tpu.memory_space<vmem>>, vector<16xf32>,
      %get3A_244 = arith.constant 544 : index
      %get3A_245 = tpu.vector_load %arg6[%get3A_244] {strides = array<i32>} : memref<1024xi32, #tpu.memory_space<vmem>>, vector<16xi32>,
      %gather3A_246 = tpu.vector_load_idx %arg8[%get3A_245] : memref<20000xf32, #tpu.memory_space<vmem>>[vector<16xi32>], vector<16xf32>,
      %swap3A_247 = arith.constant 544 : index
      %swap3A_248 = tpu.vector_load %arg11[%swap3A_247] {strides = array<i32>} : memref<1024xf32, #tpu.memory_space<vmem>>, vector<16xf32>,
      tpu.vector_store %arg11[%swap3A_247], %gather3A_246 {strides = array<i32>} : memref<1024xf32, #tpu.memory_space<vmem>>, vector<16xf32>,
      %get3A_249 = arith.constant 560 : index
      %get3A_250 = tpu.vector_load %arg6[%get3A_249] {strides = array<i32>} : memref<1024xi32, #tpu.memory_space<vmem>>, vector<16xi32>,
      %gather3A_251 = tpu.vector_load_idx %arg8[%get3A_250] : memref<20000xf32, #tpu.memory_space<vmem>>[vector<16xi32>], vector<16xf32>,
      %swap3A_252 = arith.constant 560 : index
      %swap3A_253 = tpu.vector_load %arg11[%swap3A_252] {strides = array<i32>} : memref<1024xf32, #tpu.memory_space<vmem>>, vector<16xf32>,
      tpu.vector_store %arg11[%swap3A_252], %gather3A_251 {strides = array<i32>} : memref<1024xf32, #tpu.memory_space<vmem>>, vector<16xf32>,
      %get3A_254 = arith.constant 576 : index
      %get3A_255 = tpu.vector_load %arg6[%get3A_254] {strides = array<i32>} : memref<1024xi32, #tpu.memory_space<vmem>>, vector<16xi32>,
      %gather3A_256 = tpu.vector_load_idx %arg8[%get3A_255] : memref<20000xf32, #tpu.memory_space<vmem>>[vector<16xi32>], vector<16xf32>,
      %swap3A_257 = arith.constant 576 : index
      %swap3A_258 = tpu.vector_load %arg11[%swap3A_257] {strides = array<i32>} : memref<1024xf32, #tpu.memory_space<vmem>>, vector<16xf32>,
      tpu.vector_store %arg11[%swap3A_257], %gather3A_256 {strides = array<i32>} : memref<1024xf32, #tpu.memory_space<vmem>>, vector<16xf32>,
      %get3A_259 = arith.constant 592 : index
      %get3A_260 = tpu.vector_load %arg6[%get3A_259] {strides = array<i32>} : memref<1024xi32, #tpu.memory_space<vmem>>, vector<16xi32>,
      %gather3A_261 = tpu.vector_load_idx %arg8[%get3A_260] : memref<20000xf32, #tpu.memory_space<vmem>>[vector<16xi32>], vector<16xf32>,
      %swap3A_262 = arith.constant 592 : index
      %swap3A_263 = tpu.vector_load %arg11[%swap3A_262] {strides = array<i32>} : memref<1024xf32, #tpu.memory_space<vmem>>, vector<16xf32>,
      tpu.vector_store %arg11[%swap3A_262], %gather3A_261 {strides = array<i32>} : memref<1024xf32, #tpu.memory_space<vmem>>, vector<16xf32>,
      %get3A_264 = arith.constant 608 : index
      %get3A_265 = tpu.vector_load %arg6[%get3A_264] {strides = array<i32>} : memref<1024xi32, #tpu.memory_space<vmem>>, vector<16xi32>,
      %gather3A_266 = tpu.vector_load_idx %arg8[%get3A_265] : memref<20000xf32, #tpu.memory_space<vmem>>[vector<16xi32>], vector<16xf32>,
      %swap3A_267 = arith.constant 608 : index
      %swap3A_268 = tpu.vector_load %arg11[%swap3A_267] {strides = array<i32>} : memref<1024xf32, #tpu.memory_space<vmem>>, vector<16xf32>,
      tpu.vector_store %arg11[%swap3A_267], %gather3A_266 {strides = array<i32>} : memref<1024xf32, #tpu.memory_space<vmem>>, vector<16xf32>,
      %get3A_269 = arith.constant 624 : index
      %get3A_270 = tpu.vector_load %arg6[%get3A_269] {strides = array<i32>} : memref<1024xi32, #tpu.memory_space<vmem>>, vector<16xi32>,
      %gather3A_271 = tpu.vector_load_idx %arg8[%get3A_270] : memref<20000xf32, #tpu.memory_space<vmem>>[vector<16xi32>], vector<16xf32>,
      %swap3A_272 = arith.constant 624 : index
      %swap3A_273 = tpu.vector_load %arg11[%swap3A_272] {strides = array<i32>} : memref<1024xf32, #tpu.memory_space<vmem>>, vector<16xf32>,
      tpu.vector_store %arg11[%swap3A_272], %gather3A_271 {strides = array<i32>} : memref<1024xf32, #tpu.memory_space<vmem>>, vector<16xf32>,
      %get3A_274 = arith.constant 640 : index
      %get3A_275 = tpu.vector_load %arg6[%get3A_274] {strides = array<i32>} : memref<1024xi32, #tpu.memory_space<vmem>>, vector<16xi32>,
      %gather3A_276 = tpu.vector_load_idx %arg8[%get3A_275] : memref<20000xf32, #tpu.memory_space<vmem>>[vector<16xi32>], vector<16xf32>,
      %swap3A_277 = arith.constant 640 : index
      %swap3A_278 = tpu.vector_load %arg11[%swap3A_277] {strides = array<i32>} : memref<1024xf32, #tpu.memory_space<vmem>>, vector<16xf32>,
      tpu.vector_store %arg11[%swap3A_277], %gather3A_276 {strides = array<i32>} : memref<1024xf32, #tpu.memory_space<vmem>>, vector<16xf32>,
      %get3A_279 = arith.constant 656 : index
      %get3A_280 = tpu.vector_load %arg6[%get3A_279] {strides = array<i32>} : memref<1024xi32, #tpu.memory_space<vmem>>, vector<16xi32>,
      %gather3A_281 = tpu.vector_load_idx %arg8[%get3A_280] : memref<20000xf32, #tpu.memory_space<vmem>>[vector<16xi32>], vector<16xf32>,
      %swap3A_282 = arith.constant 656 : index
      %swap3A_283 = tpu.vector_load %arg11[%swap3A_282] {strides = array<i32>} : memref<1024xf32, #tpu.memory_space<vmem>>, vector<16xf32>,
      tpu.vector_store %arg11[%swap3A_282], %gather3A_281 {strides = array<i32>} : memref<1024xf32, #tpu.memory_space<vmem>>, vector<16xf32>,
      %get3A_284 = arith.constant 672 : index
      %get3A_285 = tpu.vector_load %arg6[%get3A_284] {strides = array<i32>} : memref<1024xi32, #tpu.memory_space<vmem>>, vector<16xi32>,
      %gather3A_286 = tpu.vector_load_idx %arg8[%get3A_285] : memref<20000xf32, #tpu.memory_space<vmem>>[vector<16xi32>], vector<16xf32>,
      %swap3A_287 = arith.constant 672 : index
      %swap3A_288 = tpu.vector_load %arg11[%swap3A_287] {strides = array<i32>} : memref<1024xf32, #tpu.memory_space<vmem>>, vector<16xf32>,
      tpu.vector_store %arg11[%swap3A_287], %gather3A_286 {strides = array<i32>} : memref<1024xf32, #tpu.memory_space<vmem>>, vector<16xf32>,
      %get3A_289 = arith.constant 688 : index
      %get3A_290 = tpu.vector_load %arg6[%get3A_289] {strides = array<i32>} : memref<1024xi32, #tpu.memory_space<vmem>>, vector<16xi32>,
      %gather3A_291 = tpu.vector_load_idx %arg8[%get3A_290] : memref<20000xf32, #tpu.memory_space<vmem>>[vector<16xi32>], vector<16xf32>,
      %swap3A_292 = arith.constant 688 : index
      %swap3A_293 = tpu.vector_load %arg11[%swap3A_292] {strides = array<i32>} : memref<1024xf32, #tpu.memory_space<vmem>>, vector<16xf32>,
      tpu.vector_store %arg11[%swap3A_292], %gather3A_291 {strides = array<i32>} : memref<1024xf32, #tpu.memory_space<vmem>>, vector<16xf32>,
      %get3A_294 = arith.constant 704 : index
      %get3A_295 = tpu.vector_load %arg6[%get3A_294] {strides = array<i32>} : memref<1024xi32, #tpu.memory_space<vmem>>, vector<16xi32>,
      %gather3A_296 = tpu.vector_load_idx %arg8[%get3A_295] : memref<20000xf32, #tpu.memory_space<vmem>>[vector<16xi32>], vector<16xf32>,
      %swap3A_297 = arith.constant 704 : index
      %swap3A_298 = tpu.vector_load %arg11[%swap3A_297] {strides = array<i32>} : memref<1024xf32, #tpu.memory_space<vmem>>, vector<16xf32>,
      tpu.vector_store %arg11[%swap3A_297], %gather3A_296 {strides = array<i32>} : memref<1024xf32, #tpu.memory_space<vmem>>, vector<16xf32>,
      %get3A_299 = arith.constant 720 : index
      %get3A_300 = tpu.vector_load %arg6[%get3A_299] {strides = array<i32>} : memref<1024xi32, #tpu.memory_space<vmem>>, vector<16xi32>,
      %gather3A_301 = tpu.vector_load_idx %arg8[%get3A_300] : memref<20000xf32, #tpu.memory_space<vmem>>[vector<16xi32>], vector<16xf32>,
      %swap3A_302 = arith.constant 720 : index
      %swap3A_303 = tpu.vector_load %arg11[%swap3A_302] {strides = array<i32>} : memref<1024xf32, #tpu.memory_space<vmem>>, vector<16xf32>,
      tpu.vector_store %arg11[%swap3A_302], %gather3A_301 {strides = array<i32>} : memref<1024xf32, #tpu.memory_space<vmem>>, vector<16xf32>,
      %get3A_304 = arith.constant 736 : index
      %get3A_305 = tpu.vector_load %arg6[%get3A_304] {strides = array<i32>} : memref<1024xi32, #tpu.memory_space<vmem>>, vector<16xi32>,
      %gather3A_306 = tpu.vector_load_idx %arg8[%get3A_305] : memref<20000xf32, #tpu.memory_space<vmem>>[vector<16xi32>], vector<16xf32>,
      %swap3A_307 = arith.constant 736 : index
      %swap3A_308 = tpu.vector_load %arg11[%swap3A_307] {strides = array<i32>} : memref<1024xf32, #tpu.memory_space<vmem>>, vector<16xf32>,
      tpu.vector_store %arg11[%swap3A_307], %gather3A_306 {strides = array<i32>} : memref<1024xf32, #tpu.memory_space<vmem>>, vector<16xf32>,
      %get3A_309 = arith.constant 752 : index
      %get3A_310 = tpu.vector_load %arg6[%get3A_309] {strides = array<i32>} : memref<1024xi32, #tpu.memory_space<vmem>>, vector<16xi32>,
      %gather3A_311 = tpu.vector_load_idx %arg8[%get3A_310] : memref<20000xf32, #tpu.memory_space<vmem>>[vector<16xi32>], vector<16xf32>,
      %swap3A_312 = arith.constant 752 : index
      %swap3A_313 = tpu.vector_load %arg11[%swap3A_312] {strides = array<i32>} : memref<1024xf32, #tpu.memory_space<vmem>>, vector<16xf32>,
      tpu.vector_store %arg11[%swap3A_312], %gather3A_311 {strides = array<i32>} : memref<1024xf32, #tpu.memory_space<vmem>>, vector<16xf32>,
      %get3A_314 = arith.constant 768 : index
      %get3A_315 = tpu.vector_load %arg6[%get3A_314] {strides = array<i32>} : memref<1024xi32, #tpu.memory_space<vmem>>, vector<16xi32>,
      %gather3A_316 = tpu.vector_load_idx %arg8[%get3A_315] : memref<20000xf32, #tpu.memory_space<vmem>>[vector<16xi32>], vector<16xf32>,
      %swap3A_317 = arith.constant 768 : index
      %swap3A_318 = tpu.vector_load %arg11[%swap3A_317] {strides = array<i32>} : memref<1024xf32, #tpu.memory_space<vmem>>, vector<16xf32>,
      tpu.vector_store %arg11[%swap3A_317], %gather3A_316 {strides = array<i32>} : memref<1024xf32, #tpu.memory_space<vmem>>, vector<16xf32>,
      %get3A_319 = arith.constant 784 : index
      %get3A_320 = tpu.vector_load %arg6[%get3A_319] {strides = array<i32>} : memref<1024xi32, #tpu.memory_space<vmem>>, vector<16xi32>,
      %gather3A_321 = tpu.vector_load_idx %arg8[%get3A_320] : memref<20000xf32, #tpu.memory_space<vmem>>[vector<16xi32>], vector<16xf32>,
      %swap3A_322 = arith.constant 784 : index
      %swap3A_323 = tpu.vector_load %arg11[%swap3A_322] {strides = array<i32>} : memref<1024xf32, #tpu.memory_space<vmem>>, vector<16xf32>,
      tpu.vector_store %arg11[%swap3A_322], %gather3A_321 {strides = array<i32>} : memref<1024xf32, #tpu.memory_space<vmem>>, vector<16xf32>,
      %get3A_324 = arith.constant 800 : index
      %get3A_325 = tpu.vector_load %arg6[%get3A_324] {strides = array<i32>} : memref<1024xi32, #tpu.memory_space<vmem>>, vector<16xi32>,
      %gather3A_326 = tpu.vector_load_idx %arg8[%get3A_325] : memref<20000xf32, #tpu.memory_space<vmem>>[vector<16xi32>], vector<16xf32>,
      %swap3A_327 = arith.constant 800 : index
      %swap3A_328 = tpu.vector_load %arg11[%swap3A_327] {strides = array<i32>} : memref<1024xf32, #tpu.memory_space<vmem>>, vector<16xf32>,
      tpu.vector_store %arg11[%swap3A_327], %gather3A_326 {strides = array<i32>} : memref<1024xf32, #tpu.memory_space<vmem>>, vector<16xf32>,
      %get3A_329 = arith.constant 816 : index
      %get3A_330 = tpu.vector_load %arg6[%get3A_329] {strides = array<i32>} : memref<1024xi32, #tpu.memory_space<vmem>>, vector<16xi32>,
      %gather3A_331 = tpu.vector_load_idx %arg8[%get3A_330] : memref<20000xf32, #tpu.memory_space<vmem>>[vector<16xi32>], vector<16xf32>,
      %swap3A_332 = arith.constant 816 : index
      %swap3A_333 = tpu.vector_load %arg11[%swap3A_332] {strides = array<i32>} : memref<1024xf32, #tpu.memory_space<vmem>>, vector<16xf32>,
      tpu.vector_store %arg11[%swap3A_332], %gather3A_331 {strides = array<i32>} : memref<1024xf32, #tpu.memory_space<vmem>>, vector<16xf32>,
      %get3A_334 = arith.constant 832 : index
      %get3A_335 = tpu.vector_load %arg6[%get3A_334] {strides = array<i32>} : memref<1024xi32, #tpu.memory_space<vmem>>, vector<16xi32>,
      %gather3A_336 = tpu.vector_load_idx %arg8[%get3A_335] : memref<20000xf32, #tpu.memory_space<vmem>>[vector<16xi32>], vector<16xf32>,
      %swap3A_337 = arith.constant 832 : index
      %swap3A_338 = tpu.vector_load %arg11[%swap3A_337] {strides = array<i32>} : memref<1024xf32, #tpu.memory_space<vmem>>, vector<16xf32>,
      tpu.vector_store %arg11[%swap3A_337], %gather3A_336 {strides = array<i32>} : memref<1024xf32, #tpu.memory_space<vmem>>, vector<16xf32>,
      %get3A_339 = arith.constant 848 : index
      %get3A_340 = tpu.vector_load %arg6[%get3A_339] {strides = array<i32>} : memref<1024xi32, #tpu.memory_space<vmem>>, vector<16xi32>,
      %gather3A_341 = tpu.vector_load_idx %arg8[%get3A_340] : memref<20000xf32, #tpu.memory_space<vmem>>[vector<16xi32>], vector<16xf32>,
      %swap3A_342 = arith.constant 848 : index
      %swap3A_343 = tpu.vector_load %arg11[%swap3A_342] {strides = array<i32>} : memref<1024xf32, #tpu.memory_space<vmem>>, vector<16xf32>,
      tpu.vector_store %arg11[%swap3A_342], %gather3A_341 {strides = array<i32>} : memref<1024xf32, #tpu.memory_space<vmem>>, vector<16xf32>,
      %get3A_344 = arith.constant 864 : index
      %get3A_345 = tpu.vector_load %arg6[%get3A_344] {strides = array<i32>} : memref<1024xi32, #tpu.memory_space<vmem>>, vector<16xi32>,
      %gather3A_346 = tpu.vector_load_idx %arg8[%get3A_345] : memref<20000xf32, #tpu.memory_space<vmem>>[vector<16xi32>], vector<16xf32>,
      %swap3A_347 = arith.constant 864 : index
      %swap3A_348 = tpu.vector_load %arg11[%swap3A_347] {strides = array<i32>} : memref<1024xf32, #tpu.memory_space<vmem>>, vector<16xf32>,
      tpu.vector_store %arg11[%swap3A_347], %gather3A_346 {strides = array<i32>} : memref<1024xf32, #tpu.memory_space<vmem>>, vector<16xf32>,
      %get3A_349 = arith.constant 880 : index
      %get3A_350 = tpu.vector_load %arg6[%get3A_349] {strides = array<i32>} : memref<1024xi32, #tpu.memory_space<vmem>>, vector<16xi32>,
      %gather3A_351 = tpu.vector_load_idx %arg8[%get3A_350] : memref<20000xf32, #tpu.memory_space<vmem>>[vector<16xi32>], vector<16xf32>,
      %swap3A_352 = arith.constant 880 : index
      %swap3A_353 = tpu.vector_load %arg11[%swap3A_352] {strides = array<i32>} : memref<1024xf32, #tpu.memory_space<vmem>>, vector<16xf32>,
      tpu.vector_store %arg11[%swap3A_352], %gather3A_351 {strides = array<i32>} : memref<1024xf32, #tpu.memory_space<vmem>>, vector<16xf32>,
      %get3A_354 = arith.constant 896 : index
      %get3A_355 = tpu.vector_load %arg6[%get3A_354] {strides = array<i32>} : memref<1024xi32, #tpu.memory_space<vmem>>, vector<16xi32>,
      %gather3A_356 = tpu.vector_load_idx %arg8[%get3A_355] : memref<20000xf32, #tpu.memory_space<vmem>>[vector<16xi32>], vector<16xf32>,
      %swap3A_357 = arith.constant 896 : index
      %swap3A_358 = tpu.vector_load %arg11[%swap3A_357] {strides = array<i32>} : memref<1024xf32, #tpu.memory_space<vmem>>, vector<16xf32>,
      tpu.vector_store %arg11[%swap3A_357], %gather3A_356 {strides = array<i32>} : memref<1024xf32, #tpu.memory_space<vmem>>, vector<16xf32>,
      %get3A_359 = arith.constant 912 : index
      %get3A_360 = tpu.vector_load %arg6[%get3A_359] {strides = array<i32>} : memref<1024xi32, #tpu.memory_space<vmem>>, vector<16xi32>,
      %gather3A_361 = tpu.vector_load_idx %arg8[%get3A_360] : memref<20000xf32, #tpu.memory_space<vmem>>[vector<16xi32>], vector<16xf32>,
      %swap3A_362 = arith.constant 912 : index
      %swap3A_363 = tpu.vector_load %arg11[%swap3A_362] {strides = array<i32>} : memref<1024xf32, #tpu.memory_space<vmem>>, vector<16xf32>,
      tpu.vector_store %arg11[%swap3A_362], %gather3A_361 {strides = array<i32>} : memref<1024xf32, #tpu.memory_space<vmem>>, vector<16xf32>,
      %get3A_364 = arith.constant 928 : index
      %get3A_365 = tpu.vector_load %arg6[%get3A_364] {strides = array<i32>} : memref<1024xi32, #tpu.memory_space<vmem>>, vector<16xi32>,
      %gather3A_366 = tpu.vector_load_idx %arg8[%get3A_365] : memref<20000xf32, #tpu.memory_space<vmem>>[vector<16xi32>], vector<16xf32>,
      %swap3A_367 = arith.constant 928 : index
      %swap3A_368 = tpu.vector_load %arg11[%swap3A_367] {strides = array<i32>} : memref<1024xf32, #tpu.memory_space<vmem>>, vector<16xf32>,
      tpu.vector_store %arg11[%swap3A_367], %gather3A_366 {strides = array<i32>} : memref<1024xf32, #tpu.memory_space<vmem>>, vector<16xf32>,
      %get3A_369 = arith.constant 944 : index
      %get3A_370 = tpu.vector_load %arg6[%get3A_369] {strides = array<i32>} : memref<1024xi32, #tpu.memory_space<vmem>>, vector<16xi32>,
      %gather3A_371 = tpu.vector_load_idx %arg8[%get3A_370] : memref<20000xf32, #tpu.memory_space<vmem>>[vector<16xi32>], vector<16xf32>,
      %swap3A_372 = arith.constant 944 : index
      %swap3A_373 = tpu.vector_load %arg11[%swap3A_372] {strides = array<i32>} : memref<1024xf32, #tpu.memory_space<vmem>>, vector<16xf32>,
      tpu.vector_store %arg11[%swap3A_372], %gather3A_371 {strides = array<i32>} : memref<1024xf32, #tpu.memory_space<vmem>>, vector<16xf32>,
      %get3A_374 = arith.constant 960 : index
      %get3A_375 = tpu.vector_load %arg6[%get3A_374] {strides = array<i32>} : memref<1024xi32, #tpu.memory_space<vmem>>, vector<16xi32>,
      %gather3A_376 = tpu.vector_load_idx %arg8[%get3A_375] : memref<20000xf32, #tpu.memory_space<vmem>>[vector<16xi32>], vector<16xf32>,
      %swap3A_377 = arith.constant 960 : index
      %swap3A_378 = tpu.vector_load %arg11[%swap3A_377] {strides = array<i32>} : memref<1024xf32, #tpu.memory_space<vmem>>, vector<16xf32>,
      tpu.vector_store %arg11[%swap3A_377], %gather3A_376 {strides = array<i32>} : memref<1024xf32, #tpu.memory_space<vmem>>, vector<16xf32>,
      %get3A_379 = arith.constant 976 : index
      %get3A_380 = tpu.vector_load %arg6[%get3A_379] {strides = array<i32>} : memref<1024xi32, #tpu.memory_space<vmem>>, vector<16xi32>,
      %gather3A_381 = tpu.vector_load_idx %arg8[%get3A_380] : memref<20000xf32, #tpu.memory_space<vmem>>[vector<16xi32>], vector<16xf32>,
      %swap3A_382 = arith.constant 976 : index
      %swap3A_383 = tpu.vector_load %arg11[%swap3A_382] {strides = array<i32>} : memref<1024xf32, #tpu.memory_space<vmem>>, vector<16xf32>,
      tpu.vector_store %arg11[%swap3A_382], %gather3A_381 {strides = array<i32>} : memref<1024xf32, #tpu.memory_space<vmem>>, vector<16xf32>,
      %get3A_384 = arith.constant 992 : index
      %get3A_385 = tpu.vector_load %arg6[%get3A_384] {strides = array<i32>} : memref<1024xi32, #tpu.memory_space<vmem>>, vector<16xi32>,
      %gather3A_386 = tpu.vector_load_idx %arg8[%get3A_385] : memref<20000xf32, #tpu.memory_space<vmem>>[vector<16xi32>], vector<16xf32>,
      %swap3A_387 = arith.constant 992 : index
      %swap3A_388 = tpu.vector_load %arg11[%swap3A_387] {strides = array<i32>} : memref<1024xf32, #tpu.memory_space<vmem>>, vector<16xf32>,
      tpu.vector_store %arg11[%swap3A_387], %gather3A_386 {strides = array<i32>} : memref<1024xf32, #tpu.memory_space<vmem>>, vector<16xf32>,
      %get3A_389 = arith.constant 1008 : index
      %get3A_390 = tpu.vector_load %arg6[%get3A_389] {strides = array<i32>} : memref<1024xi32, #tpu.memory_space<vmem>>, vector<16xi32>,
      %gather3A_391 = tpu.vector_load_idx %arg8[%get3A_390] : memref<20000xf32, #tpu.memory_space<vmem>>[vector<16xi32>], vector<16xf32>,
      %swap3A_392 = arith.constant 1008 : index
      %swap3A_393 = tpu.vector_load %arg11[%swap3A_392] {strides = array<i32>} : memref<1024xf32, #tpu.memory_space<vmem>>, vector<16xf32>,
      tpu.vector_store %arg11[%swap3A_392], %gather3A_391 {strides = array<i32>} : memref<1024xf32, #tpu.memory_space<vmem>>, vector<16xf32>,
      "tpu.region"() ({
        %run_scoped3A = tpu.sem_alloc : memref<!tpu.dma_semaphore, #tpu.memory_space<semaphore_mem>>
        %dma_start3A = arith.constant 0 : i32
        %dma_start3A_394 = tpu.memref_slice %arg5[%add3A_52, %dma_start3A] : memref<128x1024xf32, #tpu.memory_space<hbm>> -> memref<1x1024xf32, #tpu.memory_space<hbm>>
        %dma_start3A_395 = tpu.memref_squeeze %dma_start3A_394 : memref<1x1024xf32, #tpu.memory_space<hbm>> -> memref<1024xf32, #tpu.memory_space<hbm>>
        %dma_start3A_396 = arith.constant 0 : i32
        %dma_start3A_397 = tpu.memref_slice %arg5[%add3A_52, %dma_start3A_396] : memref<128x1024xf32, #tpu.memory_space<hbm>> -> memref<1x1024xf32, #tpu.memory_space<hbm>>
        %dma_start3A_398 = tpu.memref_squeeze %dma_start3A_397 : memref<1x1024xf32, #tpu.memory_space<hbm>> -> memref<1024xf32, #tpu.memory_space<hbm>>
        tpu.enqueue_dma source(%arg11 : memref<1024xf32, #tpu.memory_space<vmem>>) target(%dma_start3A_398 : memref<1024xf32, #tpu.memory_space<hbm>>) target_semaphore(%run_scoped3A : memref<!tpu.dma_semaphore, #tpu.memory_space<semaphore_mem>>)
        %dma_wait3A_399 = arith.constant 0 : i32
        %dma_wait3A_400 = tpu.memref_slice %arg5[%add3A_52, %dma_wait3A_399] : memref<128x1024xf32, #tpu.memory_space<hbm>> -> memref<1x1024xf32, #tpu.memory_space<hbm>>
        %dma_wait3A_401 = tpu.memref_squeeze %dma_wait3A_400 : memref<1x1024xf32, #tpu.memory_space<hbm>> -> memref<1024xf32, #tpu.memory_space<hbm>>
        %dma_wait3A_402 = arith.constant 0 : i32
        %dma_wait3A_403 = tpu.memref_slice %arg5[%add3A_52, %dma_wait3A_402] : memref<128x1024xf32, #tpu.memory_space<hbm>> -> memref<1x1024xf32, #tpu.memory_space<hbm>>
        %dma_wait3A_404 = tpu.memref_squeeze %dma_wait3A_403 : memref<1x1024xf32, #tpu.memory_space<hbm>> -> memref<1024xf32, #tpu.memory_space<hbm>>
        tpu.wait_dma2 semaphore(%run_scoped3A : memref<!tpu.dma_semaphore, #tpu.memory_space<semaphore_mem>>) src(%arg11 : memref<1024xf32, #tpu.memory_space<vmem>>) dst(%dma_wait3A_404 : memref<1024xf32, #tpu.memory_space<hbm>>)
        tpu.yield
      }) : () -> ()
    } else {
    }
    %add3A_58 = arith.constant 64 : i32
    %add3A_59 = arith.addi %add3A, %add3A_58 : i32
    %le3A_60 = arith.constant 100 : i32
    %le3A_61 = arith.cmpi sle, %add3A_59, %le3A_60 : i32
    %convert_element_type3A_62 = arith.extui %le3A_61 : i1 to i32
    %cond3A_63 = arith.constant 0 : i32
    %cond3A_64 = arith.cmpi ne, %convert_element_type3A_62, %cond3A_63 : i32
    scf.if %cond3A_64 {
      %dma_wait3A = arith.constant 0 : i32
      %dma_wait3A_72 = tpu.memref_slice %arg2[%add3A_59, %dma_wait3A] : memref<100x20000xf32, #tpu.memory_space<hbm>> -> memref<1x20000xf32, #tpu.memory_space<hbm>>
      %dma_wait3A_73 = tpu.memref_squeeze %dma_wait3A_72 : memref<1x20000xf32, #tpu.memory_space<hbm>> -> memref<20000xf32, #tpu.memory_space<hbm>>
      %dma_wait3A_74 = arith.constant 0 : i32
      %dma_wait3A_75 = tpu.memref_slice %arg2[%add3A_59, %dma_wait3A_74] : memref<100x20000xf32, #tpu.memory_space<hbm>> -> memref<1x20000xf32, #tpu.memory_space<hbm>>
      %dma_wait3A_76 = tpu.memref_squeeze %dma_wait3A_75 : memref<1x20000xf32, #tpu.memory_space<hbm>> -> memref<20000xf32, #tpu.memory_space<hbm>>
      tpu.wait_dma2 semaphore(%arg14 : memref<!tpu.dma_semaphore, #tpu.memory_space<semaphore_mem>>) src(%dma_wait3A_76 : memref<20000xf32, #tpu.memory_space<hbm>>) dst(%arg9 : memref<20000xf32, #tpu.memory_space<vmem>>)
      %get3A = arith.constant 0 : index
      %get3A_77 = tpu.vector_load %arg6[%get3A] {strides = array<i32>} : memref<1024xi32, #tpu.memory_space<vmem>>, vector<16xi32>,
      %gather3A = tpu.vector_load_idx %arg9[%get3A_77] : memref<20000xf32, #tpu.memory_space<vmem>>[vector<16xi32>], vector<16xf32>,
      %swap3A = arith.constant 0 : index
      %swap3A_78 = tpu.vector_load %arg11[%swap3A] {strides = array<i32>} : memref<1024xf32, #tpu.memory_space<vmem>>, vector<16xf32>,
      tpu.vector_store %arg11[%swap3A], %gather3A {strides = array<i32>} : memref<1024xf32, #tpu.memory_space<vmem>>, vector<16xf32>,
      %get3A_79 = arith.constant 16 : index
      %get3A_80 = tpu.vector_load %arg6[%get3A_79] {strides = array<i32>} : memref<1024xi32, #tpu.memory_space<vmem>>, vector<16xi32>,
      %gather3A_81 = tpu.vector_load_idx %arg9[%get3A_80] : memref<20000xf32, #tpu.memory_space<vmem>>[vector<16xi32>], vector<16xf32>,
      %swap3A_82 = arith.constant 16 : index
      %swap3A_83 = tpu.vector_load %arg11[%swap3A_82] {strides = array<i32>} : memref<1024xf32, #tpu.memory_space<vmem>>, vector<16xf32>,
      tpu.vector_store %arg11[%swap3A_82], %gather3A_81 {strides = array<i32>} : memref<1024xf32, #tpu.memory_space<vmem>>, vector<16xf32>,
      %get3A_84 = arith.constant 32 : index
      %get3A_85 = tpu.vector_load %arg6[%get3A_84] {strides = array<i32>} : memref<1024xi32, #tpu.memory_space<vmem>>, vector<16xi32>,
      %gather3A_86 = tpu.vector_load_idx %arg9[%get3A_85] : memref<20000xf32, #tpu.memory_space<vmem>>[vector<16xi32>], vector<16xf32>,
      %swap3A_87 = arith.constant 32 : index
      %swap3A_88 = tpu.vector_load %arg11[%swap3A_87] {strides = array<i32>} : memref<1024xf32, #tpu.memory_space<vmem>>, vector<16xf32>,
      tpu.vector_store %arg11[%swap3A_87], %gather3A_86 {strides = array<i32>} : memref<1024xf32, #tpu.memory_space<vmem>>, vector<16xf32>,
      %get3A_89 = arith.constant 48 : index
      %get3A_90 = tpu.vector_load %arg6[%get3A_89] {strides = array<i32>} : memref<1024xi32, #tpu.memory_space<vmem>>, vector<16xi32>,
      %gather3A_91 = tpu.vector_load_idx %arg9[%get3A_90] : memref<20000xf32, #tpu.memory_space<vmem>>[vector<16xi32>], vector<16xf32>,
      %swap3A_92 = arith.constant 48 : index
      %swap3A_93 = tpu.vector_load %arg11[%swap3A_92] {strides = array<i32>} : memref<1024xf32, #tpu.memory_space<vmem>>, vector<16xf32>,
      tpu.vector_store %arg11[%swap3A_92], %gather3A_91 {strides = array<i32>} : memref<1024xf32, #tpu.memory_space<vmem>>, vector<16xf32>,
      %get3A_94 = arith.constant 64 : index
      %get3A_95 = tpu.vector_load %arg6[%get3A_94] {strides = array<i32>} : memref<1024xi32, #tpu.memory_space<vmem>>, vector<16xi32>,
      %gather3A_96 = tpu.vector_load_idx %arg9[%get3A_95] : memref<20000xf32, #tpu.memory_space<vmem>>[vector<16xi32>], vector<16xf32>,
      %swap3A_97 = arith.constant 64 : index
      %swap3A_98 = tpu.vector_load %arg11[%swap3A_97] {strides = array<i32>} : memref<1024xf32, #tpu.memory_space<vmem>>, vector<16xf32>,
      tpu.vector_store %arg11[%swap3A_97], %gather3A_96 {strides = array<i32>} : memref<1024xf32, #tpu.memory_space<vmem>>, vector<16xf32>,
      %get3A_99 = arith.constant 80 : index
      %get3A_100 = tpu.vector_load %arg6[%get3A_99] {strides = array<i32>} : memref<1024xi32, #tpu.memory_space<vmem>>, vector<16xi32>,
      %gather3A_101 = tpu.vector_load_idx %arg9[%get3A_100] : memref<20000xf32, #tpu.memory_space<vmem>>[vector<16xi32>], vector<16xf32>,
      %swap3A_102 = arith.constant 80 : index
      %swap3A_103 = tpu.vector_load %arg11[%swap3A_102] {strides = array<i32>} : memref<1024xf32, #tpu.memory_space<vmem>>, vector<16xf32>,
      tpu.vector_store %arg11[%swap3A_102], %gather3A_101 {strides = array<i32>} : memref<1024xf32, #tpu.memory_space<vmem>>, vector<16xf32>,
      %get3A_104 = arith.constant 96 : index
      %get3A_105 = tpu.vector_load %arg6[%get3A_104] {strides = array<i32>} : memref<1024xi32, #tpu.memory_space<vmem>>, vector<16xi32>,
      %gather3A_106 = tpu.vector_load_idx %arg9[%get3A_105] : memref<20000xf32, #tpu.memory_space<vmem>>[vector<16xi32>], vector<16xf32>,
      %swap3A_107 = arith.constant 96 : index
      %swap3A_108 = tpu.vector_load %arg11[%swap3A_107] {strides = array<i32>} : memref<1024xf32, #tpu.memory_space<vmem>>, vector<16xf32>,
      tpu.vector_store %arg11[%swap3A_107], %gather3A_106 {strides = array<i32>} : memref<1024xf32, #tpu.memory_space<vmem>>, vector<16xf32>,
      %get3A_109 = arith.constant 112 : index
      %get3A_110 = tpu.vector_load %arg6[%get3A_109] {strides = array<i32>} : memref<1024xi32, #tpu.memory_space<vmem>>, vector<16xi32>,
      %gather3A_111 = tpu.vector_load_idx %arg9[%get3A_110] : memref<20000xf32, #tpu.memory_space<vmem>>[vector<16xi32>], vector<16xf32>,
      %swap3A_112 = arith.constant 112 : index
      %swap3A_113 = tpu.vector_load %arg11[%swap3A_112] {strides = array<i32>} : memref<1024xf32, #tpu.memory_space<vmem>>, vector<16xf32>,
      tpu.vector_store %arg11[%swap3A_112], %gather3A_111 {strides = array<i32>} : memref<1024xf32, #tpu.memory_space<vmem>>, vector<16xf32>,
      %get3A_114 = arith.constant 128 : index
      %get3A_115 = tpu.vector_load %arg6[%get3A_114] {strides = array<i32>} : memref<1024xi32, #tpu.memory_space<vmem>>, vector<16xi32>,
      %gather3A_116 = tpu.vector_load_idx %arg9[%get3A_115] : memref<20000xf32, #tpu.memory_space<vmem>>[vector<16xi32>], vector<16xf32>,
      %swap3A_117 = arith.constant 128 : index
      %swap3A_118 = tpu.vector_load %arg11[%swap3A_117] {strides = array<i32>} : memref<1024xf32, #tpu.memory_space<vmem>>, vector<16xf32>,
      tpu.vector_store %arg11[%swap3A_117], %gather3A_116 {strides = array<i32>} : memref<1024xf32, #tpu.memory_space<vmem>>, vector<16xf32>,
      %get3A_119 = arith.constant 144 : index
      %get3A_120 = tpu.vector_load %arg6[%get3A_119] {strides = array<i32>} : memref<1024xi32, #tpu.memory_space<vmem>>, vector<16xi32>,
      %gather3A_121 = tpu.vector_load_idx %arg9[%get3A_120] : memref<20000xf32, #tpu.memory_space<vmem>>[vector<16xi32>], vector<16xf32>,
      %swap3A_122 = arith.constant 144 : index
      %swap3A_123 = tpu.vector_load %arg11[%swap3A_122] {strides = array<i32>} : memref<1024xf32, #tpu.memory_space<vmem>>, vector<16xf32>,
      tpu.vector_store %arg11[%swap3A_122], %gather3A_121 {strides = array<i32>} : memref<1024xf32, #tpu.memory_space<vmem>>, vector<16xf32>,
      %get3A_124 = arith.constant 160 : index
      %get3A_125 = tpu.vector_load %arg6[%get3A_124] {strides = array<i32>} : memref<1024xi32, #tpu.memory_space<vmem>>, vector<16xi32>,
      %gather3A_126 = tpu.vector_load_idx %arg9[%get3A_125] : memref<20000xf32, #tpu.memory_space<vmem>>[vector<16xi32>], vector<16xf32>,
      %swap3A_127 = arith.constant 160 : index
      %swap3A_128 = tpu.vector_load %arg11[%swap3A_127] {strides = array<i32>} : memref<1024xf32, #tpu.memory_space<vmem>>, vector<16xf32>,
      tpu.vector_store %arg11[%swap3A_127], %gather3A_126 {strides = array<i32>} : memref<1024xf32, #tpu.memory_space<vmem>>, vector<16xf32>,
      %get3A_129 = arith.constant 176 : index
      %get3A_130 = tpu.vector_load %arg6[%get3A_129] {strides = array<i32>} : memref<1024xi32, #tpu.memory_space<vmem>>, vector<16xi32>,
      %gather3A_131 = tpu.vector_load_idx %arg9[%get3A_130] : memref<20000xf32, #tpu.memory_space<vmem>>[vector<16xi32>], vector<16xf32>,
      %swap3A_132 = arith.constant 176 : index
      %swap3A_133 = tpu.vector_load %arg11[%swap3A_132] {strides = array<i32>} : memref<1024xf32, #tpu.memory_space<vmem>>, vector<16xf32>,
      tpu.vector_store %arg11[%swap3A_132], %gather3A_131 {strides = array<i32>} : memref<1024xf32, #tpu.memory_space<vmem>>, vector<16xf32>,
      %get3A_134 = arith.constant 192 : index
      %get3A_135 = tpu.vector_load %arg6[%get3A_134] {strides = array<i32>} : memref<1024xi32, #tpu.memory_space<vmem>>, vector<16xi32>,
      %gather3A_136 = tpu.vector_load_idx %arg9[%get3A_135] : memref<20000xf32, #tpu.memory_space<vmem>>[vector<16xi32>], vector<16xf32>,
      %swap3A_137 = arith.constant 192 : index
      %swap3A_138 = tpu.vector_load %arg11[%swap3A_137] {strides = array<i32>} : memref<1024xf32, #tpu.memory_space<vmem>>, vector<16xf32>,
      tpu.vector_store %arg11[%swap3A_137], %gather3A_136 {strides = array<i32>} : memref<1024xf32, #tpu.memory_space<vmem>>, vector<16xf32>,
      %get3A_139 = arith.constant 208 : index
      %get3A_140 = tpu.vector_load %arg6[%get3A_139] {strides = array<i32>} : memref<1024xi32, #tpu.memory_space<vmem>>, vector<16xi32>,
      %gather3A_141 = tpu.vector_load_idx %arg9[%get3A_140] : memref<20000xf32, #tpu.memory_space<vmem>>[vector<16xi32>], vector<16xf32>,
      %swap3A_142 = arith.constant 208 : index
      %swap3A_143 = tpu.vector_load %arg11[%swap3A_142] {strides = array<i32>} : memref<1024xf32, #tpu.memory_space<vmem>>, vector<16xf32>,
      tpu.vector_store %arg11[%swap3A_142], %gather3A_141 {strides = array<i32>} : memref<1024xf32, #tpu.memory_space<vmem>>, vector<16xf32>,
      %get3A_144 = arith.constant 224 : index
      %get3A_145 = tpu.vector_load %arg6[%get3A_144] {strides = array<i32>} : memref<1024xi32, #tpu.memory_space<vmem>>, vector<16xi32>,
      %gather3A_146 = tpu.vector_load_idx %arg9[%get3A_145] : memref<20000xf32, #tpu.memory_space<vmem>>[vector<16xi32>], vector<16xf32>,
      %swap3A_147 = arith.constant 224 : index
      %swap3A_148 = tpu.vector_load %arg11[%swap3A_147] {strides = array<i32>} : memref<1024xf32, #tpu.memory_space<vmem>>, vector<16xf32>,
      tpu.vector_store %arg11[%swap3A_147], %gather3A_146 {strides = array<i32>} : memref<1024xf32, #tpu.memory_space<vmem>>, vector<16xf32>,
      %get3A_149 = arith.constant 240 : index
      %get3A_150 = tpu.vector_load %arg6[%get3A_149] {strides = array<i32>} : memref<1024xi32, #tpu.memory_space<vmem>>, vector<16xi32>,
      %gather3A_151 = tpu.vector_load_idx %arg9[%get3A_150] : memref<20000xf32, #tpu.memory_space<vmem>>[vector<16xi32>], vector<16xf32>,
      %swap3A_152 = arith.constant 240 : index
      %swap3A_153 = tpu.vector_load %arg11[%swap3A_152] {strides = array<i32>} : memref<1024xf32, #tpu.memory_space<vmem>>, vector<16xf32>,
      tpu.vector_store %arg11[%swap3A_152], %gather3A_151 {strides = array<i32>} : memref<1024xf32, #tpu.memory_space<vmem>>, vector<16xf32>,
      %get3A_154 = arith.constant 256 : index
      %get3A_155 = tpu.vector_load %arg6[%get3A_154] {strides = array<i32>} : memref<1024xi32, #tpu.memory_space<vmem>>, vector<16xi32>,
      %gather3A_156 = tpu.vector_load_idx %arg9[%get3A_155] : memref<20000xf32, #tpu.memory_space<vmem>>[vector<16xi32>], vector<16xf32>,
      %swap3A_157 = arith.constant 256 : index
      %swap3A_158 = tpu.vector_load %arg11[%swap3A_157] {strides = array<i32>} : memref<1024xf32, #tpu.memory_space<vmem>>, vector<16xf32>,
      tpu.vector_store %arg11[%swap3A_157], %gather3A_156 {strides = array<i32>} : memref<1024xf32, #tpu.memory_space<vmem>>, vector<16xf32>,
      %get3A_159 = arith.constant 272 : index
      %get3A_160 = tpu.vector_load %arg6[%get3A_159] {strides = array<i32>} : memref<1024xi32, #tpu.memory_space<vmem>>, vector<16xi32>,
      %gather3A_161 = tpu.vector_load_idx %arg9[%get3A_160] : memref<20000xf32, #tpu.memory_space<vmem>>[vector<16xi32>], vector<16xf32>,
      %swap3A_162 = arith.constant 272 : index
      %swap3A_163 = tpu.vector_load %arg11[%swap3A_162] {strides = array<i32>} : memref<1024xf32, #tpu.memory_space<vmem>>, vector<16xf32>,
      tpu.vector_store %arg11[%swap3A_162], %gather3A_161 {strides = array<i32>} : memref<1024xf32, #tpu.memory_space<vmem>>, vector<16xf32>,
      %get3A_164 = arith.constant 288 : index
      %get3A_165 = tpu.vector_load %arg6[%get3A_164] {strides = array<i32>} : memref<1024xi32, #tpu.memory_space<vmem>>, vector<16xi32>,
      %gather3A_166 = tpu.vector_load_idx %arg9[%get3A_165] : memref<20000xf32, #tpu.memory_space<vmem>>[vector<16xi32>], vector<16xf32>,
      %swap3A_167 = arith.constant 288 : index
      %swap3A_168 = tpu.vector_load %arg11[%swap3A_167] {strides = array<i32>} : memref<1024xf32, #tpu.memory_space<vmem>>, vector<16xf32>,
      tpu.vector_store %arg11[%swap3A_167], %gather3A_166 {strides = array<i32>} : memref<1024xf32, #tpu.memory_space<vmem>>, vector<16xf32>,
      %get3A_169 = arith.constant 304 : index
      %get3A_170 = tpu.vector_load %arg6[%get3A_169] {strides = array<i32>} : memref<1024xi32, #tpu.memory_space<vmem>>, vector<16xi32>,
      %gather3A_171 = tpu.vector_load_idx %arg9[%get3A_170] : memref<20000xf32, #tpu.memory_space<vmem>>[vector<16xi32>], vector<16xf32>,
      %swap3A_172 = arith.constant 304 : index
      %swap3A_173 = tpu.vector_load %arg11[%swap3A_172] {strides = array<i32>} : memref<1024xf32, #tpu.memory_space<vmem>>, vector<16xf32>,
      tpu.vector_store %arg11[%swap3A_172], %gather3A_171 {strides = array<i32>} : memref<1024xf32, #tpu.memory_space<vmem>>, vector<16xf32>,
      %get3A_174 = arith.constant 320 : index
      %get3A_175 = tpu.vector_load %arg6[%get3A_174] {strides = array<i32>} : memref<1024xi32, #tpu.memory_space<vmem>>, vector<16xi32>,
      %gather3A_176 = tpu.vector_load_idx %arg9[%get3A_175] : memref<20000xf32, #tpu.memory_space<vmem>>[vector<16xi32>], vector<16xf32>,
      %swap3A_177 = arith.constant 320 : index
      %swap3A_178 = tpu.vector_load %arg11[%swap3A_177] {strides = array<i32>} : memref<1024xf32, #tpu.memory_space<vmem>>, vector<16xf32>,
      tpu.vector_store %arg11[%swap3A_177], %gather3A_176 {strides = array<i32>} : memref<1024xf32, #tpu.memory_space<vmem>>, vector<16xf32>,
      %get3A_179 = arith.constant 336 : index
      %get3A_180 = tpu.vector_load %arg6[%get3A_179] {strides = array<i32>} : memref<1024xi32, #tpu.memory_space<vmem>>, vector<16xi32>,
      %gather3A_181 = tpu.vector_load_idx %arg9[%get3A_180] : memref<20000xf32, #tpu.memory_space<vmem>>[vector<16xi32>], vector<16xf32>,
      %swap3A_182 = arith.constant 336 : index
      %swap3A_183 = tpu.vector_load %arg11[%swap3A_182] {strides = array<i32>} : memref<1024xf32, #tpu.memory_space<vmem>>, vector<16xf32>,
      tpu.vector_store %arg11[%swap3A_182], %gather3A_181 {strides = array<i32>} : memref<1024xf32, #tpu.memory_space<vmem>>, vector<16xf32>,
      %get3A_184 = arith.constant 352 : index
      %get3A_185 = tpu.vector_load %arg6[%get3A_184] {strides = array<i32>} : memref<1024xi32, #tpu.memory_space<vmem>>, vector<16xi32>,
      %gather3A_186 = tpu.vector_load_idx %arg9[%get3A_185] : memref<20000xf32, #tpu.memory_space<vmem>>[vector<16xi32>], vector<16xf32>,
      %swap3A_187 = arith.constant 352 : index
      %swap3A_188 = tpu.vector_load %arg11[%swap3A_187] {strides = array<i32>} : memref<1024xf32, #tpu.memory_space<vmem>>, vector<16xf32>,
      tpu.vector_store %arg11[%swap3A_187], %gather3A_186 {strides = array<i32>} : memref<1024xf32, #tpu.memory_space<vmem>>, vector<16xf32>,
      %get3A_189 = arith.constant 368 : index
      %get3A_190 = tpu.vector_load %arg6[%get3A_189] {strides = array<i32>} : memref<1024xi32, #tpu.memory_space<vmem>>, vector<16xi32>,
      %gather3A_191 = tpu.vector_load_idx %arg9[%get3A_190] : memref<20000xf32, #tpu.memory_space<vmem>>[vector<16xi32>], vector<16xf32>,
      %swap3A_192 = arith.constant 368 : index
      %swap3A_193 = tpu.vector_load %arg11[%swap3A_192] {strides = array<i32>} : memref<1024xf32, #tpu.memory_space<vmem>>, vector<16xf32>,
      tpu.vector_store %arg11[%swap3A_192], %gather3A_191 {strides = array<i32>} : memref<1024xf32, #tpu.memory_space<vmem>>, vector<16xf32>,
      %get3A_194 = arith.constant 384 : index
      %get3A_195 = tpu.vector_load %arg6[%get3A_194] {strides = array<i32>} : memref<1024xi32, #tpu.memory_space<vmem>>, vector<16xi32>,
      %gather3A_196 = tpu.vector_load_idx %arg9[%get3A_195] : memref<20000xf32, #tpu.memory_space<vmem>>[vector<16xi32>], vector<16xf32>,
      %swap3A_197 = arith.constant 384 : index
      %swap3A_198 = tpu.vector_load %arg11[%swap3A_197] {strides = array<i32>} : memref<1024xf32, #tpu.memory_space<vmem>>, vector<16xf32>,
      tpu.vector_store %arg11[%swap3A_197], %gather3A_196 {strides = array<i32>} : memref<1024xf32, #tpu.memory_space<vmem>>, vector<16xf32>,
      %get3A_199 = arith.constant 400 : index
      %get3A_200 = tpu.vector_load %arg6[%get3A_199] {strides = array<i32>} : memref<1024xi32, #tpu.memory_space<vmem>>, vector<16xi32>,
      %gather3A_201 = tpu.vector_load_idx %arg9[%get3A_200] : memref<20000xf32, #tpu.memory_space<vmem>>[vector<16xi32>], vector<16xf32>,
      %swap3A_202 = arith.constant 400 : index
      %swap3A_203 = tpu.vector_load %arg11[%swap3A_202] {strides = array<i32>} : memref<1024xf32, #tpu.memory_space<vmem>>, vector<16xf32>,
      tpu.vector_store %arg11[%swap3A_202], %gather3A_201 {strides = array<i32>} : memref<1024xf32, #tpu.memory_space<vmem>>, vector<16xf32>,
      %get3A_204 = arith.constant 416 : index
      %get3A_205 = tpu.vector_load %arg6[%get3A_204] {strides = array<i32>} : memref<1024xi32, #tpu.memory_space<vmem>>, vector<16xi32>,
      %gather3A_206 = tpu.vector_load_idx %arg9[%get3A_205] : memref<20000xf32, #tpu.memory_space<vmem>>[vector<16xi32>], vector<16xf32>,
      %swap3A_207 = arith.constant 416 : index
      %swap3A_208 = tpu.vector_load %arg11[%swap3A_207] {strides = array<i32>} : memref<1024xf32, #tpu.memory_space<vmem>>, vector<16xf32>,
      tpu.vector_store %arg11[%swap3A_207], %gather3A_206 {strides = array<i32>} : memref<1024xf32, #tpu.memory_space<vmem>>, vector<16xf32>,
      %get3A_209 = arith.constant 432 : index
      %get3A_210 = tpu.vector_load %arg6[%get3A_209] {strides = array<i32>} : memref<1024xi32, #tpu.memory_space<vmem>>, vector<16xi32>,
      %gather3A_211 = tpu.vector_load_idx %arg9[%get3A_210] : memref<20000xf32, #tpu.memory_space<vmem>>[vector<16xi32>], vector<16xf32>,
      %swap3A_212 = arith.constant 432 : index
      %swap3A_213 = tpu.vector_load %arg11[%swap3A_212] {strides = array<i32>} : memref<1024xf32, #tpu.memory_space<vmem>>, vector<16xf32>,
      tpu.vector_store %arg11[%swap3A_212], %gather3A_211 {strides = array<i32>} : memref<1024xf32, #tpu.memory_space<vmem>>, vector<16xf32>,
      %get3A_214 = arith.constant 448 : index
      %get3A_215 = tpu.vector_load %arg6[%get3A_214] {strides = array<i32>} : memref<1024xi32, #tpu.memory_space<vmem>>, vector<16xi32>,
      %gather3A_216 = tpu.vector_load_idx %arg9[%get3A_215] : memref<20000xf32, #tpu.memory_space<vmem>>[vector<16xi32>], vector<16xf32>,
      %swap3A_217 = arith.constant 448 : index
      %swap3A_218 = tpu.vector_load %arg11[%swap3A_217] {strides = array<i32>} : memref<1024xf32, #tpu.memory_space<vmem>>, vector<16xf32>,
      tpu.vector_store %arg11[%swap3A_217], %gather3A_216 {strides = array<i32>} : memref<1024xf32, #tpu.memory_space<vmem>>, vector<16xf32>,
      %get3A_219 = arith.constant 464 : index
      %get3A_220 = tpu.vector_load %arg6[%get3A_219] {strides = array<i32>} : memref<1024xi32, #tpu.memory_space<vmem>>, vector<16xi32>,
      %gather3A_221 = tpu.vector_load_idx %arg9[%get3A_220] : memref<20000xf32, #tpu.memory_space<vmem>>[vector<16xi32>], vector<16xf32>,
      %swap3A_222 = arith.constant 464 : index
      %swap3A_223 = tpu.vector_load %arg11[%swap3A_222] {strides = array<i32>} : memref<1024xf32, #tpu.memory_space<vmem>>, vector<16xf32>,
      tpu.vector_store %arg11[%swap3A_222], %gather3A_221 {strides = array<i32>} : memref<1024xf32, #tpu.memory_space<vmem>>, vector<16xf32>,
      %get3A_224 = arith.constant 480 : index
      %get3A_225 = tpu.vector_load %arg6[%get3A_224] {strides = array<i32>} : memref<1024xi32, #tpu.memory_space<vmem>>, vector<16xi32>,
      %gather3A_226 = tpu.vector_load_idx %arg9[%get3A_225] : memref<20000xf32, #tpu.memory_space<vmem>>[vector<16xi32>], vector<16xf32>,
      %swap3A_227 = arith.constant 480 : index
      %swap3A_228 = tpu.vector_load %arg11[%swap3A_227] {strides = array<i32>} : memref<1024xf32, #tpu.memory_space<vmem>>, vector<16xf32>,
      tpu.vector_store %arg11[%swap3A_227], %gather3A_226 {strides = array<i32>} : memref<1024xf32, #tpu.memory_space<vmem>>, vector<16xf32>,
      %get3A_229 = arith.constant 496 : index
      %get3A_230 = tpu.vector_load %arg6[%get3A_229] {strides = array<i32>} : memref<1024xi32, #tpu.memory_space<vmem>>, vector<16xi32>,
      %gather3A_231 = tpu.vector_load_idx %arg9[%get3A_230] : memref<20000xf32, #tpu.memory_space<vmem>>[vector<16xi32>], vector<16xf32>,
      %swap3A_232 = arith.constant 496 : index
      %swap3A_233 = tpu.vector_load %arg11[%swap3A_232] {strides = array<i32>} : memref<1024xf32, #tpu.memory_space<vmem>>, vector<16xf32>,
      tpu.vector_store %arg11[%swap3A_232], %gather3A_231 {strides = array<i32>} : memref<1024xf32, #tpu.memory_space<vmem>>, vector<16xf32>,
      %get3A_234 = arith.constant 512 : index
      %get3A_235 = tpu.vector_load %arg6[%get3A_234] {strides = array<i32>} : memref<1024xi32, #tpu.memory_space<vmem>>, vector<16xi32>,
      %gather3A_236 = tpu.vector_load_idx %arg9[%get3A_235] : memref<20000xf32, #tpu.memory_space<vmem>>[vector<16xi32>], vector<16xf32>,
      %swap3A_237 = arith.constant 512 : index
      %swap3A_238 = tpu.vector_load %arg11[%swap3A_237] {strides = array<i32>} : memref<1024xf32, #tpu.memory_space<vmem>>, vector<16xf32>,
      tpu.vector_store %arg11[%swap3A_237], %gather3A_236 {strides = array<i32>} : memref<1024xf32, #tpu.memory_space<vmem>>, vector<16xf32>,
      %get3A_239 = arith.constant 528 : index
      %get3A_240 = tpu.vector_load %arg6[%get3A_239] {strides = array<i32>} : memref<1024xi32, #tpu.memory_space<vmem>>, vector<16xi32>,
      %gather3A_241 = tpu.vector_load_idx %arg9[%get3A_240] : memref<20000xf32, #tpu.memory_space<vmem>>[vector<16xi32>], vector<16xf32>,
      %swap3A_242 = arith.constant 528 : index
      %swap3A_243 = tpu.vector_load %arg11[%swap3A_242] {strides = array<i32>} : memref<1024xf32, #tpu.memory_space<vmem>>, vector<16xf32>,
      tpu.vector_store %arg11[%swap3A_242], %gather3A_241 {strides = array<i32>} : memref<1024xf32, #tpu.memory_space<vmem>>, vector<16xf32>,
      %get3A_244 = arith.constant 544 : index
      %get3A_245 = tpu.vector_load %arg6[%get3A_244] {strides = array<i32>} : memref<1024xi32, #tpu.memory_space<vmem>>, vector<16xi32>,
      %gather3A_246 = tpu.vector_load_idx %arg9[%get3A_245] : memref<20000xf32, #tpu.memory_space<vmem>>[vector<16xi32>], vector<16xf32>,
      %swap3A_247 = arith.constant 544 : index
      %swap3A_248 = tpu.vector_load %arg11[%swap3A_247] {strides = array<i32>} : memref<1024xf32, #tpu.memory_space<vmem>>, vector<16xf32>,
      tpu.vector_store %arg11[%swap3A_247], %gather3A_246 {strides = array<i32>} : memref<1024xf32, #tpu.memory_space<vmem>>, vector<16xf32>,
      %get3A_249 = arith.constant 560 : index
      %get3A_250 = tpu.vector_load %arg6[%get3A_249] {strides = array<i32>} : memref<1024xi32, #tpu.memory_space<vmem>>, vector<16xi32>,
      %gather3A_251 = tpu.vector_load_idx %arg9[%get3A_250] : memref<20000xf32, #tpu.memory_space<vmem>>[vector<16xi32>], vector<16xf32>,
      %swap3A_252 = arith.constant 560 : index
      %swap3A_253 = tpu.vector_load %arg11[%swap3A_252] {strides = array<i32>} : memref<1024xf32, #tpu.memory_space<vmem>>, vector<16xf32>,
      tpu.vector_store %arg11[%swap3A_252], %gather3A_251 {strides = array<i32>} : memref<1024xf32, #tpu.memory_space<vmem>>, vector<16xf32>,
      %get3A_254 = arith.constant 576 : index
      %get3A_255 = tpu.vector_load %arg6[%get3A_254] {strides = array<i32>} : memref<1024xi32, #tpu.memory_space<vmem>>, vector<16xi32>,
      %gather3A_256 = tpu.vector_load_idx %arg9[%get3A_255] : memref<20000xf32, #tpu.memory_space<vmem>>[vector<16xi32>], vector<16xf32>,
      %swap3A_257 = arith.constant 576 : index
      %swap3A_258 = tpu.vector_load %arg11[%swap3A_257] {strides = array<i32>} : memref<1024xf32, #tpu.memory_space<vmem>>, vector<16xf32>,
      tpu.vector_store %arg11[%swap3A_257], %gather3A_256 {strides = array<i32>} : memref<1024xf32, #tpu.memory_space<vmem>>, vector<16xf32>,
      %get3A_259 = arith.constant 592 : index
      %get3A_260 = tpu.vector_load %arg6[%get3A_259] {strides = array<i32>} : memref<1024xi32, #tpu.memory_space<vmem>>, vector<16xi32>,
      %gather3A_261 = tpu.vector_load_idx %arg9[%get3A_260] : memref<20000xf32, #tpu.memory_space<vmem>>[vector<16xi32>], vector<16xf32>,
      %swap3A_262 = arith.constant 592 : index
      %swap3A_263 = tpu.vector_load %arg11[%swap3A_262] {strides = array<i32>} : memref<1024xf32, #tpu.memory_space<vmem>>, vector<16xf32>,
      tpu.vector_store %arg11[%swap3A_262], %gather3A_261 {strides = array<i32>} : memref<1024xf32, #tpu.memory_space<vmem>>, vector<16xf32>,
      %get3A_264 = arith.constant 608 : index
      %get3A_265 = tpu.vector_load %arg6[%get3A_264] {strides = array<i32>} : memref<1024xi32, #tpu.memory_space<vmem>>, vector<16xi32>,
      %gather3A_266 = tpu.vector_load_idx %arg9[%get3A_265] : memref<20000xf32, #tpu.memory_space<vmem>>[vector<16xi32>], vector<16xf32>,
      %swap3A_267 = arith.constant 608 : index
      %swap3A_268 = tpu.vector_load %arg11[%swap3A_267] {strides = array<i32>} : memref<1024xf32, #tpu.memory_space<vmem>>, vector<16xf32>,
      tpu.vector_store %arg11[%swap3A_267], %gather3A_266 {strides = array<i32>} : memref<1024xf32, #tpu.memory_space<vmem>>, vector<16xf32>,
      %get3A_269 = arith.constant 624 : index
      %get3A_270 = tpu.vector_load %arg6[%get3A_269] {strides = array<i32>} : memref<1024xi32, #tpu.memory_space<vmem>>, vector<16xi32>,
      %gather3A_271 = tpu.vector_load_idx %arg9[%get3A_270] : memref<20000xf32, #tpu.memory_space<vmem>>[vector<16xi32>], vector<16xf32>,
      %swap3A_272 = arith.constant 624 : index
      %swap3A_273 = tpu.vector_load %arg11[%swap3A_272] {strides = array<i32>} : memref<1024xf32, #tpu.memory_space<vmem>>, vector<16xf32>,
      tpu.vector_store %arg11[%swap3A_272], %gather3A_271 {strides = array<i32>} : memref<1024xf32, #tpu.memory_space<vmem>>, vector<16xf32>,
      %get3A_274 = arith.constant 640 : index
      %get3A_275 = tpu.vector_load %arg6[%get3A_274] {strides = array<i32>} : memref<1024xi32, #tpu.memory_space<vmem>>, vector<16xi32>,
      %gather3A_276 = tpu.vector_load_idx %arg9[%get3A_275] : memref<20000xf32, #tpu.memory_space<vmem>>[vector<16xi32>], vector<16xf32>,
      %swap3A_277 = arith.constant 640 : index
      %swap3A_278 = tpu.vector_load %arg11[%swap3A_277] {strides = array<i32>} : memref<1024xf32, #tpu.memory_space<vmem>>, vector<16xf32>,
      tpu.vector_store %arg11[%swap3A_277], %gather3A_276 {strides = array<i32>} : memref<1024xf32, #tpu.memory_space<vmem>>, vector<16xf32>,
      %get3A_279 = arith.constant 656 : index
      %get3A_280 = tpu.vector_load %arg6[%get3A_279] {strides = array<i32>} : memref<1024xi32, #tpu.memory_space<vmem>>, vector<16xi32>,
      %gather3A_281 = tpu.vector_load_idx %arg9[%get3A_280] : memref<20000xf32, #tpu.memory_space<vmem>>[vector<16xi32>], vector<16xf32>,
      %swap3A_282 = arith.constant 656 : index
      %swap3A_283 = tpu.vector_load %arg11[%swap3A_282] {strides = array<i32>} : memref<1024xf32, #tpu.memory_space<vmem>>, vector<16xf32>,
      tpu.vector_store %arg11[%swap3A_282], %gather3A_281 {strides = array<i32>} : memref<1024xf32, #tpu.memory_space<vmem>>, vector<16xf32>,
      %get3A_284 = arith.constant 672 : index
      %get3A_285 = tpu.vector_load %arg6[%get3A_284] {strides = array<i32>} : memref<1024xi32, #tpu.memory_space<vmem>>, vector<16xi32>,
      %gather3A_286 = tpu.vector_load_idx %arg9[%get3A_285] : memref<20000xf32, #tpu.memory_space<vmem>>[vector<16xi32>], vector<16xf32>,
      %swap3A_287 = arith.constant 672 : index
      %swap3A_288 = tpu.vector_load %arg11[%swap3A_287] {strides = array<i32>} : memref<1024xf32, #tpu.memory_space<vmem>>, vector<16xf32>,
      tpu.vector_store %arg11[%swap3A_287], %gather3A_286 {strides = array<i32>} : memref<1024xf32, #tpu.memory_space<vmem>>, vector<16xf32>,
      %get3A_289 = arith.constant 688 : index
      %get3A_290 = tpu.vector_load %arg6[%get3A_289] {strides = array<i32>} : memref<1024xi32, #tpu.memory_space<vmem>>, vector<16xi32>,
      %gather3A_291 = tpu.vector_load_idx %arg9[%get3A_290] : memref<20000xf32, #tpu.memory_space<vmem>>[vector<16xi32>], vector<16xf32>,
      %swap3A_292 = arith.constant 688 : index
      %swap3A_293 = tpu.vector_load %arg11[%swap3A_292] {strides = array<i32>} : memref<1024xf32, #tpu.memory_space<vmem>>, vector<16xf32>,
      tpu.vector_store %arg11[%swap3A_292], %gather3A_291 {strides = array<i32>} : memref<1024xf32, #tpu.memory_space<vmem>>, vector<16xf32>,
      %get3A_294 = arith.constant 704 : index
      %get3A_295 = tpu.vector_load %arg6[%get3A_294] {strides = array<i32>} : memref<1024xi32, #tpu.memory_space<vmem>>, vector<16xi32>,
      %gather3A_296 = tpu.vector_load_idx %arg9[%get3A_295] : memref<20000xf32, #tpu.memory_space<vmem>>[vector<16xi32>], vector<16xf32>,
      %swap3A_297 = arith.constant 704 : index
      %swap3A_298 = tpu.vector_load %arg11[%swap3A_297] {strides = array<i32>} : memref<1024xf32, #tpu.memory_space<vmem>>, vector<16xf32>,
      tpu.vector_store %arg11[%swap3A_297], %gather3A_296 {strides = array<i32>} : memref<1024xf32, #tpu.memory_space<vmem>>, vector<16xf32>,
      %get3A_299 = arith.constant 720 : index
      %get3A_300 = tpu.vector_load %arg6[%get3A_299] {strides = array<i32>} : memref<1024xi32, #tpu.memory_space<vmem>>, vector<16xi32>,
      %gather3A_301 = tpu.vector_load_idx %arg9[%get3A_300] : memref<20000xf32, #tpu.memory_space<vmem>>[vector<16xi32>], vector<16xf32>,
      %swap3A_302 = arith.constant 720 : index
      %swap3A_303 = tpu.vector_load %arg11[%swap3A_302] {strides = array<i32>} : memref<1024xf32, #tpu.memory_space<vmem>>, vector<16xf32>,
      tpu.vector_store %arg11[%swap3A_302], %gather3A_301 {strides = array<i32>} : memref<1024xf32, #tpu.memory_space<vmem>>, vector<16xf32>,
      %get3A_304 = arith.constant 736 : index
      %get3A_305 = tpu.vector_load %arg6[%get3A_304] {strides = array<i32>} : memref<1024xi32, #tpu.memory_space<vmem>>, vector<16xi32>,
      %gather3A_306 = tpu.vector_load_idx %arg9[%get3A_305] : memref<20000xf32, #tpu.memory_space<vmem>>[vector<16xi32>], vector<16xf32>,
      %swap3A_307 = arith.constant 736 : index
      %swap3A_308 = tpu.vector_load %arg11[%swap3A_307] {strides = array<i32>} : memref<1024xf32, #tpu.memory_space<vmem>>, vector<16xf32>,
      tpu.vector_store %arg11[%swap3A_307], %gather3A_306 {strides = array<i32>} : memref<1024xf32, #tpu.memory_space<vmem>>, vector<16xf32>,
      %get3A_309 = arith.constant 752 : index
      %get3A_310 = tpu.vector_load %arg6[%get3A_309] {strides = array<i32>} : memref<1024xi32, #tpu.memory_space<vmem>>, vector<16xi32>,
      %gather3A_311 = tpu.vector_load_idx %arg9[%get3A_310] : memref<20000xf32, #tpu.memory_space<vmem>>[vector<16xi32>], vector<16xf32>,
      %swap3A_312 = arith.constant 752 : index
      %swap3A_313 = tpu.vector_load %arg11[%swap3A_312] {strides = array<i32>} : memref<1024xf32, #tpu.memory_space<vmem>>, vector<16xf32>,
      tpu.vector_store %arg11[%swap3A_312], %gather3A_311 {strides = array<i32>} : memref<1024xf32, #tpu.memory_space<vmem>>, vector<16xf32>,
      %get3A_314 = arith.constant 768 : index
      %get3A_315 = tpu.vector_load %arg6[%get3A_314] {strides = array<i32>} : memref<1024xi32, #tpu.memory_space<vmem>>, vector<16xi32>,
      %gather3A_316 = tpu.vector_load_idx %arg9[%get3A_315] : memref<20000xf32, #tpu.memory_space<vmem>>[vector<16xi32>], vector<16xf32>,
      %swap3A_317 = arith.constant 768 : index
      %swap3A_318 = tpu.vector_load %arg11[%swap3A_317] {strides = array<i32>} : memref<1024xf32, #tpu.memory_space<vmem>>, vector<16xf32>,
      tpu.vector_store %arg11[%swap3A_317], %gather3A_316 {strides = array<i32>} : memref<1024xf32, #tpu.memory_space<vmem>>, vector<16xf32>,
      %get3A_319 = arith.constant 784 : index
      %get3A_320 = tpu.vector_load %arg6[%get3A_319] {strides = array<i32>} : memref<1024xi32, #tpu.memory_space<vmem>>, vector<16xi32>,
      %gather3A_321 = tpu.vector_load_idx %arg9[%get3A_320] : memref<20000xf32, #tpu.memory_space<vmem>>[vector<16xi32>], vector<16xf32>,
      %swap3A_322 = arith.constant 784 : index
      %swap3A_323 = tpu.vector_load %arg11[%swap3A_322] {strides = array<i32>} : memref<1024xf32, #tpu.memory_space<vmem>>, vector<16xf32>,
      tpu.vector_store %arg11[%swap3A_322], %gather3A_321 {strides = array<i32>} : memref<1024xf32, #tpu.memory_space<vmem>>, vector<16xf32>,
      %get3A_324 = arith.constant 800 : index
      %get3A_325 = tpu.vector_load %arg6[%get3A_324] {strides = array<i32>} : memref<1024xi32, #tpu.memory_space<vmem>>, vector<16xi32>,
      %gather3A_326 = tpu.vector_load_idx %arg9[%get3A_325] : memref<20000xf32, #tpu.memory_space<vmem>>[vector<16xi32>], vector<16xf32>,
      %swap3A_327 = arith.constant 800 : index
      %swap3A_328 = tpu.vector_load %arg11[%swap3A_327] {strides = array<i32>} : memref<1024xf32, #tpu.memory_space<vmem>>, vector<16xf32>,
      tpu.vector_store %arg11[%swap3A_327], %gather3A_326 {strides = array<i32>} : memref<1024xf32, #tpu.memory_space<vmem>>, vector<16xf32>,
      %get3A_329 = arith.constant 816 : index
      %get3A_330 = tpu.vector_load %arg6[%get3A_329] {strides = array<i32>} : memref<1024xi32, #tpu.memory_space<vmem>>, vector<16xi32>,
      %gather3A_331 = tpu.vector_load_idx %arg9[%get3A_330] : memref<20000xf32, #tpu.memory_space<vmem>>[vector<16xi32>], vector<16xf32>,
      %swap3A_332 = arith.constant 816 : index
      %swap3A_333 = tpu.vector_load %arg11[%swap3A_332] {strides = array<i32>} : memref<1024xf32, #tpu.memory_space<vmem>>, vector<16xf32>,
      tpu.vector_store %arg11[%swap3A_332], %gather3A_331 {strides = array<i32>} : memref<1024xf32, #tpu.memory_space<vmem>>, vector<16xf32>,
      %get3A_334 = arith.constant 832 : index
      %get3A_335 = tpu.vector_load %arg6[%get3A_334] {strides = array<i32>} : memref<1024xi32, #tpu.memory_space<vmem>>, vector<16xi32>,
      %gather3A_336 = tpu.vector_load_idx %arg9[%get3A_335] : memref<20000xf32, #tpu.memory_space<vmem>>[vector<16xi32>], vector<16xf32>,
      %swap3A_337 = arith.constant 832 : index
      %swap3A_338 = tpu.vector_load %arg11[%swap3A_337] {strides = array<i32>} : memref<1024xf32, #tpu.memory_space<vmem>>, vector<16xf32>,
      tpu.vector_store %arg11[%swap3A_337], %gather3A_336 {strides = array<i32>} : memref<1024xf32, #tpu.memory_space<vmem>>, vector<16xf32>,
      %get3A_339 = arith.constant 848 : index
      %get3A_340 = tpu.vector_load %arg6[%get3A_339] {strides = array<i32>} : memref<1024xi32, #tpu.memory_space<vmem>>, vector<16xi32>,
      %gather3A_341 = tpu.vector_load_idx %arg9[%get3A_340] : memref<20000xf32, #tpu.memory_space<vmem>>[vector<16xi32>], vector<16xf32>,
      %swap3A_342 = arith.constant 848 : index
      %swap3A_343 = tpu.vector_load %arg11[%swap3A_342] {strides = array<i32>} : memref<1024xf32, #tpu.memory_space<vmem>>, vector<16xf32>,
      tpu.vector_store %arg11[%swap3A_342], %gather3A_341 {strides = array<i32>} : memref<1024xf32, #tpu.memory_space<vmem>>, vector<16xf32>,
      %get3A_344 = arith.constant 864 : index
      %get3A_345 = tpu.vector_load %arg6[%get3A_344] {strides = array<i32>} : memref<1024xi32, #tpu.memory_space<vmem>>, vector<16xi32>,
      %gather3A_346 = tpu.vector_load_idx %arg9[%get3A_345] : memref<20000xf32, #tpu.memory_space<vmem>>[vector<16xi32>], vector<16xf32>,
      %swap3A_347 = arith.constant 864 : index
      %swap3A_348 = tpu.vector_load %arg11[%swap3A_347] {strides = array<i32>} : memref<1024xf32, #tpu.memory_space<vmem>>, vector<16xf32>,
      tpu.vector_store %arg11[%swap3A_347], %gather3A_346 {strides = array<i32>} : memref<1024xf32, #tpu.memory_space<vmem>>, vector<16xf32>,
      %get3A_349 = arith.constant 880 : index
      %get3A_350 = tpu.vector_load %arg6[%get3A_349] {strides = array<i32>} : memref<1024xi32, #tpu.memory_space<vmem>>, vector<16xi32>,
      %gather3A_351 = tpu.vector_load_idx %arg9[%get3A_350] : memref<20000xf32, #tpu.memory_space<vmem>>[vector<16xi32>], vector<16xf32>,
      %swap3A_352 = arith.constant 880 : index
      %swap3A_353 = tpu.vector_load %arg11[%swap3A_352] {strides = array<i32>} : memref<1024xf32, #tpu.memory_space<vmem>>, vector<16xf32>,
      tpu.vector_store %arg11[%swap3A_352], %gather3A_351 {strides = array<i32>} : memref<1024xf32, #tpu.memory_space<vmem>>, vector<16xf32>,
      %get3A_354 = arith.constant 896 : index
      %get3A_355 = tpu.vector_load %arg6[%get3A_354] {strides = array<i32>} : memref<1024xi32, #tpu.memory_space<vmem>>, vector<16xi32>,
      %gather3A_356 = tpu.vector_load_idx %arg9[%get3A_355] : memref<20000xf32, #tpu.memory_space<vmem>>[vector<16xi32>], vector<16xf32>,
      %swap3A_357 = arith.constant 896 : index
      %swap3A_358 = tpu.vector_load %arg11[%swap3A_357] {strides = array<i32>} : memref<1024xf32, #tpu.memory_space<vmem>>, vector<16xf32>,
      tpu.vector_store %arg11[%swap3A_357], %gather3A_356 {strides = array<i32>} : memref<1024xf32, #tpu.memory_space<vmem>>, vector<16xf32>,
      %get3A_359 = arith.constant 912 : index
      %get3A_360 = tpu.vector_load %arg6[%get3A_359] {strides = array<i32>} : memref<1024xi32, #tpu.memory_space<vmem>>, vector<16xi32>,
      %gather3A_361 = tpu.vector_load_idx %arg9[%get3A_360] : memref<20000xf32, #tpu.memory_space<vmem>>[vector<16xi32>], vector<16xf32>,
      %swap3A_362 = arith.constant 912 : index
      %swap3A_363 = tpu.vector_load %arg11[%swap3A_362] {strides = array<i32>} : memref<1024xf32, #tpu.memory_space<vmem>>, vector<16xf32>,
      tpu.vector_store %arg11[%swap3A_362], %gather3A_361 {strides = array<i32>} : memref<1024xf32, #tpu.memory_space<vmem>>, vector<16xf32>,
      %get3A_364 = arith.constant 928 : index
      %get3A_365 = tpu.vector_load %arg6[%get3A_364] {strides = array<i32>} : memref<1024xi32, #tpu.memory_space<vmem>>, vector<16xi32>,
      %gather3A_366 = tpu.vector_load_idx %arg9[%get3A_365] : memref<20000xf32, #tpu.memory_space<vmem>>[vector<16xi32>], vector<16xf32>,
      %swap3A_367 = arith.constant 928 : index
      %swap3A_368 = tpu.vector_load %arg11[%swap3A_367] {strides = array<i32>} : memref<1024xf32, #tpu.memory_space<vmem>>, vector<16xf32>,
      tpu.vector_store %arg11[%swap3A_367], %gather3A_366 {strides = array<i32>} : memref<1024xf32, #tpu.memory_space<vmem>>, vector<16xf32>,
      %get3A_369 = arith.constant 944 : index
      %get3A_370 = tpu.vector_load %arg6[%get3A_369] {strides = array<i32>} : memref<1024xi32, #tpu.memory_space<vmem>>, vector<16xi32>,
      %gather3A_371 = tpu.vector_load_idx %arg9[%get3A_370] : memref<20000xf32, #tpu.memory_space<vmem>>[vector<16xi32>], vector<16xf32>,
      %swap3A_372 = arith.constant 944 : index
      %swap3A_373 = tpu.vector_load %arg11[%swap3A_372] {strides = array<i32>} : memref<1024xf32, #tpu.memory_space<vmem>>, vector<16xf32>,
      tpu.vector_store %arg11[%swap3A_372], %gather3A_371 {strides = array<i32>} : memref<1024xf32, #tpu.memory_space<vmem>>, vector<16xf32>,
      %get3A_374 = arith.constant 960 : index
      %get3A_375 = tpu.vector_load %arg6[%get3A_374] {strides = array<i32>} : memref<1024xi32, #tpu.memory_space<vmem>>, vector<16xi32>,
      %gather3A_376 = tpu.vector_load_idx %arg9[%get3A_375] : memref<20000xf32, #tpu.memory_space<vmem>>[vector<16xi32>], vector<16xf32>,
      %swap3A_377 = arith.constant 960 : index
      %swap3A_378 = tpu.vector_load %arg11[%swap3A_377] {strides = array<i32>} : memref<1024xf32, #tpu.memory_space<vmem>>, vector<16xf32>,
      tpu.vector_store %arg11[%swap3A_377], %gather3A_376 {strides = array<i32>} : memref<1024xf32, #tpu.memory_space<vmem>>, vector<16xf32>,
      %get3A_379 = arith.constant 976 : index
      %get3A_380 = tpu.vector_load %arg6[%get3A_379] {strides = array<i32>} : memref<1024xi32, #tpu.memory_space<vmem>>, vector<16xi32>,
      %gather3A_381 = tpu.vector_load_idx %arg9[%get3A_380] : memref<20000xf32, #tpu.memory_space<vmem>>[vector<16xi32>], vector<16xf32>,
      %swap3A_382 = arith.constant 976 : index
      %swap3A_383 = tpu.vector_load %arg11[%swap3A_382] {strides = array<i32>} : memref<1024xf32, #tpu.memory_space<vmem>>, vector<16xf32>,
      tpu.vector_store %arg11[%swap3A_382], %gather3A_381 {strides = array<i32>} : memref<1024xf32, #tpu.memory_space<vmem>>, vector<16xf32>,
      %get3A_384 = arith.constant 992 : index
      %get3A_385 = tpu.vector_load %arg6[%get3A_384] {strides = array<i32>} : memref<1024xi32, #tpu.memory_space<vmem>>, vector<16xi32>,
      %gather3A_386 = tpu.vector_load_idx %arg9[%get3A_385] : memref<20000xf32, #tpu.memory_space<vmem>>[vector<16xi32>], vector<16xf32>,
      %swap3A_387 = arith.constant 992 : index
      %swap3A_388 = tpu.vector_load %arg11[%swap3A_387] {strides = array<i32>} : memref<1024xf32, #tpu.memory_space<vmem>>, vector<16xf32>,
      tpu.vector_store %arg11[%swap3A_387], %gather3A_386 {strides = array<i32>} : memref<1024xf32, #tpu.memory_space<vmem>>, vector<16xf32>,
      %get3A_389 = arith.constant 1008 : index
      %get3A_390 = tpu.vector_load %arg6[%get3A_389] {strides = array<i32>} : memref<1024xi32, #tpu.memory_space<vmem>>, vector<16xi32>,
      %gather3A_391 = tpu.vector_load_idx %arg9[%get3A_390] : memref<20000xf32, #tpu.memory_space<vmem>>[vector<16xi32>], vector<16xf32>,
      %swap3A_392 = arith.constant 1008 : index
      %swap3A_393 = tpu.vector_load %arg11[%swap3A_392] {strides = array<i32>} : memref<1024xf32, #tpu.memory_space<vmem>>, vector<16xf32>,
      tpu.vector_store %arg11[%swap3A_392], %gather3A_391 {strides = array<i32>} : memref<1024xf32, #tpu.memory_space<vmem>>, vector<16xf32>,
      "tpu.region"() ({
        %run_scoped3A = tpu.sem_alloc : memref<!tpu.dma_semaphore, #tpu.memory_space<semaphore_mem>>
        %dma_start3A = arith.constant 0 : i32
        %dma_start3A_394 = tpu.memref_slice %arg5[%add3A_59, %dma_start3A] : memref<128x1024xf32, #tpu.memory_space<hbm>> -> memref<1x1024xf32, #tpu.memory_space<hbm>>
        %dma_start3A_395 = tpu.memref_squeeze %dma_start3A_394 : memref<1x1024xf32, #tpu.memory_space<hbm>> -> memref<1024xf32, #tpu.memory_space<hbm>>
        %dma_start3A_396 = arith.constant 0 : i32
        %dma_start3A_397 = tpu.memref_slice %arg5[%add3A_59, %dma_start3A_396] : memref<128x1024xf32, #tpu.memory_space<hbm>> -> memref<1x1024xf32, #tpu.memory_space<hbm>>
        %dma_start3A_398 = tpu.memref_squeeze %dma_start3A_397 : memref<1x1024xf32, #tpu.memory_space<hbm>> -> memref<1024xf32, #tpu.memory_space<hbm>>
        tpu.enqueue_dma source(%arg11 : memref<1024xf32, #tpu.memory_space<vmem>>) target(%dma_start3A_398 : memref<1024xf32, #tpu.memory_space<hbm>>) target_semaphore(%run_scoped3A : memref<!tpu.dma_semaphore, #tpu.memory_space<semaphore_mem>>)
        %dma_wait3A_399 = arith.constant 0 : i32
        %dma_wait3A_400 = tpu.memref_slice %arg5[%add3A_59, %dma_wait3A_399] : memref<128x1024xf32, #tpu.memory_space<hbm>> -> memref<1x1024xf32, #tpu.memory_space<hbm>>
        %dma_wait3A_401 = tpu.memref_squeeze %dma_wait3A_400 : memref<1x1024xf32, #tpu.memory_space<hbm>> -> memref<1024xf32, #tpu.memory_space<hbm>>
        %dma_wait3A_402 = arith.constant 0 : i32
        %dma_wait3A_403 = tpu.memref_slice %arg5[%add3A_59, %dma_wait3A_402] : memref<128x1024xf32, #tpu.memory_space<hbm>> -> memref<1x1024xf32, #tpu.memory_space<hbm>>
        %dma_wait3A_404 = tpu.memref_squeeze %dma_wait3A_403 : memref<1x1024xf32, #tpu.memory_space<hbm>> -> memref<1024xf32, #tpu.memory_space<hbm>>
        tpu.wait_dma2 semaphore(%run_scoped3A : memref<!tpu.dma_semaphore, #tpu.memory_space<semaphore_mem>>) src(%arg11 : memref<1024xf32, #tpu.memory_space<vmem>>) dst(%dma_wait3A_404 : memref<1024xf32, #tpu.memory_space<hbm>>)
        tpu.yield
      }) : () -> ()
    } else {
    }
    %add3A_65 = arith.constant 96 : i32
    %add3A_66 = arith.addi %add3A, %add3A_65 : i32
    %le3A_67 = arith.constant 100 : i32
    %le3A_68 = arith.cmpi sle, %add3A_66, %le3A_67 : i32
    %convert_element_type3A_69 = arith.extui %le3A_68 : i1 to i32
    %cond3A_70 = arith.constant 0 : i32
    %cond3A_71 = arith.cmpi ne, %convert_element_type3A_69, %cond3A_70 : i32
    scf.if %cond3A_71 {
      %dma_wait3A = arith.constant 0 : i32
      %dma_wait3A_72 = tpu.memref_slice %arg2[%add3A_66, %dma_wait3A] : memref<100x20000xf32, #tpu.memory_space<hbm>> -> memref<1x20000xf32, #tpu.memory_space<hbm>>
      %dma_wait3A_73 = tpu.memref_squeeze %dma_wait3A_72 : memref<1x20000xf32, #tpu.memory_space<hbm>> -> memref<20000xf32, #tpu.memory_space<hbm>>
      %dma_wait3A_74 = arith.constant 0 : i32
      %dma_wait3A_75 = tpu.memref_slice %arg2[%add3A_66, %dma_wait3A_74] : memref<100x20000xf32, #tpu.memory_space<hbm>> -> memref<1x20000xf32, #tpu.memory_space<hbm>>
      %dma_wait3A_76 = tpu.memref_squeeze %dma_wait3A_75 : memref<1x20000xf32, #tpu.memory_space<hbm>> -> memref<20000xf32, #tpu.memory_space<hbm>>
      tpu.wait_dma2 semaphore(%arg15 : memref<!tpu.dma_semaphore, #tpu.memory_space<semaphore_mem>>) src(%dma_wait3A_76 : memref<20000xf32, #tpu.memory_space<hbm>>) dst(%arg10 : memref<20000xf32, #tpu.memory_space<vmem>>)
      %get3A = arith.constant 0 : index
      %get3A_77 = tpu.vector_load %arg6[%get3A] {strides = array<i32>} : memref<1024xi32, #tpu.memory_space<vmem>>, vector<16xi32>,
      %gather3A = tpu.vector_load_idx %arg10[%get3A_77] : memref<20000xf32, #tpu.memory_space<vmem>>[vector<16xi32>], vector<16xf32>,
      %swap3A = arith.constant 0 : index
      %swap3A_78 = tpu.vector_load %arg11[%swap3A] {strides = array<i32>} : memref<1024xf32, #tpu.memory_space<vmem>>, vector<16xf32>,
      tpu.vector_store %arg11[%swap3A], %gather3A {strides = array<i32>} : memref<1024xf32, #tpu.memory_space<vmem>>, vector<16xf32>,
      %get3A_79 = arith.constant 16 : index
      %get3A_80 = tpu.vector_load %arg6[%get3A_79] {strides = array<i32>} : memref<1024xi32, #tpu.memory_space<vmem>>, vector<16xi32>,
      %gather3A_81 = tpu.vector_load_idx %arg10[%get3A_80] : memref<20000xf32, #tpu.memory_space<vmem>>[vector<16xi32>], vector<16xf32>,
      %swap3A_82 = arith.constant 16 : index
      %swap3A_83 = tpu.vector_load %arg11[%swap3A_82] {strides = array<i32>} : memref<1024xf32, #tpu.memory_space<vmem>>, vector<16xf32>,
      tpu.vector_store %arg11[%swap3A_82], %gather3A_81 {strides = array<i32>} : memref<1024xf32, #tpu.memory_space<vmem>>, vector<16xf32>,
      %get3A_84 = arith.constant 32 : index
      %get3A_85 = tpu.vector_load %arg6[%get3A_84] {strides = array<i32>} : memref<1024xi32, #tpu.memory_space<vmem>>, vector<16xi32>,
      %gather3A_86 = tpu.vector_load_idx %arg10[%get3A_85] : memref<20000xf32, #tpu.memory_space<vmem>>[vector<16xi32>], vector<16xf32>,
      %swap3A_87 = arith.constant 32 : index
      %swap3A_88 = tpu.vector_load %arg11[%swap3A_87] {strides = array<i32>} : memref<1024xf32, #tpu.memory_space<vmem>>, vector<16xf32>,
      tpu.vector_store %arg11[%swap3A_87], %gather3A_86 {strides = array<i32>} : memref<1024xf32, #tpu.memory_space<vmem>>, vector<16xf32>,
      %get3A_89 = arith.constant 48 : index
      %get3A_90 = tpu.vector_load %arg6[%get3A_89] {strides = array<i32>} : memref<1024xi32, #tpu.memory_space<vmem>>, vector<16xi32>,
      %gather3A_91 = tpu.vector_load_idx %arg10[%get3A_90] : memref<20000xf32, #tpu.memory_space<vmem>>[vector<16xi32>], vector<16xf32>,
      %swap3A_92 = arith.constant 48 : index
      %swap3A_93 = tpu.vector_load %arg11[%swap3A_92] {strides = array<i32>} : memref<1024xf32, #tpu.memory_space<vmem>>, vector<16xf32>,
      tpu.vector_store %arg11[%swap3A_92], %gather3A_91 {strides = array<i32>} : memref<1024xf32, #tpu.memory_space<vmem>>, vector<16xf32>,
      %get3A_94 = arith.constant 64 : index
      %get3A_95 = tpu.vector_load %arg6[%get3A_94] {strides = array<i32>} : memref<1024xi32, #tpu.memory_space<vmem>>, vector<16xi32>,
      %gather3A_96 = tpu.vector_load_idx %arg10[%get3A_95] : memref<20000xf32, #tpu.memory_space<vmem>>[vector<16xi32>], vector<16xf32>,
      %swap3A_97 = arith.constant 64 : index
      %swap3A_98 = tpu.vector_load %arg11[%swap3A_97] {strides = array<i32>} : memref<1024xf32, #tpu.memory_space<vmem>>, vector<16xf32>,
      tpu.vector_store %arg11[%swap3A_97], %gather3A_96 {strides = array<i32>} : memref<1024xf32, #tpu.memory_space<vmem>>, vector<16xf32>,
      %get3A_99 = arith.constant 80 : index
      %get3A_100 = tpu.vector_load %arg6[%get3A_99] {strides = array<i32>} : memref<1024xi32, #tpu.memory_space<vmem>>, vector<16xi32>,
      %gather3A_101 = tpu.vector_load_idx %arg10[%get3A_100] : memref<20000xf32, #tpu.memory_space<vmem>>[vector<16xi32>], vector<16xf32>,
      %swap3A_102 = arith.constant 80 : index
      %swap3A_103 = tpu.vector_load %arg11[%swap3A_102] {strides = array<i32>} : memref<1024xf32, #tpu.memory_space<vmem>>, vector<16xf32>,
      tpu.vector_store %arg11[%swap3A_102], %gather3A_101 {strides = array<i32>} : memref<1024xf32, #tpu.memory_space<vmem>>, vector<16xf32>,
      %get3A_104 = arith.constant 96 : index
      %get3A_105 = tpu.vector_load %arg6[%get3A_104] {strides = array<i32>} : memref<1024xi32, #tpu.memory_space<vmem>>, vector<16xi32>,
      %gather3A_106 = tpu.vector_load_idx %arg10[%get3A_105] : memref<20000xf32, #tpu.memory_space<vmem>>[vector<16xi32>], vector<16xf32>,
      %swap3A_107 = arith.constant 96 : index
      %swap3A_108 = tpu.vector_load %arg11[%swap3A_107] {strides = array<i32>} : memref<1024xf32, #tpu.memory_space<vmem>>, vector<16xf32>,
      tpu.vector_store %arg11[%swap3A_107], %gather3A_106 {strides = array<i32>} : memref<1024xf32, #tpu.memory_space<vmem>>, vector<16xf32>,
      %get3A_109 = arith.constant 112 : index
      %get3A_110 = tpu.vector_load %arg6[%get3A_109] {strides = array<i32>} : memref<1024xi32, #tpu.memory_space<vmem>>, vector<16xi32>,
      %gather3A_111 = tpu.vector_load_idx %arg10[%get3A_110] : memref<20000xf32, #tpu.memory_space<vmem>>[vector<16xi32>], vector<16xf32>,
      %swap3A_112 = arith.constant 112 : index
      %swap3A_113 = tpu.vector_load %arg11[%swap3A_112] {strides = array<i32>} : memref<1024xf32, #tpu.memory_space<vmem>>, vector<16xf32>,
      tpu.vector_store %arg11[%swap3A_112], %gather3A_111 {strides = array<i32>} : memref<1024xf32, #tpu.memory_space<vmem>>, vector<16xf32>,
      %get3A_114 = arith.constant 128 : index
      %get3A_115 = tpu.vector_load %arg6[%get3A_114] {strides = array<i32>} : memref<1024xi32, #tpu.memory_space<vmem>>, vector<16xi32>,
      %gather3A_116 = tpu.vector_load_idx %arg10[%get3A_115] : memref<20000xf32, #tpu.memory_space<vmem>>[vector<16xi32>], vector<16xf32>,
      %swap3A_117 = arith.constant 128 : index
      %swap3A_118 = tpu.vector_load %arg11[%swap3A_117] {strides = array<i32>} : memref<1024xf32, #tpu.memory_space<vmem>>, vector<16xf32>,
      tpu.vector_store %arg11[%swap3A_117], %gather3A_116 {strides = array<i32>} : memref<1024xf32, #tpu.memory_space<vmem>>, vector<16xf32>,
      %get3A_119 = arith.constant 144 : index
      %get3A_120 = tpu.vector_load %arg6[%get3A_119] {strides = array<i32>} : memref<1024xi32, #tpu.memory_space<vmem>>, vector<16xi32>,
      %gather3A_121 = tpu.vector_load_idx %arg10[%get3A_120] : memref<20000xf32, #tpu.memory_space<vmem>>[vector<16xi32>], vector<16xf32>,
      %swap3A_122 = arith.constant 144 : index
      %swap3A_123 = tpu.vector_load %arg11[%swap3A_122] {strides = array<i32>} : memref<1024xf32, #tpu.memory_space<vmem>>, vector<16xf32>,
      tpu.vector_store %arg11[%swap3A_122], %gather3A_121 {strides = array<i32>} : memref<1024xf32, #tpu.memory_space<vmem>>, vector<16xf32>,
      %get3A_124 = arith.constant 160 : index
      %get3A_125 = tpu.vector_load %arg6[%get3A_124] {strides = array<i32>} : memref<1024xi32, #tpu.memory_space<vmem>>, vector<16xi32>,
      %gather3A_126 = tpu.vector_load_idx %arg10[%get3A_125] : memref<20000xf32, #tpu.memory_space<vmem>>[vector<16xi32>], vector<16xf32>,
      %swap3A_127 = arith.constant 160 : index
      %swap3A_128 = tpu.vector_load %arg11[%swap3A_127] {strides = array<i32>} : memref<1024xf32, #tpu.memory_space<vmem>>, vector<16xf32>,
      tpu.vector_store %arg11[%swap3A_127], %gather3A_126 {strides = array<i32>} : memref<1024xf32, #tpu.memory_space<vmem>>, vector<16xf32>,
      %get3A_129 = arith.constant 176 : index
      %get3A_130 = tpu.vector_load %arg6[%get3A_129] {strides = array<i32>} : memref<1024xi32, #tpu.memory_space<vmem>>, vector<16xi32>,
      %gather3A_131 = tpu.vector_load_idx %arg10[%get3A_130] : memref<20000xf32, #tpu.memory_space<vmem>>[vector<16xi32>], vector<16xf32>,
      %swap3A_132 = arith.constant 176 : index
      %swap3A_133 = tpu.vector_load %arg11[%swap3A_132] {strides = array<i32>} : memref<1024xf32, #tpu.memory_space<vmem>>, vector<16xf32>,
      tpu.vector_store %arg11[%swap3A_132], %gather3A_131 {strides = array<i32>} : memref<1024xf32, #tpu.memory_space<vmem>>, vector<16xf32>,
      %get3A_134 = arith.constant 192 : index
      %get3A_135 = tpu.vector_load %arg6[%get3A_134] {strides = array<i32>} : memref<1024xi32, #tpu.memory_space<vmem>>, vector<16xi32>,
      %gather3A_136 = tpu.vector_load_idx %arg10[%get3A_135] : memref<20000xf32, #tpu.memory_space<vmem>>[vector<16xi32>], vector<16xf32>,
      %swap3A_137 = arith.constant 192 : index
      %swap3A_138 = tpu.vector_load %arg11[%swap3A_137] {strides = array<i32>} : memref<1024xf32, #tpu.memory_space<vmem>>, vector<16xf32>,
      tpu.vector_store %arg11[%swap3A_137], %gather3A_136 {strides = array<i32>} : memref<1024xf32, #tpu.memory_space<vmem>>, vector<16xf32>,
      %get3A_139 = arith.constant 208 : index
      %get3A_140 = tpu.vector_load %arg6[%get3A_139] {strides = array<i32>} : memref<1024xi32, #tpu.memory_space<vmem>>, vector<16xi32>,
      %gather3A_141 = tpu.vector_load_idx %arg10[%get3A_140] : memref<20000xf32, #tpu.memory_space<vmem>>[vector<16xi32>], vector<16xf32>,
      %swap3A_142 = arith.constant 208 : index
      %swap3A_143 = tpu.vector_load %arg11[%swap3A_142] {strides = array<i32>} : memref<1024xf32, #tpu.memory_space<vmem>>, vector<16xf32>,
      tpu.vector_store %arg11[%swap3A_142], %gather3A_141 {strides = array<i32>} : memref<1024xf32, #tpu.memory_space<vmem>>, vector<16xf32>,
      %get3A_144 = arith.constant 224 : index
      %get3A_145 = tpu.vector_load %arg6[%get3A_144] {strides = array<i32>} : memref<1024xi32, #tpu.memory_space<vmem>>, vector<16xi32>,
      %gather3A_146 = tpu.vector_load_idx %arg10[%get3A_145] : memref<20000xf32, #tpu.memory_space<vmem>>[vector<16xi32>], vector<16xf32>,
      %swap3A_147 = arith.constant 224 : index
      %swap3A_148 = tpu.vector_load %arg11[%swap3A_147] {strides = array<i32>} : memref<1024xf32, #tpu.memory_space<vmem>>, vector<16xf32>,
      tpu.vector_store %arg11[%swap3A_147], %gather3A_146 {strides = array<i32>} : memref<1024xf32, #tpu.memory_space<vmem>>, vector<16xf32>,
      %get3A_149 = arith.constant 240 : index
      %get3A_150 = tpu.vector_load %arg6[%get3A_149] {strides = array<i32>} : memref<1024xi32, #tpu.memory_space<vmem>>, vector<16xi32>,
      %gather3A_151 = tpu.vector_load_idx %arg10[%get3A_150] : memref<20000xf32, #tpu.memory_space<vmem>>[vector<16xi32>], vector<16xf32>,
      %swap3A_152 = arith.constant 240 : index
      %swap3A_153 = tpu.vector_load %arg11[%swap3A_152] {strides = array<i32>} : memref<1024xf32, #tpu.memory_space<vmem>>, vector<16xf32>,
      tpu.vector_store %arg11[%swap3A_152], %gather3A_151 {strides = array<i32>} : memref<1024xf32, #tpu.memory_space<vmem>>, vector<16xf32>,
      %get3A_154 = arith.constant 256 : index
      %get3A_155 = tpu.vector_load %arg6[%get3A_154] {strides = array<i32>} : memref<1024xi32, #tpu.memory_space<vmem>>, vector<16xi32>,
      %gather3A_156 = tpu.vector_load_idx %arg10[%get3A_155] : memref<20000xf32, #tpu.memory_space<vmem>>[vector<16xi32>], vector<16xf32>,
      %swap3A_157 = arith.constant 256 : index
      %swap3A_158 = tpu.vector_load %arg11[%swap3A_157] {strides = array<i32>} : memref<1024xf32, #tpu.memory_space<vmem>>, vector<16xf32>,
      tpu.vector_store %arg11[%swap3A_157], %gather3A_156 {strides = array<i32>} : memref<1024xf32, #tpu.memory_space<vmem>>, vector<16xf32>,
      %get3A_159 = arith.constant 272 : index
      %get3A_160 = tpu.vector_load %arg6[%get3A_159] {strides = array<i32>} : memref<1024xi32, #tpu.memory_space<vmem>>, vector<16xi32>,
      %gather3A_161 = tpu.vector_load_idx %arg10[%get3A_160] : memref<20000xf32, #tpu.memory_space<vmem>>[vector<16xi32>], vector<16xf32>,
      %swap3A_162 = arith.constant 272 : index
      %swap3A_163 = tpu.vector_load %arg11[%swap3A_162] {strides = array<i32>} : memref<1024xf32, #tpu.memory_space<vmem>>, vector<16xf32>,
      tpu.vector_store %arg11[%swap3A_162], %gather3A_161 {strides = array<i32>} : memref<1024xf32, #tpu.memory_space<vmem>>, vector<16xf32>,
      %get3A_164 = arith.constant 288 : index
      %get3A_165 = tpu.vector_load %arg6[%get3A_164] {strides = array<i32>} : memref<1024xi32, #tpu.memory_space<vmem>>, vector<16xi32>,
      %gather3A_166 = tpu.vector_load_idx %arg10[%get3A_165] : memref<20000xf32, #tpu.memory_space<vmem>>[vector<16xi32>], vector<16xf32>,
      %swap3A_167 = arith.constant 288 : index
      %swap3A_168 = tpu.vector_load %arg11[%swap3A_167] {strides = array<i32>} : memref<1024xf32, #tpu.memory_space<vmem>>, vector<16xf32>,
      tpu.vector_store %arg11[%swap3A_167], %gather3A_166 {strides = array<i32>} : memref<1024xf32, #tpu.memory_space<vmem>>, vector<16xf32>,
      %get3A_169 = arith.constant 304 : index
      %get3A_170 = tpu.vector_load %arg6[%get3A_169] {strides = array<i32>} : memref<1024xi32, #tpu.memory_space<vmem>>, vector<16xi32>,
      %gather3A_171 = tpu.vector_load_idx %arg10[%get3A_170] : memref<20000xf32, #tpu.memory_space<vmem>>[vector<16xi32>], vector<16xf32>,
      %swap3A_172 = arith.constant 304 : index
      %swap3A_173 = tpu.vector_load %arg11[%swap3A_172] {strides = array<i32>} : memref<1024xf32, #tpu.memory_space<vmem>>, vector<16xf32>,
      tpu.vector_store %arg11[%swap3A_172], %gather3A_171 {strides = array<i32>} : memref<1024xf32, #tpu.memory_space<vmem>>, vector<16xf32>,
      %get3A_174 = arith.constant 320 : index
      %get3A_175 = tpu.vector_load %arg6[%get3A_174] {strides = array<i32>} : memref<1024xi32, #tpu.memory_space<vmem>>, vector<16xi32>,
      %gather3A_176 = tpu.vector_load_idx %arg10[%get3A_175] : memref<20000xf32, #tpu.memory_space<vmem>>[vector<16xi32>], vector<16xf32>,
      %swap3A_177 = arith.constant 320 : index
      %swap3A_178 = tpu.vector_load %arg11[%swap3A_177] {strides = array<i32>} : memref<1024xf32, #tpu.memory_space<vmem>>, vector<16xf32>,
      tpu.vector_store %arg11[%swap3A_177], %gather3A_176 {strides = array<i32>} : memref<1024xf32, #tpu.memory_space<vmem>>, vector<16xf32>,
      %get3A_179 = arith.constant 336 : index
      %get3A_180 = tpu.vector_load %arg6[%get3A_179] {strides = array<i32>} : memref<1024xi32, #tpu.memory_space<vmem>>, vector<16xi32>,
      %gather3A_181 = tpu.vector_load_idx %arg10[%get3A_180] : memref<20000xf32, #tpu.memory_space<vmem>>[vector<16xi32>], vector<16xf32>,
      %swap3A_182 = arith.constant 336 : index
      %swap3A_183 = tpu.vector_load %arg11[%swap3A_182] {strides = array<i32>} : memref<1024xf32, #tpu.memory_space<vmem>>, vector<16xf32>,
      tpu.vector_store %arg11[%swap3A_182], %gather3A_181 {strides = array<i32>} : memref<1024xf32, #tpu.memory_space<vmem>>, vector<16xf32>,
      %get3A_184 = arith.constant 352 : index
      %get3A_185 = tpu.vector_load %arg6[%get3A_184] {strides = array<i32>} : memref<1024xi32, #tpu.memory_space<vmem>>, vector<16xi32>,
      %gather3A_186 = tpu.vector_load_idx %arg10[%get3A_185] : memref<20000xf32, #tpu.memory_space<vmem>>[vector<16xi32>], vector<16xf32>,
      %swap3A_187 = arith.constant 352 : index
      %swap3A_188 = tpu.vector_load %arg11[%swap3A_187] {strides = array<i32>} : memref<1024xf32, #tpu.memory_space<vmem>>, vector<16xf32>,
      tpu.vector_store %arg11[%swap3A_187], %gather3A_186 {strides = array<i32>} : memref<1024xf32, #tpu.memory_space<vmem>>, vector<16xf32>,
      %get3A_189 = arith.constant 368 : index
      %get3A_190 = tpu.vector_load %arg6[%get3A_189] {strides = array<i32>} : memref<1024xi32, #tpu.memory_space<vmem>>, vector<16xi32>,
      %gather3A_191 = tpu.vector_load_idx %arg10[%get3A_190] : memref<20000xf32, #tpu.memory_space<vmem>>[vector<16xi32>], vector<16xf32>,
      %swap3A_192 = arith.constant 368 : index
      %swap3A_193 = tpu.vector_load %arg11[%swap3A_192] {strides = array<i32>} : memref<1024xf32, #tpu.memory_space<vmem>>, vector<16xf32>,
      tpu.vector_store %arg11[%swap3A_192], %gather3A_191 {strides = array<i32>} : memref<1024xf32, #tpu.memory_space<vmem>>, vector<16xf32>,
      %get3A_194 = arith.constant 384 : index
      %get3A_195 = tpu.vector_load %arg6[%get3A_194] {strides = array<i32>} : memref<1024xi32, #tpu.memory_space<vmem>>, vector<16xi32>,
      %gather3A_196 = tpu.vector_load_idx %arg10[%get3A_195] : memref<20000xf32, #tpu.memory_space<vmem>>[vector<16xi32>], vector<16xf32>,
      %swap3A_197 = arith.constant 384 : index
      %swap3A_198 = tpu.vector_load %arg11[%swap3A_197] {strides = array<i32>} : memref<1024xf32, #tpu.memory_space<vmem>>, vector<16xf32>,
      tpu.vector_store %arg11[%swap3A_197], %gather3A_196 {strides = array<i32>} : memref<1024xf32, #tpu.memory_space<vmem>>, vector<16xf32>,
      %get3A_199 = arith.constant 400 : index
      %get3A_200 = tpu.vector_load %arg6[%get3A_199] {strides = array<i32>} : memref<1024xi32, #tpu.memory_space<vmem>>, vector<16xi32>,
      %gather3A_201 = tpu.vector_load_idx %arg10[%get3A_200] : memref<20000xf32, #tpu.memory_space<vmem>>[vector<16xi32>], vector<16xf32>,
      %swap3A_202 = arith.constant 400 : index
      %swap3A_203 = tpu.vector_load %arg11[%swap3A_202] {strides = array<i32>} : memref<1024xf32, #tpu.memory_space<vmem>>, vector<16xf32>,
      tpu.vector_store %arg11[%swap3A_202], %gather3A_201 {strides = array<i32>} : memref<1024xf32, #tpu.memory_space<vmem>>, vector<16xf32>,
      %get3A_204 = arith.constant 416 : index
      %get3A_205 = tpu.vector_load %arg6[%get3A_204] {strides = array<i32>} : memref<1024xi32, #tpu.memory_space<vmem>>, vector<16xi32>,
      %gather3A_206 = tpu.vector_load_idx %arg10[%get3A_205] : memref<20000xf32, #tpu.memory_space<vmem>>[vector<16xi32>], vector<16xf32>,
      %swap3A_207 = arith.constant 416 : index
      %swap3A_208 = tpu.vector_load %arg11[%swap3A_207] {strides = array<i32>} : memref<1024xf32, #tpu.memory_space<vmem>>, vector<16xf32>,
      tpu.vector_store %arg11[%swap3A_207], %gather3A_206 {strides = array<i32>} : memref<1024xf32, #tpu.memory_space<vmem>>, vector<16xf32>,
      %get3A_209 = arith.constant 432 : index
      %get3A_210 = tpu.vector_load %arg6[%get3A_209] {strides = array<i32>} : memref<1024xi32, #tpu.memory_space<vmem>>, vector<16xi32>,
      %gather3A_211 = tpu.vector_load_idx %arg10[%get3A_210] : memref<20000xf32, #tpu.memory_space<vmem>>[vector<16xi32>], vector<16xf32>,
      %swap3A_212 = arith.constant 432 : index
      %swap3A_213 = tpu.vector_load %arg11[%swap3A_212] {strides = array<i32>} : memref<1024xf32, #tpu.memory_space<vmem>>, vector<16xf32>,
      tpu.vector_store %arg11[%swap3A_212], %gather3A_211 {strides = array<i32>} : memref<1024xf32, #tpu.memory_space<vmem>>, vector<16xf32>,
      %get3A_214 = arith.constant 448 : index
      %get3A_215 = tpu.vector_load %arg6[%get3A_214] {strides = array<i32>} : memref<1024xi32, #tpu.memory_space<vmem>>, vector<16xi32>,
      %gather3A_216 = tpu.vector_load_idx %arg10[%get3A_215] : memref<20000xf32, #tpu.memory_space<vmem>>[vector<16xi32>], vector<16xf32>,
      %swap3A_217 = arith.constant 448 : index
      %swap3A_218 = tpu.vector_load %arg11[%swap3A_217] {strides = array<i32>} : memref<1024xf32, #tpu.memory_space<vmem>>, vector<16xf32>,
      tpu.vector_store %arg11[%swap3A_217], %gather3A_216 {strides = array<i32>} : memref<1024xf32, #tpu.memory_space<vmem>>, vector<16xf32>,
      %get3A_219 = arith.constant 464 : index
      %get3A_220 = tpu.vector_load %arg6[%get3A_219] {strides = array<i32>} : memref<1024xi32, #tpu.memory_space<vmem>>, vector<16xi32>,
      %gather3A_221 = tpu.vector_load_idx %arg10[%get3A_220] : memref<20000xf32, #tpu.memory_space<vmem>>[vector<16xi32>], vector<16xf32>,
      %swap3A_222 = arith.constant 464 : index
      %swap3A_223 = tpu.vector_load %arg11[%swap3A_222] {strides = array<i32>} : memref<1024xf32, #tpu.memory_space<vmem>>, vector<16xf32>,
      tpu.vector_store %arg11[%swap3A_222], %gather3A_221 {strides = array<i32>} : memref<1024xf32, #tpu.memory_space<vmem>>, vector<16xf32>,
      %get3A_224 = arith.constant 480 : index
      %get3A_225 = tpu.vector_load %arg6[%get3A_224] {strides = array<i32>} : memref<1024xi32, #tpu.memory_space<vmem>>, vector<16xi32>,
      %gather3A_226 = tpu.vector_load_idx %arg10[%get3A_225] : memref<20000xf32, #tpu.memory_space<vmem>>[vector<16xi32>], vector<16xf32>,
      %swap3A_227 = arith.constant 480 : index
      %swap3A_228 = tpu.vector_load %arg11[%swap3A_227] {strides = array<i32>} : memref<1024xf32, #tpu.memory_space<vmem>>, vector<16xf32>,
      tpu.vector_store %arg11[%swap3A_227], %gather3A_226 {strides = array<i32>} : memref<1024xf32, #tpu.memory_space<vmem>>, vector<16xf32>,
      %get3A_229 = arith.constant 496 : index
      %get3A_230 = tpu.vector_load %arg6[%get3A_229] {strides = array<i32>} : memref<1024xi32, #tpu.memory_space<vmem>>, vector<16xi32>,
      %gather3A_231 = tpu.vector_load_idx %arg10[%get3A_230] : memref<20000xf32, #tpu.memory_space<vmem>>[vector<16xi32>], vector<16xf32>,
      %swap3A_232 = arith.constant 496 : index
      %swap3A_233 = tpu.vector_load %arg11[%swap3A_232] {strides = array<i32>} : memref<1024xf32, #tpu.memory_space<vmem>>, vector<16xf32>,
      tpu.vector_store %arg11[%swap3A_232], %gather3A_231 {strides = array<i32>} : memref<1024xf32, #tpu.memory_space<vmem>>, vector<16xf32>,
      %get3A_234 = arith.constant 512 : index
      %get3A_235 = tpu.vector_load %arg6[%get3A_234] {strides = array<i32>} : memref<1024xi32, #tpu.memory_space<vmem>>, vector<16xi32>,
      %gather3A_236 = tpu.vector_load_idx %arg10[%get3A_235] : memref<20000xf32, #tpu.memory_space<vmem>>[vector<16xi32>], vector<16xf32>,
      %swap3A_237 = arith.constant 512 : index
      %swap3A_238 = tpu.vector_load %arg11[%swap3A_237] {strides = array<i32>} : memref<1024xf32, #tpu.memory_space<vmem>>, vector<16xf32>,
      tpu.vector_store %arg11[%swap3A_237], %gather3A_236 {strides = array<i32>} : memref<1024xf32, #tpu.memory_space<vmem>>, vector<16xf32>,
      %get3A_239 = arith.constant 528 : index
      %get3A_240 = tpu.vector_load %arg6[%get3A_239] {strides = array<i32>} : memref<1024xi32, #tpu.memory_space<vmem>>, vector<16xi32>,
      %gather3A_241 = tpu.vector_load_idx %arg10[%get3A_240] : memref<20000xf32, #tpu.memory_space<vmem>>[vector<16xi32>], vector<16xf32>,
      %swap3A_242 = arith.constant 528 : index
      %swap3A_243 = tpu.vector_load %arg11[%swap3A_242] {strides = array<i32>} : memref<1024xf32, #tpu.memory_space<vmem>>, vector<16xf32>,
      tpu.vector_store %arg11[%swap3A_242], %gather3A_241 {strides = array<i32>} : memref<1024xf32, #tpu.memory_space<vmem>>, vector<16xf32>,
      %get3A_244 = arith.constant 544 : index
      %get3A_245 = tpu.vector_load %arg6[%get3A_244] {strides = array<i32>} : memref<1024xi32, #tpu.memory_space<vmem>>, vector<16xi32>,
      %gather3A_246 = tpu.vector_load_idx %arg10[%get3A_245] : memref<20000xf32, #tpu.memory_space<vmem>>[vector<16xi32>], vector<16xf32>,
      %swap3A_247 = arith.constant 544 : index
      %swap3A_248 = tpu.vector_load %arg11[%swap3A_247] {strides = array<i32>} : memref<1024xf32, #tpu.memory_space<vmem>>, vector<16xf32>,
      tpu.vector_store %arg11[%swap3A_247], %gather3A_246 {strides = array<i32>} : memref<1024xf32, #tpu.memory_space<vmem>>, vector<16xf32>,
      %get3A_249 = arith.constant 560 : index
      %get3A_250 = tpu.vector_load %arg6[%get3A_249] {strides = array<i32>} : memref<1024xi32, #tpu.memory_space<vmem>>, vector<16xi32>,
      %gather3A_251 = tpu.vector_load_idx %arg10[%get3A_250] : memref<20000xf32, #tpu.memory_space<vmem>>[vector<16xi32>], vector<16xf32>,
      %swap3A_252 = arith.constant 560 : index
      %swap3A_253 = tpu.vector_load %arg11[%swap3A_252] {strides = array<i32>} : memref<1024xf32, #tpu.memory_space<vmem>>, vector<16xf32>,
      tpu.vector_store %arg11[%swap3A_252], %gather3A_251 {strides = array<i32>} : memref<1024xf32, #tpu.memory_space<vmem>>, vector<16xf32>,
      %get3A_254 = arith.constant 576 : index
      %get3A_255 = tpu.vector_load %arg6[%get3A_254] {strides = array<i32>} : memref<1024xi32, #tpu.memory_space<vmem>>, vector<16xi32>,
      %gather3A_256 = tpu.vector_load_idx %arg10[%get3A_255] : memref<20000xf32, #tpu.memory_space<vmem>>[vector<16xi32>], vector<16xf32>,
      %swap3A_257 = arith.constant 576 : index
      %swap3A_258 = tpu.vector_load %arg11[%swap3A_257] {strides = array<i32>} : memref<1024xf32, #tpu.memory_space<vmem>>, vector<16xf32>,
      tpu.vector_store %arg11[%swap3A_257], %gather3A_256 {strides = array<i32>} : memref<1024xf32, #tpu.memory_space<vmem>>, vector<16xf32>,
      %get3A_259 = arith.constant 592 : index
      %get3A_260 = tpu.vector_load %arg6[%get3A_259] {strides = array<i32>} : memref<1024xi32, #tpu.memory_space<vmem>>, vector<16xi32>,
      %gather3A_261 = tpu.vector_load_idx %arg10[%get3A_260] : memref<20000xf32, #tpu.memory_space<vmem>>[vector<16xi32>], vector<16xf32>,
      %swap3A_262 = arith.constant 592 : index
      %swap3A_263 = tpu.vector_load %arg11[%swap3A_262] {strides = array<i32>} : memref<1024xf32, #tpu.memory_space<vmem>>, vector<16xf32>,
      tpu.vector_store %arg11[%swap3A_262], %gather3A_261 {strides = array<i32>} : memref<1024xf32, #tpu.memory_space<vmem>>, vector<16xf32>,
      %get3A_264 = arith.constant 608 : index
      %get3A_265 = tpu.vector_load %arg6[%get3A_264] {strides = array<i32>} : memref<1024xi32, #tpu.memory_space<vmem>>, vector<16xi32>,
      %gather3A_266 = tpu.vector_load_idx %arg10[%get3A_265] : memref<20000xf32, #tpu.memory_space<vmem>>[vector<16xi32>], vector<16xf32>,
      %swap3A_267 = arith.constant 608 : index
      %swap3A_268 = tpu.vector_load %arg11[%swap3A_267] {strides = array<i32>} : memref<1024xf32, #tpu.memory_space<vmem>>, vector<16xf32>,
      tpu.vector_store %arg11[%swap3A_267], %gather3A_266 {strides = array<i32>} : memref<1024xf32, #tpu.memory_space<vmem>>, vector<16xf32>,
      %get3A_269 = arith.constant 624 : index
      %get3A_270 = tpu.vector_load %arg6[%get3A_269] {strides = array<i32>} : memref<1024xi32, #tpu.memory_space<vmem>>, vector<16xi32>,
      %gather3A_271 = tpu.vector_load_idx %arg10[%get3A_270] : memref<20000xf32, #tpu.memory_space<vmem>>[vector<16xi32>], vector<16xf32>,
      %swap3A_272 = arith.constant 624 : index
      %swap3A_273 = tpu.vector_load %arg11[%swap3A_272] {strides = array<i32>} : memref<1024xf32, #tpu.memory_space<vmem>>, vector<16xf32>,
      tpu.vector_store %arg11[%swap3A_272], %gather3A_271 {strides = array<i32>} : memref<1024xf32, #tpu.memory_space<vmem>>, vector<16xf32>,
      %get3A_274 = arith.constant 640 : index
      %get3A_275 = tpu.vector_load %arg6[%get3A_274] {strides = array<i32>} : memref<1024xi32, #tpu.memory_space<vmem>>, vector<16xi32>,
      %gather3A_276 = tpu.vector_load_idx %arg10[%get3A_275] : memref<20000xf32, #tpu.memory_space<vmem>>[vector<16xi32>], vector<16xf32>,
      %swap3A_277 = arith.constant 640 : index
      %swap3A_278 = tpu.vector_load %arg11[%swap3A_277] {strides = array<i32>} : memref<1024xf32, #tpu.memory_space<vmem>>, vector<16xf32>,
      tpu.vector_store %arg11[%swap3A_277], %gather3A_276 {strides = array<i32>} : memref<1024xf32, #tpu.memory_space<vmem>>, vector<16xf32>,
      %get3A_279 = arith.constant 656 : index
      %get3A_280 = tpu.vector_load %arg6[%get3A_279] {strides = array<i32>} : memref<1024xi32, #tpu.memory_space<vmem>>, vector<16xi32>,
      %gather3A_281 = tpu.vector_load_idx %arg10[%get3A_280] : memref<20000xf32, #tpu.memory_space<vmem>>[vector<16xi32>], vector<16xf32>,
      %swap3A_282 = arith.constant 656 : index
      %swap3A_283 = tpu.vector_load %arg11[%swap3A_282] {strides = array<i32>} : memref<1024xf32, #tpu.memory_space<vmem>>, vector<16xf32>,
      tpu.vector_store %arg11[%swap3A_282], %gather3A_281 {strides = array<i32>} : memref<1024xf32, #tpu.memory_space<vmem>>, vector<16xf32>,
      %get3A_284 = arith.constant 672 : index
      %get3A_285 = tpu.vector_load %arg6[%get3A_284] {strides = array<i32>} : memref<1024xi32, #tpu.memory_space<vmem>>, vector<16xi32>,
      %gather3A_286 = tpu.vector_load_idx %arg10[%get3A_285] : memref<20000xf32, #tpu.memory_space<vmem>>[vector<16xi32>], vector<16xf32>,
      %swap3A_287 = arith.constant 672 : index
      %swap3A_288 = tpu.vector_load %arg11[%swap3A_287] {strides = array<i32>} : memref<1024xf32, #tpu.memory_space<vmem>>, vector<16xf32>,
      tpu.vector_store %arg11[%swap3A_287], %gather3A_286 {strides = array<i32>} : memref<1024xf32, #tpu.memory_space<vmem>>, vector<16xf32>,
      %get3A_289 = arith.constant 688 : index
      %get3A_290 = tpu.vector_load %arg6[%get3A_289] {strides = array<i32>} : memref<1024xi32, #tpu.memory_space<vmem>>, vector<16xi32>,
      %gather3A_291 = tpu.vector_load_idx %arg10[%get3A_290] : memref<20000xf32, #tpu.memory_space<vmem>>[vector<16xi32>], vector<16xf32>,
      %swap3A_292 = arith.constant 688 : index
      %swap3A_293 = tpu.vector_load %arg11[%swap3A_292] {strides = array<i32>} : memref<1024xf32, #tpu.memory_space<vmem>>, vector<16xf32>,
      tpu.vector_store %arg11[%swap3A_292], %gather3A_291 {strides = array<i32>} : memref<1024xf32, #tpu.memory_space<vmem>>, vector<16xf32>,
      %get3A_294 = arith.constant 704 : index
      %get3A_295 = tpu.vector_load %arg6[%get3A_294] {strides = array<i32>} : memref<1024xi32, #tpu.memory_space<vmem>>, vector<16xi32>,
      %gather3A_296 = tpu.vector_load_idx %arg10[%get3A_295] : memref<20000xf32, #tpu.memory_space<vmem>>[vector<16xi32>], vector<16xf32>,
      %swap3A_297 = arith.constant 704 : index
      %swap3A_298 = tpu.vector_load %arg11[%swap3A_297] {strides = array<i32>} : memref<1024xf32, #tpu.memory_space<vmem>>, vector<16xf32>,
      tpu.vector_store %arg11[%swap3A_297], %gather3A_296 {strides = array<i32>} : memref<1024xf32, #tpu.memory_space<vmem>>, vector<16xf32>,
      %get3A_299 = arith.constant 720 : index
      %get3A_300 = tpu.vector_load %arg6[%get3A_299] {strides = array<i32>} : memref<1024xi32, #tpu.memory_space<vmem>>, vector<16xi32>,
      %gather3A_301 = tpu.vector_load_idx %arg10[%get3A_300] : memref<20000xf32, #tpu.memory_space<vmem>>[vector<16xi32>], vector<16xf32>,
      %swap3A_302 = arith.constant 720 : index
      %swap3A_303 = tpu.vector_load %arg11[%swap3A_302] {strides = array<i32>} : memref<1024xf32, #tpu.memory_space<vmem>>, vector<16xf32>,
      tpu.vector_store %arg11[%swap3A_302], %gather3A_301 {strides = array<i32>} : memref<1024xf32, #tpu.memory_space<vmem>>, vector<16xf32>,
      %get3A_304 = arith.constant 736 : index
      %get3A_305 = tpu.vector_load %arg6[%get3A_304] {strides = array<i32>} : memref<1024xi32, #tpu.memory_space<vmem>>, vector<16xi32>,
      %gather3A_306 = tpu.vector_load_idx %arg10[%get3A_305] : memref<20000xf32, #tpu.memory_space<vmem>>[vector<16xi32>], vector<16xf32>,
      %swap3A_307 = arith.constant 736 : index
      %swap3A_308 = tpu.vector_load %arg11[%swap3A_307] {strides = array<i32>} : memref<1024xf32, #tpu.memory_space<vmem>>, vector<16xf32>,
      tpu.vector_store %arg11[%swap3A_307], %gather3A_306 {strides = array<i32>} : memref<1024xf32, #tpu.memory_space<vmem>>, vector<16xf32>,
      %get3A_309 = arith.constant 752 : index
      %get3A_310 = tpu.vector_load %arg6[%get3A_309] {strides = array<i32>} : memref<1024xi32, #tpu.memory_space<vmem>>, vector<16xi32>,
      %gather3A_311 = tpu.vector_load_idx %arg10[%get3A_310] : memref<20000xf32, #tpu.memory_space<vmem>>[vector<16xi32>], vector<16xf32>,
      %swap3A_312 = arith.constant 752 : index
      %swap3A_313 = tpu.vector_load %arg11[%swap3A_312] {strides = array<i32>} : memref<1024xf32, #tpu.memory_space<vmem>>, vector<16xf32>,
      tpu.vector_store %arg11[%swap3A_312], %gather3A_311 {strides = array<i32>} : memref<1024xf32, #tpu.memory_space<vmem>>, vector<16xf32>,
      %get3A_314 = arith.constant 768 : index
      %get3A_315 = tpu.vector_load %arg6[%get3A_314] {strides = array<i32>} : memref<1024xi32, #tpu.memory_space<vmem>>, vector<16xi32>,
      %gather3A_316 = tpu.vector_load_idx %arg10[%get3A_315] : memref<20000xf32, #tpu.memory_space<vmem>>[vector<16xi32>], vector<16xf32>,
      %swap3A_317 = arith.constant 768 : index
      %swap3A_318 = tpu.vector_load %arg11[%swap3A_317] {strides = array<i32>} : memref<1024xf32, #tpu.memory_space<vmem>>, vector<16xf32>,
      tpu.vector_store %arg11[%swap3A_317], %gather3A_316 {strides = array<i32>} : memref<1024xf32, #tpu.memory_space<vmem>>, vector<16xf32>,
      %get3A_319 = arith.constant 784 : index
      %get3A_320 = tpu.vector_load %arg6[%get3A_319] {strides = array<i32>} : memref<1024xi32, #tpu.memory_space<vmem>>, vector<16xi32>,
      %gather3A_321 = tpu.vector_load_idx %arg10[%get3A_320] : memref<20000xf32, #tpu.memory_space<vmem>>[vector<16xi32>], vector<16xf32>,
      %swap3A_322 = arith.constant 784 : index
      %swap3A_323 = tpu.vector_load %arg11[%swap3A_322] {strides = array<i32>} : memref<1024xf32, #tpu.memory_space<vmem>>, vector<16xf32>,
      tpu.vector_store %arg11[%swap3A_322], %gather3A_321 {strides = array<i32>} : memref<1024xf32, #tpu.memory_space<vmem>>, vector<16xf32>,
      %get3A_324 = arith.constant 800 : index
      %get3A_325 = tpu.vector_load %arg6[%get3A_324] {strides = array<i32>} : memref<1024xi32, #tpu.memory_space<vmem>>, vector<16xi32>,
      %gather3A_326 = tpu.vector_load_idx %arg10[%get3A_325] : memref<20000xf32, #tpu.memory_space<vmem>>[vector<16xi32>], vector<16xf32>,
      %swap3A_327 = arith.constant 800 : index
      %swap3A_328 = tpu.vector_load %arg11[%swap3A_327] {strides = array<i32>} : memref<1024xf32, #tpu.memory_space<vmem>>, vector<16xf32>,
      tpu.vector_store %arg11[%swap3A_327], %gather3A_326 {strides = array<i32>} : memref<1024xf32, #tpu.memory_space<vmem>>, vector<16xf32>,
      %get3A_329 = arith.constant 816 : index
      %get3A_330 = tpu.vector_load %arg6[%get3A_329] {strides = array<i32>} : memref<1024xi32, #tpu.memory_space<vmem>>, vector<16xi32>,
      %gather3A_331 = tpu.vector_load_idx %arg10[%get3A_330] : memref<20000xf32, #tpu.memory_space<vmem>>[vector<16xi32>], vector<16xf32>,
      %swap3A_332 = arith.constant 816 : index
      %swap3A_333 = tpu.vector_load %arg11[%swap3A_332] {strides = array<i32>} : memref<1024xf32, #tpu.memory_space<vmem>>, vector<16xf32>,
      tpu.vector_store %arg11[%swap3A_332], %gather3A_331 {strides = array<i32>} : memref<1024xf32, #tpu.memory_space<vmem>>, vector<16xf32>,
      %get3A_334 = arith.constant 832 : index
      %get3A_335 = tpu.vector_load %arg6[%get3A_334] {strides = array<i32>} : memref<1024xi32, #tpu.memory_space<vmem>>, vector<16xi32>,
      %gather3A_336 = tpu.vector_load_idx %arg10[%get3A_335] : memref<20000xf32, #tpu.memory_space<vmem>>[vector<16xi32>], vector<16xf32>,
      %swap3A_337 = arith.constant 832 : index
      %swap3A_338 = tpu.vector_load %arg11[%swap3A_337] {strides = array<i32>} : memref<1024xf32, #tpu.memory_space<vmem>>, vector<16xf32>,
      tpu.vector_store %arg11[%swap3A_337], %gather3A_336 {strides = array<i32>} : memref<1024xf32, #tpu.memory_space<vmem>>, vector<16xf32>,
      %get3A_339 = arith.constant 848 : index
      %get3A_340 = tpu.vector_load %arg6[%get3A_339] {strides = array<i32>} : memref<1024xi32, #tpu.memory_space<vmem>>, vector<16xi32>,
      %gather3A_341 = tpu.vector_load_idx %arg10[%get3A_340] : memref<20000xf32, #tpu.memory_space<vmem>>[vector<16xi32>], vector<16xf32>,
      %swap3A_342 = arith.constant 848 : index
      %swap3A_343 = tpu.vector_load %arg11[%swap3A_342] {strides = array<i32>} : memref<1024xf32, #tpu.memory_space<vmem>>, vector<16xf32>,
      tpu.vector_store %arg11[%swap3A_342], %gather3A_341 {strides = array<i32>} : memref<1024xf32, #tpu.memory_space<vmem>>, vector<16xf32>,
      %get3A_344 = arith.constant 864 : index
      %get3A_345 = tpu.vector_load %arg6[%get3A_344] {strides = array<i32>} : memref<1024xi32, #tpu.memory_space<vmem>>, vector<16xi32>,
      %gather3A_346 = tpu.vector_load_idx %arg10[%get3A_345] : memref<20000xf32, #tpu.memory_space<vmem>>[vector<16xi32>], vector<16xf32>,
      %swap3A_347 = arith.constant 864 : index
      %swap3A_348 = tpu.vector_load %arg11[%swap3A_347] {strides = array<i32>} : memref<1024xf32, #tpu.memory_space<vmem>>, vector<16xf32>,
      tpu.vector_store %arg11[%swap3A_347], %gather3A_346 {strides = array<i32>} : memref<1024xf32, #tpu.memory_space<vmem>>, vector<16xf32>,
      %get3A_349 = arith.constant 880 : index
      %get3A_350 = tpu.vector_load %arg6[%get3A_349] {strides = array<i32>} : memref<1024xi32, #tpu.memory_space<vmem>>, vector<16xi32>,
      %gather3A_351 = tpu.vector_load_idx %arg10[%get3A_350] : memref<20000xf32, #tpu.memory_space<vmem>>[vector<16xi32>], vector<16xf32>,
      %swap3A_352 = arith.constant 880 : index
      %swap3A_353 = tpu.vector_load %arg11[%swap3A_352] {strides = array<i32>} : memref<1024xf32, #tpu.memory_space<vmem>>, vector<16xf32>,
      tpu.vector_store %arg11[%swap3A_352], %gather3A_351 {strides = array<i32>} : memref<1024xf32, #tpu.memory_space<vmem>>, vector<16xf32>,
      %get3A_354 = arith.constant 896 : index
      %get3A_355 = tpu.vector_load %arg6[%get3A_354] {strides = array<i32>} : memref<1024xi32, #tpu.memory_space<vmem>>, vector<16xi32>,
      %gather3A_356 = tpu.vector_load_idx %arg10[%get3A_355] : memref<20000xf32, #tpu.memory_space<vmem>>[vector<16xi32>], vector<16xf32>,
      %swap3A_357 = arith.constant 896 : index
      %swap3A_358 = tpu.vector_load %arg11[%swap3A_357] {strides = array<i32>} : memref<1024xf32, #tpu.memory_space<vmem>>, vector<16xf32>,
      tpu.vector_store %arg11[%swap3A_357], %gather3A_356 {strides = array<i32>} : memref<1024xf32, #tpu.memory_space<vmem>>, vector<16xf32>,
      %get3A_359 = arith.constant 912 : index
      %get3A_360 = tpu.vector_load %arg6[%get3A_359] {strides = array<i32>} : memref<1024xi32, #tpu.memory_space<vmem>>, vector<16xi32>,
      %gather3A_361 = tpu.vector_load_idx %arg10[%get3A_360] : memref<20000xf32, #tpu.memory_space<vmem>>[vector<16xi32>], vector<16xf32>,
      %swap3A_362 = arith.constant 912 : index
      %swap3A_363 = tpu.vector_load %arg11[%swap3A_362] {strides = array<i32>} : memref<1024xf32, #tpu.memory_space<vmem>>, vector<16xf32>,
      tpu.vector_store %arg11[%swap3A_362], %gather3A_361 {strides = array<i32>} : memref<1024xf32, #tpu.memory_space<vmem>>, vector<16xf32>,
      %get3A_364 = arith.constant 928 : index
      %get3A_365 = tpu.vector_load %arg6[%get3A_364] {strides = array<i32>} : memref<1024xi32, #tpu.memory_space<vmem>>, vector<16xi32>,
      %gather3A_366 = tpu.vector_load_idx %arg10[%get3A_365] : memref<20000xf32, #tpu.memory_space<vmem>>[vector<16xi32>], vector<16xf32>,
      %swap3A_367 = arith.constant 928 : index
      %swap3A_368 = tpu.vector_load %arg11[%swap3A_367] {strides = array<i32>} : memref<1024xf32, #tpu.memory_space<vmem>>, vector<16xf32>,
      tpu.vector_store %arg11[%swap3A_367], %gather3A_366 {strides = array<i32>} : memref<1024xf32, #tpu.memory_space<vmem>>, vector<16xf32>,
      %get3A_369 = arith.constant 944 : index
      %get3A_370 = tpu.vector_load %arg6[%get3A_369] {strides = array<i32>} : memref<1024xi32, #tpu.memory_space<vmem>>, vector<16xi32>,
      %gather3A_371 = tpu.vector_load_idx %arg10[%get3A_370] : memref<20000xf32, #tpu.memory_space<vmem>>[vector<16xi32>], vector<16xf32>,
      %swap3A_372 = arith.constant 944 : index
      %swap3A_373 = tpu.vector_load %arg11[%swap3A_372] {strides = array<i32>} : memref<1024xf32, #tpu.memory_space<vmem>>, vector<16xf32>,
      tpu.vector_store %arg11[%swap3A_372], %gather3A_371 {strides = array<i32>} : memref<1024xf32, #tpu.memory_space<vmem>>, vector<16xf32>,
      %get3A_374 = arith.constant 960 : index
      %get3A_375 = tpu.vector_load %arg6[%get3A_374] {strides = array<i32>} : memref<1024xi32, #tpu.memory_space<vmem>>, vector<16xi32>,
      %gather3A_376 = tpu.vector_load_idx %arg10[%get3A_375] : memref<20000xf32, #tpu.memory_space<vmem>>[vector<16xi32>], vector<16xf32>,
      %swap3A_377 = arith.constant 960 : index
      %swap3A_378 = tpu.vector_load %arg11[%swap3A_377] {strides = array<i32>} : memref<1024xf32, #tpu.memory_space<vmem>>, vector<16xf32>,
      tpu.vector_store %arg11[%swap3A_377], %gather3A_376 {strides = array<i32>} : memref<1024xf32, #tpu.memory_space<vmem>>, vector<16xf32>,
      %get3A_379 = arith.constant 976 : index
      %get3A_380 = tpu.vector_load %arg6[%get3A_379] {strides = array<i32>} : memref<1024xi32, #tpu.memory_space<vmem>>, vector<16xi32>,
      %gather3A_381 = tpu.vector_load_idx %arg10[%get3A_380] : memref<20000xf32, #tpu.memory_space<vmem>>[vector<16xi32>], vector<16xf32>,
      %swap3A_382 = arith.constant 976 : index
      %swap3A_383 = tpu.vector_load %arg11[%swap3A_382] {strides = array<i32>} : memref<1024xf32, #tpu.memory_space<vmem>>, vector<16xf32>,
      tpu.vector_store %arg11[%swap3A_382], %gather3A_381 {strides = array<i32>} : memref<1024xf32, #tpu.memory_space<vmem>>, vector<16xf32>,
      %get3A_384 = arith.constant 992 : index
      %get3A_385 = tpu.vector_load %arg6[%get3A_384] {strides = array<i32>} : memref<1024xi32, #tpu.memory_space<vmem>>, vector<16xi32>,
      %gather3A_386 = tpu.vector_load_idx %arg10[%get3A_385] : memref<20000xf32, #tpu.memory_space<vmem>>[vector<16xi32>], vector<16xf32>,
      %swap3A_387 = arith.constant 992 : index
      %swap3A_388 = tpu.vector_load %arg11[%swap3A_387] {strides = array<i32>} : memref<1024xf32, #tpu.memory_space<vmem>>, vector<16xf32>,
      tpu.vector_store %arg11[%swap3A_387], %gather3A_386 {strides = array<i32>} : memref<1024xf32, #tpu.memory_space<vmem>>, vector<16xf32>,
      %get3A_389 = arith.constant 1008 : index
      %get3A_390 = tpu.vector_load %arg6[%get3A_389] {strides = array<i32>} : memref<1024xi32, #tpu.memory_space<vmem>>, vector<16xi32>,
      %gather3A_391 = tpu.vector_load_idx %arg10[%get3A_390] : memref<20000xf32, #tpu.memory_space<vmem>>[vector<16xi32>], vector<16xf32>,
      %swap3A_392 = arith.constant 1008 : index
      %swap3A_393 = tpu.vector_load %arg11[%swap3A_392] {strides = array<i32>} : memref<1024xf32, #tpu.memory_space<vmem>>, vector<16xf32>,
      tpu.vector_store %arg11[%swap3A_392], %gather3A_391 {strides = array<i32>} : memref<1024xf32, #tpu.memory_space<vmem>>, vector<16xf32>,
      "tpu.region"() ({
        %run_scoped3A = tpu.sem_alloc : memref<!tpu.dma_semaphore, #tpu.memory_space<semaphore_mem>>
        %dma_start3A = arith.constant 0 : i32
        %dma_start3A_394 = tpu.memref_slice %arg5[%add3A_66, %dma_start3A] : memref<128x1024xf32, #tpu.memory_space<hbm>> -> memref<1x1024xf32, #tpu.memory_space<hbm>>
        %dma_start3A_395 = tpu.memref_squeeze %dma_start3A_394 : memref<1x1024xf32, #tpu.memory_space<hbm>> -> memref<1024xf32, #tpu.memory_space<hbm>>
        %dma_start3A_396 = arith.constant 0 : i32
        %dma_start3A_397 = tpu.memref_slice %arg5[%add3A_66, %dma_start3A_396] : memref<128x1024xf32, #tpu.memory_space<hbm>> -> memref<1x1024xf32, #tpu.memory_space<hbm>>
        %dma_start3A_398 = tpu.memref_squeeze %dma_start3A_397 : memref<1x1024xf32, #tpu.memory_space<hbm>> -> memref<1024xf32, #tpu.memory_space<hbm>>
        tpu.enqueue_dma source(%arg11 : memref<1024xf32, #tpu.memory_space<vmem>>) target(%dma_start3A_398 : memref<1024xf32, #tpu.memory_space<hbm>>) target_semaphore(%run_scoped3A : memref<!tpu.dma_semaphore, #tpu.memory_space<semaphore_mem>>)
        %dma_wait3A_399 = arith.constant 0 : i32
        %dma_wait3A_400 = tpu.memref_slice %arg5[%add3A_66, %dma_wait3A_399] : memref<128x1024xf32, #tpu.memory_space<hbm>> -> memref<1x1024xf32, #tpu.memory_space<hbm>>
        %dma_wait3A_401 = tpu.memref_squeeze %dma_wait3A_400 : memref<1x1024xf32, #tpu.memory_space<hbm>> -> memref<1024xf32, #tpu.memory_space<hbm>>
        %dma_wait3A_402 = arith.constant 0 : i32
        %dma_wait3A_403 = tpu.memref_slice %arg5[%add3A_66, %dma_wait3A_402] : memref<128x1024xf32, #tpu.memory_space<hbm>> -> memref<1x1024xf32, #tpu.memory_space<hbm>>
        %dma_wait3A_404 = tpu.memref_squeeze %dma_wait3A_403 : memref<1x1024xf32, #tpu.memory_space<hbm>> -> memref<1024xf32, #tpu.memory_space<hbm>>
        tpu.wait_dma2 semaphore(%run_scoped3A : memref<!tpu.dma_semaphore, #tpu.memory_space<semaphore_mem>>) src(%arg11 : memref<1024xf32, #tpu.memory_space<vmem>>) dst(%dma_wait3A_404 : memref<1024xf32, #tpu.memory_space<hbm>>)
        tpu.yield
      }) : () -> ()
    } else {
    }
    return
  }
}

module attributes {stable_mosaic.version = 14 : i64} {
  func.func @_tc_body(%arg0: i32, %arg1: memref<100x32x1024xf32, #tpu.memory_space<vmem>>, %arg2: memref<100x32x1024xf32, #tpu.memory_space<vmem>>, %arg3: memref<128x1024xf32, #tpu.memory_space<vmem>>, %arg4: memref<64x1024xf32, #tpu.memory_space<vmem>>) attributes {dimension_semantics = [#tpu.dimension_semantics<parallel>], iteration_bounds = array<i64: 16>, scalar_prefetch = 0 : i64, scratch_operands = 0 : i64, tpu.core_type = #tpu.core_type<tc>, window_params = [{transform_indices = @transform_0, window_bounds = array<i64: 100, 32, 1024>}, {transform_indices = @transform_1, window_bounds = array<i64: 100, 32, 1024>}, {pipeline_mode = #tpu.pipeline_mode<synchronous>, transform_indices = @transform_2, window_bounds = array<i64: 128, 1024>}, {transform_indices = @transform_3, window_bounds = array<i64: 64, 1024>}]} {
    %get3A = arith.constant 0 : index
    %get3A_0 = arith.constant 0 : index
    %get3A_1 = vector.load %arg3[%get3A, %get3A_0] : memref<128x1024xf32, #tpu.memory_space<vmem>>, vector<128x1024xf32>
    %slice3A = vector.extract_strided_slice %get3A_1 {offsets = [0, 0], sizes = [100, 1024], strides = [1, 1]} : vector<128x1024xf32> to vector<100x1024xf32>
    %broadcast_in_dim3A = vector.shape_cast %slice3A : vector<100x1024xf32> to vector<100x1x1024xf32>
    %slice3A_2 = vector.extract_strided_slice %get3A_1 {offsets = [100, 0], sizes = [1, 1024], strides = [1, 1]} : vector<128x1024xf32> to vector<1x1024xf32>
    %squeeze3A = vector.shape_cast %slice3A_2 : vector<1x1024xf32> to vector<1024xf32>
    %broadcast_in_dim3A_3 = vector.shape_cast %squeeze3A : vector<1024xf32> to vector<1x1024xf32>
    %get3A_4 = arith.constant 0 : index
    %get3A_5 = arith.constant 0 : index
    %get3A_6 = arith.constant 0 : index
    %get3A_7 = vector.load %arg1[%get3A_4, %get3A_5, %get3A_6] : memref<100x32x1024xf32, #tpu.memory_space<vmem>>, vector<100x32x1024xf32>
    %mul3A = vector.broadcast %broadcast_in_dim3A : vector<100x1x1024xf32> to vector<100x32x1024xf32>
    %mul3A_8 = arith.mulf %get3A_7, %mul3A : vector<100x32x1024xf32>
    %reduce_sum3A = arith.constant dense<0.000000e+00> : vector<32x1024xf32>
    %reduce_sum3A_9 = vector.multi_reduction <add>, %mul3A_8, %reduce_sum3A [0] : vector<100x32x1024xf32> to vector<32x1024xf32>
    %add3A = vector.broadcast %broadcast_in_dim3A_3 : vector<1x1024xf32> to vector<32x1024xf32>
    %add3A_10 = arith.addf %reduce_sum3A_9, %add3A : vector<32x1024xf32>
    %swap3A = arith.constant 0 : index
    %swap3A_11 = arith.constant 0 : index
    %swap3A_12 = vector.load %arg4[%swap3A, %swap3A_11] : memref<64x1024xf32, #tpu.memory_space<vmem>>, vector<32x1024xf32>
    tpu.vector_store %arg4[%swap3A, %swap3A_11], %add3A_10 {strides = array<i32>} : memref<64x1024xf32, #tpu.memory_space<vmem>>, vector<32x1024xf32>,
    %get3A_13 = arith.constant 0 : index
    %get3A_14 = arith.constant 0 : index
    %get3A_15 = arith.constant 0 : index
    %get3A_16 = vector.load %arg2[%get3A_13, %get3A_14, %get3A_15] : memref<100x32x1024xf32, #tpu.memory_space<vmem>>, vector<100x32x1024xf32>
    %mul3A_17 = vector.broadcast %broadcast_in_dim3A : vector<100x1x1024xf32> to vector<100x32x1024xf32>
    %mul3A_18 = arith.mulf %get3A_16, %mul3A_17 : vector<100x32x1024xf32>
    %reduce_sum3A_19 = arith.constant dense<0.000000e+00> : vector<32x1024xf32>
    %reduce_sum3A_20 = vector.multi_reduction <add>, %mul3A_18, %reduce_sum3A_19 [0] : vector<100x32x1024xf32> to vector<32x1024xf32>
    %add3A_21 = vector.broadcast %broadcast_in_dim3A_3 : vector<1x1024xf32> to vector<32x1024xf32>
    %add3A_22 = arith.addf %reduce_sum3A_20, %add3A_21 : vector<32x1024xf32>
    %swap3A_23 = arith.constant 32 : index
    %swap3A_24 = arith.constant 0 : index
    %swap3A_25 = vector.load %arg4[%swap3A_23, %swap3A_24] : memref<64x1024xf32, #tpu.memory_space<vmem>>, vector<32x1024xf32>
    tpu.vector_store %arg4[%swap3A_23, %swap3A_24], %add3A_22 {strides = array<i32>} : memref<64x1024xf32, #tpu.memory_space<vmem>>, vector<32x1024xf32>,
    return
  }
  func.func @transform_0(%arg0: i32) -> (i32, i32, i32) {
    %mul3A = arith.constant 2 : i32
    %mul3A_0 = arith.muli %mul3A, %arg0 : i32
    %c0_i32 = arith.constant 0 : i32
    %c0_i32_1 = arith.constant 0 : i32
    %c0_i32_2 = arith.constant 0 : i32
    return %c0_i32, %mul3A_0, %c0_i32_1 : i32, i32, i32
  }
  func.func @transform_1(%arg0: i32) -> (i32, i32, i32) {
    %mul3A = arith.constant 2 : i32
    %mul3A_0 = arith.muli %mul3A, %arg0 : i32
    %add3A = arith.constant 1 : i32
    %add3A_1 = arith.addi %mul3A_0, %add3A : i32
    %c0_i32 = arith.constant 0 : i32
    %c0_i32_2 = arith.constant 0 : i32
    %c0_i32_3 = arith.constant 0 : i32
    return %c0_i32, %add3A_1, %c0_i32_2 : i32, i32, i32
  }
  func.func @transform_2(%arg0: i32) -> (i32, i32) {
    %c0_i32 = arith.constant 0 : i32
    %c0_i32_0 = arith.constant 0 : i32
    %c0_i32_1 = arith.constant 0 : i32
    return %c0_i32, %c0_i32_0 : i32, i32
  }
  func.func @transform_3(%arg0: i32) -> (i32, i32) {
    %c0_i32 = arith.constant 0 : i32
    %c0_i32_0 = arith.constant 0 : i32
    return %arg0, %c0_i32 : i32, i32
  }
}

</mosaic_0001>

<sc_bundles>
// kernel: kernel.4.cloned.1.call-start
scs
__scs_entry_jumppad:
0x0: {  	(pc) =	sbr.rel $0x88, $3  }
0x1: {  	(tag) =	ssettag $0x0;
	lr =	simm.s32 $0x1  }
0x2: {  	[smem:$0x3F9D] =	sst lr;
	_ =	strace $0xD0000000  }
0x3: {  	_ = 	snop  }
0x4: {  	_ = 	snop  }
0x5: {  	_ = 	snop  }
0x6: {  	_ = 	snop  }
0x7: {  	_ = 	snop  }
__scs_overlays_trampoline_lowered:
0x8: {  	[smem:$0x3FAC] =	sst s0  }
0x9: {  	[smem:$0x3FAD] =	sst s1  }
0xa: {  	[smem:$0x3FAE] =	sst s2  }
0xb: {  	[smem:$0x3FAF] =	sst s3  }
0xc: {  	[smem:$0x3FB0] =	sst s4  }
0xd: {  	[smem:$0x3FB1] =	sst s5  }
0xe: {  	[smem:$0x3FB2] =	sst s6  }
0xf: {  	[smem:$0x3FB3] =	sst s7  }
0x10: {  	[smem:$0x3FB4] =	sst s8  }
0x11: {  	[smem:$0x3FB5] =	sst s9;
	s0 =	simm.s32 @!p0 $0x0  }
0x12: {  	s1 =	sld [smem:$0x3F9B];
	s0 =	simm.s32 @p0 $0x1  }
0x13: {  	[smem:$0x3FB6] =	sst s0;
	s0 =	simm.s32 @!p1 $0x0  }
0x14: {  	s2 =	sld [smem:$0x3F9A];
	s0 =	simm.s32 @p1 $0x1  }
0x15: {  	[smem:$0x3FB7] =	sst s0;
	s0 =	simm.s32 @!p2 $0x0  }
0x16: {  	s3 =	sld [smem:$0x3FDB];
	s0 =	simm.s32 @p2 $0x1  }
0x17: {  	s4 =	simm.s32 $0x1BF5;
	[smem:$0x3FB9] =	sst s0  }
0x18: {  	s0 =	sld [smem:$0x3F9C];
	_ =	swait.ge [sflag:s4], $0x0  }
0x19: {  	s7 =	sld [smem:$0x3F9D]  }
0x1a: {  	s8 =	sadd.s32 $0xFFFFE003, lr  }
0x1b: {  	s9 =	sadd.s32 $0xFFFFFEF7, lr;
	s5 =	simm.s32 $0xFFFFFFFF;
	p2 =	slt.u32 s8, $0xFFFFF086  }
0x1c: {  	p1 =	slt.u32 s9, $0xF7A;
	s5 =	simm.s32 @!p2 $0x0  }
0x1d: {  	s5 =	simm.s32 @p1 $0x1;
	p0 =	seq.s32 s7, s2  }
0x1e: {  	s7 =	smul.u32 @!p0 $0xF7A, s2;
	p2 =	seq.s32 @!p0 s5, $0x0  }
0x1f: {  	s9 =	smul.u32 $0xF7A, s1;
	s8 =	simm.s32 @!p0 $0x1BF5;
	p2 =	por !p2, p0  }
0x20: {  	[sflag:s8] =	ssyncset.s32 @!p0 $0xFFFFF086;
	s6 =	sadd.s32 @!p0 s3, s7;
	s7 =	simm.s32 @!p0 $0x108  }
0x21: {  	s3 =	sadd.s32 s3, s9;
	s6 =	sadd.s32 @!p0 $0x88, s6;
	s7 =	simm.s32 @p2 $0x1082  }
0x22: {  	[simem:s7], [sflag:s8] =	dma.local @!p0 [hbm:s6], $0xF7A  }
0x23: {  	s9 =	sor.u32 $0xD0000000, s2;
	s6 =	simm.s32 $0x108;
	_ =	swait.ge @!p0 [sflag:s8], $0x0  }
0x24: {  	s3 =	sadd.s32 $0x88, s3;
	s6 =	simm.s32 @!p1 $0x1082;
	[sflag:s4] =	ssyncset.s32 $0xFFFFF086  }
0x25: {  	[simem:s6], [sflag:s4] =	dma.local [hbm:s3], $0xF7A  }
0x26: {  	[smem:$0x3F9D] =	sst s1;
	(tag) =	ssettag s2;
	_ =	strace s9  }
0x27: {  	s1 =	sld [smem:$0x3FAD]  }
0x28: {  	s2 =	sld [smem:$0x3FAE]  }
0x29: {  	s4 =	sld [smem:$0x3FB0]  }
0x2a: {  	p0 =	seq.s32 s5, $0x0;
	s5 =	sld [smem:$0x3FB1]  }
0x2b: {  	s6 =	sld [smem:$0x3FB2]  }
0x2c: {  	s7 =	sld [smem:$0x3FB3]  }
0x2d: {  	s3 =	simm.s32 $0x108;
	s8 =	sld [smem:$0x3FB4]  }
0x2e: {  	s3 =	simm.s32 @!p0 $0x1082;
	s9 =	sld [smem:$0x3FB5]  }
0x2f: {  	lr =	sadd.s32 s0, s3;
	s0 =	sld [smem:$0x3FAC]  }
0x30: {  	s3 =	sld [smem:$0x3FAF]  }
0x31: {  	[smem:$0x3FB8] =	sst s10  }
0x32: {  	s10 =	sld [smem:$0x3FB6];
	_ =	sdelay $0x3  }
0x33: {  	p0 =	seq.s32 s10, $0x1;
	s10 =	sld [smem:$0x3FB8];
	_ =	sdelay $0x3  }
0x34: {  	[smem:$0x3FB8] =	sst s10  }
0x35: {  	s10 =	sld [smem:$0x3FB7];
	_ =	sdelay $0x3  }
0x36: {  	p1 =	seq.s32 s10, $0x1;
	s10 =	sld [smem:$0x3FB8];
	_ =	sdelay $0x3  }
0x37: {  	[smem:$0x3FB8] =	sst s10  }
0x38: {  	s10 =	sld [smem:$0x3FB9]  }
0x39: {  	_ = 	snop;
	(pc) =	sbr.ind lr, $3  }
0x3a: {  	_ = 	snop  }
0x3b: {  	_ = 	snop  }
0x3c: {  	p2 =	seq.s32 s10, $0x1;
	s10 =	sld [smem:$0x3FB8]  }
0x3d: {  	_ =	shalt  }
0x3e: {  	_ =	shalt  }
0x3f: {  	_ =	shalt  }
0x40: {  	_ =	shalt  }
0x41: {  	_ =	shalt  }
0x42: {  	_ =	shalt  }
0x43: {  	_ =	shalt  }
0x44: {  	_ =	shalt  }
0x45: {  	_ =	shalt  }
0x46: {  	_ =	shalt  }
0x47: {  	_ =	shalt  }
0x48: {  	_ =	shalt  }
0x49: {  	_ =	shalt  }
0x4a: {  	_ =	shalt  }
0x4b: {  	_ =	shalt  }
0x4c: {  	_ =	shalt  }
0x4d: {  	_ =	shalt  }
0x4e: {  	_ =	shalt  }
0x4f: {  	_ =	shalt  }
0x50: {  	_ =	shalt  }
0x51: {  	_ =	shalt  }
0x52: {  	_ =	shalt  }
0x53: {  	_ =	shalt  }
0x54: {  	_ =	shalt  }
0x55: {  	_ =	shalt  }
0x56: {  	_ =	shalt  }
0x57: {  	_ =	shalt  }
0x58: {  	_ =	shalt  }
0x59: {  	_ =	shalt  }
0x5a: {  	_ =	shalt  }
0x5b: {  	_ =	shalt  }
0x5c: {  	_ =	shalt  }
0x5d: {  	_ =	shalt  }
0x5e: {  	_ =	shalt  }
0x5f: {  	_ =	shalt  }
0x60: {  	_ =	shalt  }
0x61: {  	_ =	shalt  }
0x62: {  	_ =	shalt  }
0x63: {  	_ =	shalt  }
0x64: {  	_ =	shalt  }
0x65: {  	_ =	shalt  }
0x66: {  	_ =	shalt  }
0x67: {  	_ =	shalt  }
0x68: {  	_ =	shalt  }
0x69: {  	_ =	shalt  }
0x6a: {  	_ =	shalt  }
0x6b: {  	_ =	shalt  }
0x6c: {  	_ =	shalt  }
0x6d: {  	_ =	shalt  }
0x6e: {  	_ =	shalt  }
0x6f: {  	_ =	shalt  }
0x70: {  	_ =	shalt  }
0x71: {  	_ =	shalt  }
0x72: {  	_ =	shalt  }
0x73: {  	_ =	shalt  }
0x74: {  	_ =	shalt  }
0x75: {  	_ =	shalt  }
0x76: {  	_ =	shalt  }
0x77: {  	_ =	shalt  }
0x78: {  	_ =	shalt  }
0x79: {  	_ =	shalt  }
0x7a: {  	_ =	shalt  }
0x7b: {  	_ =	shalt  }
0x7c: {  	_ =	shalt  }
0x7d: {  	_ =	shalt  }
0x7e: {  	_ =	shalt  }
0x7f: {  	_ =	shalt  }
0x80: {  	_ =	shalt  }
0x81: {  	_ =	shalt  }
0x82: {  	_ =	shalt  }
0x83: {  	_ =	shalt  }
0x84: {  	_ =	shalt  }
0x85: {  	_ =	shalt  }
0x86: {  	_ =	shalt  }
0x87: {  	_ =	shalt  }
.Lfunc_end0:
.L_simem_size_0:
called_computation_lowered:
.L_overlay_start_0:
0x88: {  	s2 =	sld [smem:$0x3FD9]  }
0x89: {  	s3 =	sld [smem:$0x3FFE];
	_ =	sdelay $0x1  }
0x8a: {  	s1 =	srdreg.scid  }
0x8b: {  	s0 =	sand.u32 $0x1, s1  }
0x8c: {  	s17 =	sshll.u32 s0, $0xA;
	s2 =	sadd.s32 s3, s2  }
0x8d: {  	s2 =	sadd.s32 s2, s17  }
0x8e: {  	[smem:$0x3FC4] =	sst s2  }
0x8f: {  	_ = 	snop  }
0x90: {  	s2 =	sld [smem:$0x3FC8]  }
0x91: {  	s18 =	sld [smem:$0x3FC7]  }
0x92: {  	s4 =	sld [smem:$0x3FC6];
	(tm) =	ssettm $0x1  }
0x93: {  	s5 =	sld [smem:$0x3FFB];
	_ =	sdelay $0x3  }
0x94: {  	_ =	strace s5  }
0x95: {  	s5 =	sld [smem:$0x3FFC];
	_ =	sdelay $0x3  }
0x96: {  	_ =	strace s5  }
0x97: {  	s5 =	sld [smem:$0x3FFD];
	_ =	sdelay $0x3  }
0x98: {  	_ =	strace s5  }
0x99: {  	_ =	strace $0x8FFFFFFF  }
0x9a: {  	s19 =	sld [smem:$0x3FDB];
	_ =	sdelay $0x1  }
0x9b: {  	s6 =	simm.s32 $_scs_section_size  }
0x9c: {  	s7 =	simm.s32 $_size__tile_overlayer_lowered;
	s8 =	simm.s32 $_tile_overlayer_lowered  }
0x9d: {  	s22 =	simm.s32 $0x1BFF;
	s21 =	sshll.u32 s8, $0x1;
	s5 =	sadd.s32 s6, s19  }
0x9e: {  	s9 =	simm.s32 $0x0;
	s20 =	sshll.u32 s7, $0x1;
	s7 =	sadd.s32 s21, s5  }
0x9f: {  	[timem:s9], [sflag:s22] =	dma.local [hbm:s7], s20  }
0xa0: {  	_ =	swait.ge [sflag:s22], s20  }
0xa1: {  	s6 =	ssub.s32 $0x0, s20;
	[sflag:s22] =	ssyncset.done $0x0  }
0xa2: {  	[sflag:s22] =	ssyncadd.s32 s6;
	_ =	sdelay $0x1  }
0xa3: {  	s23 =	simm.s32 $0x1B8B  }
0xa4: {  	_ =	swait.ge [sflag:s23], $0x1  }
0xa5: {  	[sflag:s23] =	ssyncset.done $0x0  }
0xa6: {  	s25 =	simm.s32 $0x1B8E;
	s24 =	sld [smem:$0x3FFE];
	[sflag:s23] =	ssyncadd.s32 $0xFFFFFFFF  }
0xa7: {  	s26 =	simm.s32 $execute0_lowered;
	[smem:$0x3FD2] =	sst s25  }
0xa8: {  	s7 =	sshll.u32 s26, $0x1;
	_ =	strace $0x80000046;
	[dreg:$0x1] =	wrdreg $0xFFFFFFFF  }
0xa9: {  	s28 =	simm.s32 $_size_execute0_lowered;
	s5 =	sadd.s32 s5, s7;
	[dreg:$0x0] =	wrdreg $0x0  }
0xaa: {  	s7 =	sshll.u32 s28, $0x1;
	[dreg:$0x2] =	wrdreg s5  }
0xab: {  	[dreg:$0x3] =	wrdreg s7  }
0xac: {  	[dreg:$0x4] =	wrdreg $0xC0  }
0xad: {  	_ =	task [dreg:s9], $0x5FFFF  }
0xae: {  	[dreg:$0x1] =	wrdreg $0xFFFFFFFF  }
0xaf: {  	[dreg:$0x0] =	wrdreg $0x60  }
0xb0: {  	[dreg:$0x2] =	wrdreg s18  }
0xb1: {  	[dreg:$0x3] =	wrdreg s4  }
0xb2: {  	[dreg:$0x4] =	wrdreg s2  }
0xb3: {  	[dreg:$0x5] =	wrdreg s24  }
0xb4: {  	[dreg:$0x6] =	wrdreg $0x9  }
0xb5: {  	_ =	task.clear_ibuf [dreg:s9], $0x7FFFF;
	_ =	strace $0x90000046  }
0xb6: {  	s29 =	simm.s32 $0x9;
	_ =	strace $0x80000048  }
0xb7: {  	_ =	swait.ge [sflag:s29], $0x1  }
0xb8: {  	[sflag:s29] =	ssyncadd.s32 $0xFFFFFFFF  }
0xb9: {  	_ =	strace $0x90000048  }
0xba: {  	_ =	sfence  }
0xbb: {  	s30 =	sld [smem:$0x0];
	_ =	sdelay $0x2  }
0xbc: {  	s31 =	sshll.u32 s1, $0xD;
	s1 =	sshrl.u32 s1, $0x2  }
0xbd: {  	s3 =	sand.u32 $0x4000, s31;
	s1 =	sadd.s32 s1, s30  }
0xbe: {  	s0 =	sor.u32 s3, s0;
	s1 =	sshll.u32 s1, $0x11  }
0xbf: {  	s0 =	sor.u32 s1, s0  }
0xc0: {  	s0 =	sadd.s32 $0x8F2B, s0  }
0xc1: {  	[sflag:s0] =	ssyncadd.remote.s32 $0x1  }
0xc2: {  	_ =	sfence.sel $0xFFFF  }
0xc3: {  	[dreg:$0x0] =	wrdreg $0xFFFFFFFF;
	(pc) =	sbr.abs _section_cstart, $3  }
0xc4: {  	[dreg:$0x1] =	wrdreg $0xFFFFFFFF  }
0xc5: {  	_ =	task.clear_ibuf [dreg:s9], $0x2FFFF;
	_ =	strace $0x9FFFFFFF  }
0xc6: {  	(tm) =	ssettm $0x7FFFFFFF  }
0xc7: {  	_ =	shalt  }
tec
execute0_lowered:
.L_overlay_start_1:
0x0: {  	(tag) =	ssettag $0x1  }
0x1: {  	s7 =	rddreg [dreg:$0x0]  }
0x2: {  	s1 =	rddreg [dreg:$0x1]  }
0x3: {  	s2 =	rddreg [dreg:$0x2]  }
0x4: {  	s5 =	rddreg [dreg:$0x3]  }
0x5: {  	s0 =	rddreg [dreg:$0x4];
	s4 =	simm.s32 $0x0  }
0x6: {  	s6 =	srdreg.scid;
	s3 =	stileid.u32;
	s19 =	simm.s32 $0x1  }
0x7: {  	s20 =	simm.s32 $0x13E00;
	s21 =	simm.s32 $0x2;
	s22 =	simm.s32 $0x3  }
0x8: {  	[smem:$0x7FF] =	sst s4;
	s6 =	sand.u32 $0x1, s6;
	s11 =	sadd.s32 $0x400, s5  }
0x9: {  	s8 =	sshll.u32 s3, $0x1;
	s24 =	sshrl.u32 s3, $0x2;
	s16 =	sshll.u32 s3, $0xB  }
0xa: {  	p0 =	sgt.u32 s3, $0x1;
	_ =	strace $0x80000047;
	s23 =	ssub.s32 $0x2, s6  }
0xb: {  	s18 =	sor.u32 s6, s8;
	s6 =	smul.u32 $0x27400, s24;
	s24 =	simm.s32 $0xEF80  }
0xc: {  	s9 =	sshrl.u32 s23, $0x1;
	s10 =	sshll.u32 s18, $0x7;
	s12 =	sor.u32 $0x20, s18  }
0xd: {  	s14 =	sor.u32 $0x40, s18;
	s29 =	sshll.u32 s18, $0x4;
	p1 =	sne.s32 s18, $0x4  }
0xe: {  	p2 =	sgt.u32 s18, $0x4;
	s18 =	simm.s32 $0x5;
	s25 =	sand.u32 $0x380, s10  }
0xf: {  	s13 =	sshrl.u32 s12, $0x3;
	s15 =	sshrl.u32 s14, $0x3;
	s17 =	ssub.s32 s23, s9  }
0x10: {  	s26 =	sor.u32 s16, s10;
	s30 =	sadd.s32 s29, s7;
	s12 =	sshll.u32 s12, $0xA  }
0x11: {  	s14 =	sshll.u32 s14, $0xA;
	s16 =	simm.s32 $0x5280;
	s13 =	smul.u32 $0x27400, s13  }
0x12: {  	s23 =	simm.s32 $0x4;
	s6 =	sor.u32 s6, s25;
	s15 =	smul.u32 $0x27400, s15  }
0x13: {  	s9 =	sand.u32 $0x6380, s26;
	s12 =	sor.u32 s10, s12;
	s10 =	sor.u32 s10, s14  }
0x14: {  	s14 =	simm.s32 $0x80;
	s6 =	sshrl.u32 s6, $0x3;
	s9 =	sshrl.u32 s9, $0x3  }
0x15: {  	s12 =	sand.u32 $0xE380, s12;
	s10 =	sand.u32 $0x16380, s10;
	s5 =	sadd.s32 s7, s6  }
0x16: {  	s28 =	sor.u32 s25, s13;
	s8 =	sor.u32 s25, s15;
	s9 =	sadd.s32 s11, s9  }
.Ltmp0:
0x17: {  	s12 =	sshrl.u32 s12, $0x3;
	s31 =	sshrl.u32 s10, $0x3;
	(pc) =	sbr.rel .LBB2_1-.Ltmp0, $4  }
0x18: {  	s13 =	sadd.s32 s29, s11;
	s15 =	simm.s32 $0x400;
	s6 =	sshrl.u32 s28, $0x3  }
0x19: {  	s8 =	sshrl.u32 s8, $0x3;
	s10 =	sadd.s32 s11, s12;
	s11 =	sadd.s32 s11, s31  }
0x1a: {  	s12 =	sadd.s32 $0x3000, s13;
	s13 =	smax.u32 s17, $0x1;
	s17 =	simm.s32 $0xA100  }
0x1b: {  	s6 =	sadd.s32 s7, s6;
	s7 =	sadd.s32 s7, s8;
	s8 =	sadd.s32 $0x3AE00, s30  }
.LBB2_3:
0x1c: {  	s13 =	sadd.s32 $0xFFFFFFFF, s13  }
0x1d: {  	p3 =	sne.s32 s13, $0x0  }
.Ltmp1:
0x1e: {  	_ = 	snop;
	(pc) =	sbr.rel @!p3 .LBB2_4-.Ltmp1, $1  }
0x1f: {  	_ =	sdelay $0x3  }
.LBB2_1:
0x20: {  	[tilespmem:s15], [sflag:$0x1] =	stream.strided.gather [hbm4b:s5+s14], $0x4E80, s15, s14, $0x38;
	[tilespmem:$0x14200] =	vst v63  }
0x21: {  	_ = 	snop  }
0x22: {  	[tilespmem:s16], [sflag:$0x2] =	stream.strided.gather [hbm4b:s6+s14], $0x4E80, s15, s14, $0x38;
	[tilespmem:$0x14200] =	vst v63  }
0x23: {  	_ = 	snop  }
0x24: {  	[tilespmem:s17], [sflag:$0x3] =	stream.strided.gather [hbm4b:s7+s14], $0x4E80, s15, s14, $0x38;
	[tilespmem:$0x14200] =	vst v63  }
0x25: {  	s25 =	simm.s32 @!p0 $0x80;
	s26 =	simm.s32 @!p0 $0x400;
	s28 =	simm.s32 @!p0 $0xEF80  }
0x26: {  	[tilespmem:s28], [sflag:$0x4] =	stream.strided.gather @!p0 [hbm4b:s8+s25], $0x4E80, s26, s25, $0x38;
	[tilespmem:$0x14200] =	vst v63  }
0x27: {  	s25 =	simm.s32 @!p1 $0x0;
	s26 =	simm.s32 @!p1 $0xEF80  }
0x28: {  	[tilespmem:s26], [sflag:$0x4] =	stream.linear.gather @!p1 [hbm4b:s1+s25], $0x4E80, $0x38;
	[tilespmem:$0x14200] =	vst v63  }
0x29: {  	_ = 	snop  }
0x2a: {  	[tilespmem:s4], [sflag:$0x5] =	stream.linear.gather [hbm4b:s2+s4], $0x400, $0x38;
	[tilespmem:$0x14200] =	vst v63  }
0x2b: {  	_ =	swait.ge [sflag:s18], $0x400  }
0x2c: {  	[sflag:s18] =	ssyncset.done $0x0  }
0x2d: {  	[sflag:s18] =	ssyncadd.s32 $0xFFFFFC00  }
0x2e: {  	_ =	swait.ge [sflag:s19], $0x4E80  }
0x2f: {  	[sflag:s19] =	ssyncset.done $0x0  }
0x30: {  	[sflag:s19] =	ssyncadd.s32 $0xFFFFB180  }
0x31: {  	v0 =	vld [tilespmem:$0x0];
	_ =	sdelay $0x5  }
0x32: {  	v1 =	vld [tilespmem:$0x10];
	_ =	sdelay $0x1  }
0x33: {  	v0 =	vld.idx.msk [tilespmem:v0+s15+$0x0], $0xffff;
	_ =	sdelay $0x3  }
0x34: {  	v2 =	vld [tilespmem:$0x20]  }
0x35: {  	[tilespmem:$0x13E00] =	vst v0  }
0x36: {  	v0 =	vld.idx.msk [tilespmem:v1+s15+$0x0], $0xffff;
	_ =	sdelay $0x3  }
0x37: {  	v56 =	vld [tilespmem:$0x30]  }
0x38: {  	[tilespmem:$0x13E10] =	vst v0  }
0x39: {  	v0 =	vld.idx.msk [tilespmem:v2+s15+$0x0], $0xffff;
	_ =	sdelay $0x3  }
0x3a: {  	v57 =	vld [tilespmem:$0x40]  }
0x3b: {  	[tilespmem:$0x13E20] =	vst v0  }
0x3c: {  	v0 =	vld.idx.msk [tilespmem:v56+s15+$0x0], $0xffff;
	_ =	sdelay $0x3  }
0x3d: {  	v58 =	vld [tilespmem:$0x50]  }
0x3e: {  	[tilespmem:$0x13E30] =	vst v0  }
0x3f: {  	v0 =	vld.idx.msk [tilespmem:v57+s15+$0x0], $0xffff;
	_ =	sdelay $0x3  }
0x40: {  	v59 =	vld [tilespmem:$0x60]  }
0x41: {  	[tilespmem:$0x13E40] =	vst v0  }
0x42: {  	v0 =	vld.idx.msk [tilespmem:v58+s15+$0x0], $0xffff;
	_ =	sdelay $0x3  }
0x43: {  	v60 =	vld [tilespmem:$0x70]  }
0x44: {  	[tilespmem:$0x13E50] =	vst v0  }
0x45: {  	v0 =	vld.idx.msk [tilespmem:v59+s15+$0x0], $0xffff;
	_ =	sdelay $0x3  }
0x46: {  	v61 =	vld [tilespmem:$0x80]  }
0x47: {  	[tilespmem:$0x13E60] =	vst v0  }
0x48: {  	v0 =	vld.idx.msk [tilespmem:v60+s15+$0x0], $0xffff;
	_ =	sdelay $0x3  }
0x49: {  	v62 =	vld [tilespmem:$0x90]  }
0x4a: {  	[tilespmem:$0x13E70] =	vst v0  }
0x4b: {  	v0 =	vld.idx.msk [tilespmem:v61+s15+$0x0], $0xffff;
	_ =	sdelay $0x3  }
0x4c: {  	v63 =	vld [tilespmem:$0xA0]  }
0x4d: {  	[tilespmem:$0x13E80] =	vst v0  }
0x4e: {  	v0 =	vld.idx.msk [tilespmem:v62+s15+$0x0], $0xffff;
	_ =	sdelay $0x3  }
0x4f: {  	v4 =	vld [tilespmem:$0xB0]  }
0x50: {  	[tilespmem:$0x13E90] =	vst v0  }
0x51: {  	v0 =	vld.idx.msk [tilespmem:v63+s15+$0x0], $0xffff;
	_ =	sdelay $0x3  }
0x52: {  	v5 =	vld [tilespmem:$0xC0]  }
0x53: {  	[tilespmem:$0x13EA0] =	vst v0  }
0x54: {  	v0 =	vld.idx.msk [tilespmem:v4+s15+$0x0], $0xffff;
	_ =	sdelay $0x3  }
0x55: {  	v6 =	vld [tilespmem:$0xD0]  }
0x56: {  	[tilespmem:$0x13EB0] =	vst v0  }
0x57: {  	v0 =	vld.idx.msk [tilespmem:v5+s15+$0x0], $0xffff;
	_ =	sdelay $0x3  }
0x58: {  	v7 =	vld [tilespmem:$0xE0]  }
0x59: {  	[tilespmem:$0x13EC0] =	vst v0  }
0x5a: {  	v0 =	vld.idx.msk [tilespmem:v6+s15+$0x0], $0xffff;
	_ =	sdelay $0x3  }
0x5b: {  	v8 =	vld [tilespmem:$0xF0]  }
0x5c: {  	[tilespmem:$0x13ED0] =	vst v0  }
0x5d: {  	v0 =	vld.idx.msk [tilespmem:v7+s15+$0x0], $0xffff;
	_ =	sdelay $0x3  }
0x5e: {  	v9 =	vld [tilespmem:$0x100]  }
0x5f: {  	[tilespmem:$0x13EE0] =	vst v0  }
0x60: {  	v0 =	vld.idx.msk [tilespmem:v8+s15+$0x0], $0xffff;
	_ =	sdelay $0x3  }
0x61: {  	v10 =	vld [tilespmem:$0x110]  }
0x62: {  	[tilespmem:$0x13EF0] =	vst v0  }
0x63: {  	v0 =	vld.idx.msk [tilespmem:v9+s15+$0x0], $0xffff;
	_ =	sdelay $0x3  }
0x64: {  	v11 =	vld [tilespmem:$0x120]  }
0x65: {  	[tilespmem:$0x13F00] =	vst v0  }
0x66: {  	v0 =	vld.idx.msk [tilespmem:v10+s15+$0x0], $0xffff;
	_ =	sdelay $0x3  }
0x67: {  	v12 =	vld [tilespmem:$0x130]  }
0x68: {  	[tilespmem:$0x13F10] =	vst v0  }
0x69: {  	v0 =	vld.idx.msk [tilespmem:v11+s15+$0x0], $0xffff;
	_ =	sdelay $0x3  }
0x6a: {  	v13 =	vld [tilespmem:$0x140]  }
0x6b: {  	[tilespmem:$0x13F20] =	vst v0  }
0x6c: {  	v0 =	vld.idx.msk [tilespmem:v12+s15+$0x0], $0xffff;
	_ =	sdelay $0x3  }
0x6d: {  	v14 =	vld [tilespmem:$0x150]  }
0x6e: {  	[tilespmem:$0x13F30] =	vst v0  }
0x6f: {  	v0 =	vld.idx.msk [tilespmem:v13+s15+$0x0], $0xffff;
	_ =	sdelay $0x3  }
0x70: {  	v15 =	vld [tilespmem:$0x160]  }
0x71: {  	[tilespmem:$0x13F40] =	vst v0  }
0x72: {  	v0 =	vld.idx.msk [tilespmem:v14+s15+$0x0], $0xffff;
	_ =	sdelay $0x3  }
0x73: {  	v16 =	vld [tilespmem:$0x170]  }
0x74: {  	[tilespmem:$0x13F50] =	vst v0  }
0x75: {  	v0 =	vld.idx.msk [tilespmem:v15+s15+$0x0], $0xffff;
	_ =	sdelay $0x3  }
0x76: {  	v17 =	vld [tilespmem:$0x180]  }
0x77: {  	[tilespmem:$0x13F60] =	vst v0  }
0x78: {  	v0 =	vld.idx.msk [tilespmem:v16+s15+$0x0], $0xffff;
	_ =	sdelay $0x3  }
0x79: {  	v18 =	vld [tilespmem:$0x190]  }
0x7a: {  	[tilespmem:$0x13F70] =	vst v0  }
0x7b: {  	v0 =	vld.idx.msk [tilespmem:v17+s15+$0x0], $0xffff;
	_ =	sdelay $0x3  }
0x7c: {  	v19 =	vld [tilespmem:$0x1A0]  }
0x7d: {  	[tilespmem:$0x13F80] =	vst v0  }
0x7e: {  	v0 =	vld.idx.msk [tilespmem:v18+s15+$0x0], $0xffff;
	_ =	sdelay $0x3  }
0x7f: {  	v20 =	vld [tilespmem:$0x1B0]  }
0x80: {  	[tilespmem:$0x13F90] =	vst v0  }
0x81: {  	v0 =	vld.idx.msk [tilespmem:v19+s15+$0x0], $0xffff;
	_ =	sdelay $0x3  }
0x82: {  	v21 =	vld [tilespmem:$0x1C0]  }
0x83: {  	[tilespmem:$0x13FA0] =	vst v0  }
0x84: {  	v0 =	vld.idx.msk [tilespmem:v20+s15+$0x0], $0xffff;
	_ =	sdelay $0x3  }
0x85: {  	v22 =	vld [tilespmem:$0x1D0]  }
0x86: {  	[tilespmem:$0x13FB0] =	vst v0  }
0x87: {  	v0 =	vld.idx.msk [tilespmem:v21+s15+$0x0], $0xffff;
	_ =	sdelay $0x4  }
0x88: {  	[tilespmem:$0x13FC0] =	vst v0  }
0x89: {  	v0 =	vld.idx.msk [tilespmem:v22+s15+$0x0], $0xffff;
	_ =	sdelay $0x4  }
0x8a: {  	[tilespmem:$0x13FD0] =	vst v0  }
0x8b: {  	v0 =	vld [tilespmem:$0x1E0];
	_ =	sdelay $0x5  }
0x8c: {  	v23 =	vld [tilespmem:$0x1F0];
	_ =	sdelay $0x1  }
0x8d: {  	v0 =	vld.idx.msk [tilespmem:v0+s15+$0x0], $0xffff;
	_ =	sdelay $0x3  }
0x8e: {  	v24 =	vld [tilespmem:$0x200]  }
0x8f: {  	[tilespmem:$0x13FE0] =	vst v0  }
0x90: {  	v0 =	vld.idx.msk [tilespmem:v23+s15+$0x0], $0xffff;
	_ =	sdelay $0x3  }
0x91: {  	v25 =	vld [tilespmem:$0x210]  }
0x92: {  	[tilespmem:$0x13FF0] =	vst v0  }
0x93: {  	v0 =	vld.idx.msk [tilespmem:v24+s15+$0x0], $0xffff;
	_ =	sdelay $0x3  }
0x94: {  	v26 =	vld [tilespmem:$0x220]  }
0x95: {  	[tilespmem:$0x14000] =	vst v0  }
0x96: {  	v0 =	vld.idx.msk [tilespmem:v25+s15+$0x0], $0xffff;
	_ =	sdelay $0x3  }
0x97: {  	v27 =	vld [tilespmem:$0x230]  }
0x98: {  	[tilespmem:$0x14010] =	vst v0  }
0x99: {  	v0 =	vld.idx.msk [tilespmem:v26+s15+$0x0], $0xffff;
	_ =	sdelay $0x3  }
0x9a: {  	v28 =	vld [tilespmem:$0x240]  }
0x9b: {  	[tilespmem:$0x14020] =	vst v0  }
0x9c: {  	v0 =	vld.idx.msk [tilespmem:v27+s15+$0x0], $0xffff;
	_ =	sdelay $0x3  }
0x9d: {  	v29 =	vld [tilespmem:$0x250]  }
0x9e: {  	[tilespmem:$0x14030] =	vst v0  }
0x9f: {  	v0 =	vld.idx.msk [tilespmem:v28+s15+$0x0], $0xffff;
	_ =	sdelay $0x3  }
0xa0: {  	v30 =	vld [tilespmem:$0x260]  }
0xa1: {  	[tilespmem:$0x14040] =	vst v0  }
0xa2: {  	v0 =	vld.idx.msk [tilespmem:v29+s15+$0x0], $0xffff;
	_ =	sdelay $0x3  }
0xa3: {  	v31 =	vld [tilespmem:$0x270]  }
0xa4: {  	[tilespmem:$0x14050] =	vst v0  }
0xa5: {  	v0 =	vld.idx.msk [tilespmem:v30+s15+$0x0], $0xffff;
	_ =	sdelay $0x3  }
0xa6: {  	v32 =	vld [tilespmem:$0x280]  }
0xa7: {  	[tilespmem:$0x14060] =	vst v0  }
0xa8: {  	v0 =	vld.idx.msk [tilespmem:v31+s15+$0x0], $0xffff;
	_ =	sdelay $0x3  }
0xa9: {  	v33 =	vld [tilespmem:$0x290]  }
0xaa: {  	[tilespmem:$0x14070] =	vst v0  }
0xab: {  	v0 =	vld.idx.msk [tilespmem:v32+s15+$0x0], $0xffff;
	_ =	sdelay $0x3  }
0xac: {  	v34 =	vld [tilespmem:$0x2A0]  }
0xad: {  	[tilespmem:$0x14080] =	vst v0  }
0xae: {  	v0 =	vld.idx.msk [tilespmem:v33+s15+$0x0], $0xffff;
	_ =	sdelay $0x3  }
0xaf: {  	v35 =	vld [tilespmem:$0x2B0]  }
0xb0: {  	[tilespmem:$0x14090] =	vst v0  }
0xb1: {  	v0 =	vld.idx.msk [tilespmem:v34+s15+$0x0], $0xffff;
	_ =	sdelay $0x3  }
0xb2: {  	v36 =	vld [tilespmem:$0x2C0]  }
0xb3: {  	[tilespmem:$0x140A0] =	vst v0  }
0xb4: {  	v0 =	vld.idx.msk [tilespmem:v35+s15+$0x0], $0xffff;
	_ =	sdelay $0x3  }
0xb5: {  	v37 =	vld [tilespmem:$0x2D0]  }
0xb6: {  	[tilespmem:$0x140B0] =	vst v0  }
0xb7: {  	v0 =	vld.idx.msk [tilespmem:v36+s15+$0x0], $0xffff;
	_ =	sdelay $0x3  }
0xb8: {  	v38 =	vld [tilespmem:$0x2E0]  }
0xb9: {  	[tilespmem:$0x140C0] =	vst v0  }
0xba: {  	v0 =	vld.idx.msk [tilespmem:v37+s15+$0x0], $0xffff;
	_ =	sdelay $0x3  }
0xbb: {  	v39 =	vld [tilespmem:$0x2F0]  }
0xbc: {  	[tilespmem:$0x140D0] =	vst v0  }
0xbd: {  	v0 =	vld.idx.msk [tilespmem:v38+s15+$0x0], $0xffff;
	_ =	sdelay $0x3  }
0xbe: {  	v40 =	vld [tilespmem:$0x300]  }
0xbf: {  	[tilespmem:$0x140E0] =	vst v0  }
0xc0: {  	v0 =	vld.idx.msk [tilespmem:v39+s15+$0x0], $0xffff;
	_ =	sdelay $0x3  }
0xc1: {  	v41 =	vld [tilespmem:$0x310]  }
0xc2: {  	[tilespmem:$0x140F0] =	vst v0  }
0xc3: {  	v0 =	vld.idx.msk [tilespmem:v40+s15+$0x0], $0xffff;
	_ =	sdelay $0x3  }
0xc4: {  	v42 =	vld [tilespmem:$0x320]  }
0xc5: {  	[tilespmem:$0x14100] =	vst v0  }
0xc6: {  	v0 =	vld.idx.msk [tilespmem:v41+s15+$0x0], $0xffff;
	_ =	sdelay $0x3  }
0xc7: {  	v43 =	vld [tilespmem:$0x330]  }
0xc8: {  	[tilespmem:$0x14110] =	vst v0  }
0xc9: {  	v0 =	vld.idx.msk [tilespmem:v42+s15+$0x0], $0xffff;
	_ =	sdelay $0x3  }
0xca: {  	v44 =	vld [tilespmem:$0x340]  }
0xcb: {  	[tilespmem:$0x14120] =	vst v0  }
0xcc: {  	v0 =	vld.idx.msk [tilespmem:v43+s15+$0x0], $0xffff;
	_ =	sdelay $0x3  }
0xcd: {  	v45 =	vld [tilespmem:$0x350]  }
0xce: {  	[tilespmem:$0x14130] =	vst v0  }
0xcf: {  	v0 =	vld.idx.msk [tilespmem:v44+s15+$0x0], $0xffff;
	_ =	sdelay $0x3  }
0xd0: {  	v46 =	vld [tilespmem:$0x360]  }
0xd1: {  	[tilespmem:$0x14140] =	vst v0  }
0xd2: {  	v0 =	vld.idx.msk [tilespmem:v45+s15+$0x0], $0xffff;
	_ =	sdelay $0x3  }
0xd3: {  	v47 =	vld [tilespmem:$0x370]  }
0xd4: {  	[tilespmem:$0x14150] =	vst v0  }
0xd5: {  	v0 =	vld.idx.msk [tilespmem:v46+s15+$0x0], $0xffff;
	_ =	sdelay $0x3  }
0xd6: {  	v48 =	vld [tilespmem:$0x380]  }
0xd7: {  	[tilespmem:$0x14160] =	vst v0  }
0xd8: {  	v0 =	vld.idx.msk [tilespmem:v47+s15+$0x0], $0xffff;
	_ =	sdelay $0x3  }
0xd9: {  	v49 =	vld [tilespmem:$0x390]  }
0xda: {  	[tilespmem:$0x14170] =	vst v0  }
0xdb: {  	v0 =	vld.idx.msk [tilespmem:v48+s15+$0x0], $0xffff;
	_ =	sdelay $0x3  }
0xdc: {  	v50 =	vld [tilespmem:$0x3A0]  }
0xdd: {  	[tilespmem:$0x14180] =	vst v0  }
0xde: {  	v0 =	vld.idx.msk [tilespmem:v49+s15+$0x0], $0xffff;
	_ =	sdelay $0x3  }
0xdf: {  	v51 =	vld [tilespmem:$0x3B0]  }
0xe0: {  	[tilespmem:$0x14190] =	vst v0  }
0xe1: {  	v0 =	vld.idx.msk [tilespmem:v50+s15+$0x0], $0xffff;
	_ =	sdelay $0x3  }
0xe2: {  	v52 =	vld [tilespmem:$0x3C0]  }
0xe3: {  	[tilespmem:$0x141A0] =	vst v0  }
0xe4: {  	v0 =	vld.idx.msk [tilespmem:v51+s15+$0x0], $0xffff;
	_ =	sdelay $0x3  }
0xe5: {  	v53 =	vld [tilespmem:$0x3D0]  }
0xe6: {  	[tilespmem:$0x141B0] =	vst v0  }
0xe7: {  	v0 =	vld.idx.msk [tilespmem:v52+s15+$0x0], $0xffff;
	_ =	sdelay $0x3  }
0xe8: {  	v54 =	vld [tilespmem:$0x3E0]  }
0xe9: {  	[tilespmem:$0x141C0] =	vst v0  }
0xea: {  	v0 =	vld.idx.msk [tilespmem:v53+s15+$0x0], $0xffff;
	_ =	sdelay $0x3  }
0xeb: {  	v55 =	vld [tilespmem:$0x3F0]  }
0xec: {  	[tilespmem:$0x141D0] =	vst v0  }
0xed: {  	v0 =	vld.idx.msk [tilespmem:v54+s15+$0x0], $0xffff;
	_ =	sdelay $0x4  }
0xee: {  	[tilespmem:$0x141E0] =	vst v0  }
0xef: {  	v0 =	vld.idx.msk [tilespmem:v55+s15+$0x0], $0xffff;
	_ =	sdelay $0x4  }
0xf0: {  	[tilespmem:$0x141F0] =	vst v0  }
0xf1: {  	[hbm4b:s9+s14] =	stream.strided.scatter [tilespmem:s20], [sflag:$0x5], $0x400, s15, s14, $0x38;
	[tilespmem:$0x14200] =	vst v63  }
0xf2: {  	_ =	swait.ge [sflag:s18], $0x400  }
0xf3: {  	[sflag:s18] =	ssyncset.done $0x0  }
0xf4: {  	[sflag:s18] =	ssyncadd.s32 $0xFFFFFC00  }
0xf5: {  	_ =	swait.ge [sflag:s21], $0x4E80  }
0xf6: {  	[sflag:s21] =	ssyncset.done $0x0  }
0xf7: {  	[sflag:s21] =	ssyncadd.s32 $0xFFFFB180  }
0xf8: {  	v56 =	vld [tilespmem:$0x0];
	_ =	sdelay $0x5  }
0xf9: {  	v57 =	vld [tilespmem:$0x10];
	_ =	sdelay $0x1  }
0xfa: {  	v0 =	vld.idx.msk [tilespmem:v56+s16+$0x0], $0xffff;
	_ =	sdelay $0x3  }
0xfb: {  	v58 =	vld [tilespmem:$0x20]  }
0xfc: {  	[tilespmem:$0x13E00] =	vst v0  }
0xfd: {  	v0 =	vld.idx.msk [tilespmem:v57+s16+$0x0], $0xffff;
	_ =	sdelay $0x3  }
0xfe: {  	v59 =	vld [tilespmem:$0x30]  }
0xff: {  	[tilespmem:$0x13E10] =	vst v0  }
0x100: {  	v0 =	vld.idx.msk [tilespmem:v58+s16+$0x0], $0xffff;
	_ =	sdelay $0x3  }
0x101: {  	v60 =	vld [tilespmem:$0x40]  }
0x102: {  	[tilespmem:$0x13E20] =	vst v0  }
0x103: {  	v0 =	vld.idx.msk [tilespmem:v59+s16+$0x0], $0xffff;
	_ =	sdelay $0x3  }
0x104: {  	v61 =	vld [tilespmem:$0x50]  }
0x105: {  	[tilespmem:$0x13E30] =	vst v0  }
0x106: {  	v0 =	vld.idx.msk [tilespmem:v60+s16+$0x0], $0xffff;
	_ =	sdelay $0x3  }
0x107: {  	v62 =	vld [tilespmem:$0x60]  }
0x108: {  	[tilespmem:$0x13E40] =	vst v0  }
0x109: {  	v0 =	vld.idx.msk [tilespmem:v61+s16+$0x0], $0xffff;
	_ =	sdelay $0x3  }
0x10a: {  	v63 =	vld [tilespmem:$0x70]  }
0x10b: {  	[tilespmem:$0x13E50] =	vst v0  }
0x10c: {  	v0 =	vld.idx.msk [tilespmem:v62+s16+$0x0], $0xffff;
	_ =	sdelay $0x3  }
0x10d: {  	v4 =	vld [tilespmem:$0x80]  }
0x10e: {  	[tilespmem:$0x13E60] =	vst v0  }
0x10f: {  	v0 =	vld.idx.msk [tilespmem:v63+s16+$0x0], $0xffff;
	_ =	sdelay $0x3  }
0x110: {  	v5 =	vld [tilespmem:$0x90]  }
0x111: {  	[tilespmem:$0x13E70] =	vst v0  }
0x112: {  	v0 =	vld.idx.msk [tilespmem:v4+s16+$0x0], $0xffff;
	_ =	sdelay $0x3  }
0x113: {  	v6 =	vld [tilespmem:$0xA0]  }
0x114: {  	[tilespmem:$0x13E80] =	vst v0  }
0x115: {  	v0 =	vld.idx.msk [tilespmem:v5+s16+$0x0], $0xffff;
	_ =	sdelay $0x3  }
0x116: {  	v7 =	vld [tilespmem:$0xB0]  }
0x117: {  	[tilespmem:$0x13E90] =	vst v0  }
0x118: {  	v0 =	vld.idx.msk [tilespmem:v6+s16+$0x0], $0xffff;
	_ =	sdelay $0x3  }
0x119: {  	v8 =	vld [tilespmem:$0xC0]  }
0x11a: {  	[tilespmem:$0x13EA0] =	vst v0  }
0x11b: {  	v0 =	vld.idx.msk [tilespmem:v7+s16+$0x0], $0xffff;
	_ =	sdelay $0x3  }
0x11c: {  	v9 =	vld [tilespmem:$0xD0]  }
0x11d: {  	[tilespmem:$0x13EB0] =	vst v0  }
0x11e: {  	v0 =	vld.idx.msk [tilespmem:v8+s16+$0x0], $0xffff;
	_ =	sdelay $0x3  }
0x11f: {  	v10 =	vld [tilespmem:$0xE0]  }
0x120: {  	[tilespmem:$0x13EC0] =	vst v0  }
0x121: {  	v0 =	vld.idx.msk [tilespmem:v9+s16+$0x0], $0xffff;
	_ =	sdelay $0x3  }
0x122: {  	v11 =	vld [tilespmem:$0xF0]  }
0x123: {  	[tilespmem:$0x13ED0] =	vst v0  }
0x124: {  	v0 =	vld.idx.msk [tilespmem:v10+s16+$0x0], $0xffff;
	_ =	sdelay $0x3  }
0x125: {  	v12 =	vld [tilespmem:$0x100]  }
0x126: {  	[tilespmem:$0x13EE0] =	vst v0  }
0x127: {  	v0 =	vld.idx.msk [tilespmem:v11+s16+$0x0], $0xffff;
	_ =	sdelay $0x3  }
0x128: {  	v13 =	vld [tilespmem:$0x110]  }
0x129: {  	[tilespmem:$0x13EF0] =	vst v0  }
0x12a: {  	v0 =	vld.idx.msk [tilespmem:v12+s16+$0x0], $0xffff;
	_ =	sdelay $0x3  }
0x12b: {  	v14 =	vld [tilespmem:$0x120]  }
0x12c: {  	[tilespmem:$0x13F00] =	vst v0  }
0x12d: {  	v0 =	vld.idx.msk [tilespmem:v13+s16+$0x0], $0xffff;
	_ =	sdelay $0x3  }
0x12e: {  	v15 =	vld [tilespmem:$0x130]  }
0x12f: {  	[tilespmem:$0x13F10] =	vst v0  }
0x130: {  	v0 =	vld.idx.msk [tilespmem:v14+s16+$0x0], $0xffff;
	_ =	sdelay $0x3  }
0x131: {  	v16 =	vld [tilespmem:$0x140]  }
0x132: {  	[tilespmem:$0x13F20] =	vst v0  }
0x133: {  	v0 =	vld.idx.msk [tilespmem:v15+s16+$0x0], $0xffff;
	_ =	sdelay $0x3  }
0x134: {  	v17 =	vld [tilespmem:$0x150]  }
0x135: {  	[tilespmem:$0x13F30] =	vst v0  }
0x136: {  	v0 =	vld.idx.msk [tilespmem:v16+s16+$0x0], $0xffff;
	_ =	sdelay $0x3  }
0x137: {  	v18 =	vld [tilespmem:$0x160]  }
0x138: {  	[tilespmem:$0x13F40] =	vst v0  }
0x139: {  	v0 =	vld.idx.msk [tilespmem:v17+s16+$0x0], $0xffff;
	_ =	sdelay $0x3  }
0x13a: {  	v19 =	vld [tilespmem:$0x170]  }
0x13b: {  	[tilespmem:$0x13F50] =	vst v0  }
0x13c: {  	v0 =	vld.idx.msk [tilespmem:v18+s16+$0x0], $0xffff;
	_ =	sdelay $0x3  }
0x13d: {  	v20 =	vld [tilespmem:$0x180]  }
0x13e: {  	[tilespmem:$0x13F60] =	vst v0  }
0x13f: {  	v0 =	vld.idx.msk [tilespmem:v19+s16+$0x0], $0xffff;
	_ =	sdelay $0x3  }
0x140: {  	v21 =	vld [tilespmem:$0x190]  }
0x141: {  	[tilespmem:$0x13F70] =	vst v0  }
0x142: {  	v0 =	vld.idx.msk [tilespmem:v20+s16+$0x0], $0xffff;
	_ =	sdelay $0x3  }
0x143: {  	v22 =	vld [tilespmem:$0x1A0]  }
0x144: {  	[tilespmem:$0x13F80] =	vst v0  }
0x145: {  	v0 =	vld.idx.msk [tilespmem:v21+s16+$0x0], $0xffff;
	_ =	sdelay $0x3  }
0x146: {  	v23 =	vld [tilespmem:$0x1B0]  }
0x147: {  	[tilespmem:$0x13F90] =	vst v0  }
0x148: {  	v0 =	vld.idx.msk [tilespmem:v22+s16+$0x0], $0xffff;
	_ =	sdelay $0x3  }
0x149: {  	v24 =	vld [tilespmem:$0x1C0]  }
0x14a: {  	[tilespmem:$0x13FA0] =	vst v0  }
0x14b: {  	v0 =	vld.idx.msk [tilespmem:v23+s16+$0x0], $0xffff;
	_ =	sdelay $0x3  }
0x14c: {  	v25 =	vld [tilespmem:$0x1D0]  }
0x14d: {  	[tilespmem:$0x13FB0] =	vst v0  }
0x14e: {  	v0 =	vld.idx.msk [tilespmem:v24+s16+$0x0], $0xffff;
	_ =	sdelay $0x3  }
0x14f: {  	v26 =	vld [tilespmem:$0x1E0]  }
0x150: {  	[tilespmem:$0x13FC0] =	vst v0  }
0x151: {  	v0 =	vld.idx.msk [tilespmem:v25+s16+$0x0], $0xffff;
	_ =	sdelay $0x3  }
0x152: {  	v27 =	vld [tilespmem:$0x1F0]  }
0x153: {  	[tilespmem:$0x13FD0] =	vst v0  }
0x154: {  	v0 =	vld.idx.msk [tilespmem:v26+s16+$0x0], $0xffff;
	_ =	sdelay $0x3  }
0x155: {  	v28 =	vld [tilespmem:$0x200]  }
0x156: {  	[tilespmem:$0x13FE0] =	vst v0  }
0x157: {  	v0 =	vld.idx.msk [tilespmem:v27+s16+$0x0], $0xffff;
	_ =	sdelay $0x3  }
0x158: {  	v29 =	vld [tilespmem:$0x210]  }
0x159: {  	[tilespmem:$0x13FF0] =	vst v0  }
0x15a: {  	v0 =	vld.idx.msk [tilespmem:v28+s16+$0x0], $0xffff;
	_ =	sdelay $0x3  }
0x15b: {  	v30 =	vld [tilespmem:$0x220]  }
0x15c: {  	[tilespmem:$0x14000] =	vst v0  }
0x15d: {  	v0 =	vld.idx.msk [tilespmem:v29+s16+$0x0], $0xffff;
	_ =	sdelay $0x3  }
0x15e: {  	v31 =	vld [tilespmem:$0x230]  }
0x15f: {  	[tilespmem:$0x14010] =	vst v0  }
0x160: {  	v0 =	vld.idx.msk [tilespmem:v30+s16+$0x0], $0xffff;
	_ =	sdelay $0x3  }
0x161: {  	v32 =	vld [tilespmem:$0x240]  }
0x162: {  	[tilespmem:$0x14020] =	vst v0  }
0x163: {  	v0 =	vld.idx.msk [tilespmem:v31+s16+$0x0], $0xffff;
	_ =	sdelay $0x3  }
0x164: {  	v33 =	vld [tilespmem:$0x250]  }
0x165: {  	[tilespmem:$0x14030] =	vst v0  }
0x166: {  	v0 =	vld.idx.msk [tilespmem:v32+s16+$0x0], $0xffff;
	_ =	sdelay $0x3  }
0x167: {  	v34 =	vld [tilespmem:$0x260]  }
0x168: {  	[tilespmem:$0x14040] =	vst v0  }
0x169: {  	v0 =	vld.idx.msk [tilespmem:v33+s16+$0x0], $0xffff;
	_ =	sdelay $0x3  }
0x16a: {  	v35 =	vld [tilespmem:$0x270]  }
0x16b: {  	[tilespmem:$0x14050] =	vst v0  }
0x16c: {  	v0 =	vld.idx.msk [tilespmem:v34+s16+$0x0], $0xffff;
	_ =	sdelay $0x3  }
0x16d: {  	v36 =	vld [tilespmem:$0x280]  }
0x16e: {  	[tilespmem:$0x14060] =	vst v0  }
0x16f: {  	v0 =	vld.idx.msk [tilespmem:v35+s16+$0x0], $0xffff;
	_ =	sdelay $0x3  }
0x170: {  	v37 =	vld [tilespmem:$0x290]  }
0x171: {  	[tilespmem:$0x14070] =	vst v0  }
0x172: {  	v0 =	vld.idx.msk [tilespmem:v36+s16+$0x0], $0xffff;
	_ =	sdelay $0x3  }
0x173: {  	v38 =	vld [tilespmem:$0x2A0]  }
0x174: {  	[tilespmem:$0x14080] =	vst v0  }
0x175: {  	v0 =	vld.idx.msk [tilespmem:v37+s16+$0x0], $0xffff;
	_ =	sdelay $0x3  }
0x176: {  	v39 =	vld [tilespmem:$0x2B0]  }
0x177: {  	[tilespmem:$0x14090] =	vst v0  }
0x178: {  	v0 =	vld.idx.msk [tilespmem:v38+s16+$0x0], $0xffff;
	_ =	sdelay $0x3  }
0x179: {  	v40 =	vld [tilespmem:$0x2C0]  }
0x17a: {  	[tilespmem:$0x140A0] =	vst v0  }
0x17b: {  	v0 =	vld.idx.msk [tilespmem:v39+s16+$0x0], $0xffff;
	_ =	sdelay $0x3  }
0x17c: {  	v41 =	vld [tilespmem:$0x2D0]  }
0x17d: {  	[tilespmem:$0x140B0] =	vst v0  }
0x17e: {  	v0 =	vld.idx.msk [tilespmem:v40+s16+$0x0], $0xffff;
	_ =	sdelay $0x3  }
0x17f: {  	v42 =	vld [tilespmem:$0x2E0]  }
0x180: {  	[tilespmem:$0x140C0] =	vst v0  }
0x181: {  	v0 =	vld.idx.msk [tilespmem:v41+s16+$0x0], $0xffff;
	_ =	sdelay $0x3  }
0x182: {  	v43 =	vld [tilespmem:$0x2F0]  }
0x183: {  	[tilespmem:$0x140D0] =	vst v0  }
0x184: {  	v0 =	vld.idx.msk [tilespmem:v42+s16+$0x0], $0xffff;
	_ =	sdelay $0x3  }
0x185: {  	v44 =	vld [tilespmem:$0x300]  }
0x186: {  	[tilespmem:$0x140E0] =	vst v0  }
0x187: {  	v0 =	vld.idx.msk [tilespmem:v43+s16+$0x0], $0xffff;
	_ =	sdelay $0x3  }
0x188: {  	v45 =	vld [tilespmem:$0x310]  }
0x189: {  	[tilespmem:$0x140F0] =	vst v0  }
0x18a: {  	v0 =	vld.idx.msk [tilespmem:v44+s16+$0x0], $0xffff;
	_ =	sdelay $0x3  }
0x18b: {  	v46 =	vld [tilespmem:$0x320]  }
0x18c: {  	[tilespmem:$0x14100] =	vst v0  }
0x18d: {  	v0 =	vld.idx.msk [tilespmem:v45+s16+$0x0], $0xffff;
	_ =	sdelay $0x3  }
0x18e: {  	v47 =	vld [tilespmem:$0x330]  }
0x18f: {  	[tilespmem:$0x14110] =	vst v0  }
0x190: {  	v0 =	vld.idx.msk [tilespmem:v46+s16+$0x0], $0xffff;
	_ =	sdelay $0x3  }
0x191: {  	v48 =	vld [tilespmem:$0x340]  }
0x192: {  	[tilespmem:$0x14120] =	vst v0  }
0x193: {  	v0 =	vld.idx.msk [tilespmem:v47+s16+$0x0], $0xffff;
	_ =	sdelay $0x3  }
0x194: {  	v49 =	vld [tilespmem:$0x350]  }
0x195: {  	[tilespmem:$0x14130] =	vst v0  }
0x196: {  	v0 =	vld.idx.msk [tilespmem:v48+s16+$0x0], $0xffff;
	_ =	sdelay $0x3  }
0x197: {  	v50 =	vld [tilespmem:$0x360]  }
0x198: {  	[tilespmem:$0x14140] =	vst v0  }
0x199: {  	v0 =	vld.idx.msk [tilespmem:v49+s16+$0x0], $0xffff;
	_ =	sdelay $0x3  }
0x19a: {  	v51 =	vld [tilespmem:$0x370]  }
0x19b: {  	[tilespmem:$0x14150] =	vst v0  }
0x19c: {  	v0 =	vld.idx.msk [tilespmem:v50+s16+$0x0], $0xffff;
	_ =	sdelay $0x3  }
0x19d: {  	v52 =	vld [tilespmem:$0x380]  }
0x19e: {  	[tilespmem:$0x14160] =	vst v0  }
0x19f: {  	v0 =	vld.idx.msk [tilespmem:v51+s16+$0x0], $0xffff;
	_ =	sdelay $0x3  }
0x1a0: {  	v53 =	vld [tilespmem:$0x390]  }
0x1a1: {  	[tilespmem:$0x14170] =	vst v0  }
0x1a2: {  	v0 =	vld.idx.msk [tilespmem:v52+s16+$0x0], $0xffff;
	_ =	sdelay $0x3  }
0x1a3: {  	v54 =	vld [tilespmem:$0x3A0]  }
0x1a4: {  	[tilespmem:$0x14180] =	vst v0  }
0x1a5: {  	v0 =	vld.idx.msk [tilespmem:v53+s16+$0x0], $0xffff;
	_ =	sdelay $0x3  }
0x1a6: {  	v55 =	vld [tilespmem:$0x3B0]  }
0x1a7: {  	[tilespmem:$0x14190] =	vst v0  }
0x1a8: {  	v0 =	vld.idx.msk [tilespmem:v54+s16+$0x0], $0xffff;
	_ =	sdelay $0x3  }
0x1a9: {  	v56 =	vld [tilespmem:$0x3C0]  }
0x1aa: {  	[tilespmem:$0x141A0] =	vst v0  }
0x1ab: {  	v0 =	vld.idx.msk [tilespmem:v55+s16+$0x0], $0xffff;
	_ =	sdelay $0x3  }
0x1ac: {  	v57 =	vld [tilespmem:$0x3D0]  }
0x1ad: {  	[tilespmem:$0x141B0] =	vst v0  }
0x1ae: {  	v0 =	vld.idx.msk [tilespmem:v56+s16+$0x0], $0xffff;
	_ =	sdelay $0x3  }
0x1af: {  	v58 =	vld [tilespmem:$0x3E0]  }
0x1b0: {  	[tilespmem:$0x141C0] =	vst v0  }
0x1b1: {  	v0 =	vld.idx.msk [tilespmem:v57+s16+$0x0], $0xffff;
	_ =	sdelay $0x3  }
0x1b2: {  	v59 =	vld [tilespmem:$0x3F0]  }
0x1b3: {  	[tilespmem:$0x141D0] =	vst v0  }
0x1b4: {  	v0 =	vld.idx.msk [tilespmem:v58+s16+$0x0], $0xffff;
	_ =	sdelay $0x4  }
0x1b5: {  	[tilespmem:$0x141E0] =	vst v0  }
0x1b6: {  	v0 =	vld.idx.msk [tilespmem:v59+s16+$0x0], $0xffff;
	_ =	sdelay $0x4  }
0x1b7: {  	[tilespmem:$0x141F0] =	vst v0  }
0x1b8: {  	[hbm4b:s10+s14] =	stream.strided.scatter [tilespmem:s20], [sflag:$0x5], $0x400, s15, s14, $0x38;
	[tilespmem:$0x14200] =	vst v63  }
0x1b9: {  	_ =	swait.ge [sflag:s18], $0x400  }
0x1ba: {  	[sflag:s18] =	ssyncset.done $0x0  }
0x1bb: {  	[sflag:s18] =	ssyncadd.s32 $0xFFFFFC00  }
0x1bc: {  	_ =	swait.ge [sflag:s22], $0x4E80  }
0x1bd: {  	[sflag:s22] =	ssyncset.done $0x0  }
0x1be: {  	[sflag:s22] =	ssyncadd.s32 $0xFFFFB180  }
0x1bf: {  	v60 =	vld [tilespmem:$0x0];
	_ =	sdelay $0x5  }
0x1c0: {  	v61 =	vld [tilespmem:$0x10];
	_ =	sdelay $0x1  }
0x1c1: {  	v0 =	vld.idx.msk [tilespmem:v60+s17+$0x0], $0xffff;
	_ =	sdelay $0x3  }
0x1c2: {  	v62 =	vld [tilespmem:$0x20]  }
0x1c3: {  	[tilespmem:$0x13E00] =	vst v0  }
0x1c4: {  	v0 =	vld.idx.msk [tilespmem:v61+s17+$0x0], $0xffff;
	_ =	sdelay $0x3  }
0x1c5: {  	v63 =	vld [tilespmem:$0x30]  }
0x1c6: {  	[tilespmem:$0x13E10] =	vst v0  }
0x1c7: {  	v0 =	vld.idx.msk [tilespmem:v62+s17+$0x0], $0xffff;
	_ =	sdelay $0x3  }
0x1c8: {  	v4 =	vld [tilespmem:$0x40]  }
0x1c9: {  	[tilespmem:$0x13E20] =	vst v0  }
0x1ca: {  	v0 =	vld.idx.msk [tilespmem:v63+s17+$0x0], $0xffff;
	_ =	sdelay $0x3  }
0x1cb: {  	v5 =	vld [tilespmem:$0x50]  }
0x1cc: {  	[tilespmem:$0x13E30] =	vst v0  }
0x1cd: {  	v0 =	vld.idx.msk [tilespmem:v4+s17+$0x0], $0xffff;
	_ =	sdelay $0x3  }
0x1ce: {  	v6 =	vld [tilespmem:$0x60]  }
0x1cf: {  	[tilespmem:$0x13E40] =	vst v0  }
0x1d0: {  	v0 =	vld.idx.msk [tilespmem:v5+s17+$0x0], $0xffff;
	_ =	sdelay $0x3  }
0x1d1: {  	v7 =	vld [tilespmem:$0x70]  }
0x1d2: {  	[tilespmem:$0x13E50] =	vst v0  }
0x1d3: {  	v0 =	vld.idx.msk [tilespmem:v6+s17+$0x0], $0xffff;
	_ =	sdelay $0x3  }
0x1d4: {  	v8 =	vld [tilespmem:$0x80]  }
0x1d5: {  	[tilespmem:$0x13E60] =	vst v0  }
0x1d6: {  	v0 =	vld.idx.msk [tilespmem:v7+s17+$0x0], $0xffff;
	_ =	sdelay $0x3  }
0x1d7: {  	v9 =	vld [tilespmem:$0x90]  }
0x1d8: {  	[tilespmem:$0x13E70] =	vst v0  }
0x1d9: {  	v0 =	vld.idx.msk [tilespmem:v8+s17+$0x0], $0xffff;
	_ =	sdelay $0x3  }
0x1da: {  	v10 =	vld [tilespmem:$0xA0]  }
0x1db: {  	[tilespmem:$0x13E80] =	vst v0  }
0x1dc: {  	v0 =	vld.idx.msk [tilespmem:v9+s17+$0x0], $0xffff;
	_ =	sdelay $0x3  }
0x1dd: {  	v11 =	vld [tilespmem:$0xB0]  }
0x1de: {  	[tilespmem:$0x13E90] =	vst v0  }
0x1df: {  	v0 =	vld.idx.msk [tilespmem:v10+s17+$0x0], $0xffff;
	_ =	sdelay $0x3  }
0x1e0: {  	v12 =	vld [tilespmem:$0xC0]  }
0x1e1: {  	[tilespmem:$0x13EA0] =	vst v0  }
0x1e2: {  	v0 =	vld.idx.msk [tilespmem:v11+s17+$0x0], $0xffff;
	_ =	sdelay $0x3  }
0x1e3: {  	v13 =	vld [tilespmem:$0xD0]  }
0x1e4: {  	[tilespmem:$0x13EB0] =	vst v0  }
0x1e5: {  	v0 =	vld.idx.msk [tilespmem:v12+s17+$0x0], $0xffff;
	_ =	sdelay $0x3  }
0x1e6: {  	v14 =	vld [tilespmem:$0xE0]  }
0x1e7: {  	[tilespmem:$0x13EC0] =	vst v0  }
0x1e8: {  	v0 =	vld.idx.msk [tilespmem:v13+s17+$0x0], $0xffff;
	_ =	sdelay $0x3  }
0x1e9: {  	v15 =	vld [tilespmem:$0xF0]  }
0x1ea: {  	[tilespmem:$0x13ED0] =	vst v0  }
0x1eb: {  	v0 =	vld.idx.msk [tilespmem:v14+s17+$0x0], $0xffff;
	_ =	sdelay $0x3  }
0x1ec: {  	v16 =	vld [tilespmem:$0x100]  }
0x1ed: {  	[tilespmem:$0x13EE0] =	vst v0  }
0x1ee: {  	v0 =	vld.idx.msk [tilespmem:v15+s17+$0x0], $0xffff;
	_ =	sdelay $0x3  }
0x1ef: {  	v17 =	vld [tilespmem:$0x110]  }
0x1f0: {  	[tilespmem:$0x13EF0] =	vst v0  }
0x1f1: {  	v0 =	vld.idx.msk [tilespmem:v16+s17+$0x0], $0xffff;
	_ =	sdelay $0x3  }
0x1f2: {  	v18 =	vld [tilespmem:$0x120]  }
0x1f3: {  	[tilespmem:$0x13F00] =	vst v0  }
0x1f4: {  	v0 =	vld.idx.msk [tilespmem:v17+s17+$0x0], $0xffff;
	_ =	sdelay $0x3  }
0x1f5: {  	v19 =	vld [tilespmem:$0x130]  }
0x1f6: {  	[tilespmem:$0x13F10] =	vst v0  }
0x1f7: {  	v0 =	vld.idx.msk [tilespmem:v18+s17+$0x0], $0xffff;
	_ =	sdelay $0x3  }
0x1f8: {  	v20 =	vld [tilespmem:$0x140]  }
0x1f9: {  	[tilespmem:$0x13F20] =	vst v0  }
0x1fa: {  	v0 =	vld.idx.msk [tilespmem:v19+s17+$0x0], $0xffff;
	_ =	sdelay $0x3  }
0x1fb: {  	v21 =	vld [tilespmem:$0x150]  }
0x1fc: {  	[tilespmem:$0x13F30] =	vst v0  }
0x1fd: {  	v0 =	vld.idx.msk [tilespmem:v20+s17+$0x0], $0xffff;
	_ =	sdelay $0x3  }
0x1fe: {  	v22 =	vld [tilespmem:$0x160]  }
0x1ff: {  	[tilespmem:$0x13F40] =	vst v0  }
0x200: {  	v0 =	vld.idx.msk [tilespmem:v21+s17+$0x0], $0xffff;
	_ =	sdelay $0x3  }
0x201: {  	v23 =	vld [tilespmem:$0x170]  }
0x202: {  	[tilespmem:$0x13F50] =	vst v0  }
0x203: {  	v0 =	vld.idx.msk [tilespmem:v22+s17+$0x0], $0xffff;
	_ =	sdelay $0x3  }
0x204: {  	v24 =	vld [tilespmem:$0x180]  }
0x205: {  	[tilespmem:$0x13F60] =	vst v0  }
0x206: {  	v0 =	vld.idx.msk [tilespmem:v23+s17+$0x0], $0xffff;
	_ =	sdelay $0x3  }
0x207: {  	v25 =	vld [tilespmem:$0x190]  }
0x208: {  	[tilespmem:$0x13F70] =	vst v0  }
0x209: {  	v0 =	vld.idx.msk [tilespmem:v24+s17+$0x0], $0xffff;
	_ =	sdelay $0x3  }
0x20a: {  	v26 =	vld [tilespmem:$0x1A0]  }
0x20b: {  	[tilespmem:$0x13F80] =	vst v0  }
0x20c: {  	v0 =	vld.idx.msk [tilespmem:v25+s17+$0x0], $0xffff;
	_ =	sdelay $0x3  }
0x20d: {  	v27 =	vld [tilespmem:$0x1B0]  }
0x20e: {  	[tilespmem:$0x13F90] =	vst v0  }
0x20f: {  	v0 =	vld.idx.msk [tilespmem:v26+s17+$0x0], $0xffff;
	_ =	sdelay $0x3  }
0x210: {  	v28 =	vld [tilespmem:$0x1C0]  }
0x211: {  	[tilespmem:$0x13FA0] =	vst v0  }
0x212: {  	v0 =	vld.idx.msk [tilespmem:v27+s17+$0x0], $0xffff;
	_ =	sdelay $0x3  }
0x213: {  	v29 =	vld [tilespmem:$0x1D0]  }
0x214: {  	[tilespmem:$0x13FB0] =	vst v0  }
0x215: {  	v0 =	vld.idx.msk [tilespmem:v28+s17+$0x0], $0xffff;
	_ =	sdelay $0x3  }
0x216: {  	v30 =	vld [tilespmem:$0x1E0]  }
0x217: {  	[tilespmem:$0x13FC0] =	vst v0  }
0x218: {  	v0 =	vld.idx.msk [tilespmem:v29+s17+$0x0], $0xffff;
	_ =	sdelay $0x3  }
0x219: {  	v31 =	vld [tilespmem:$0x1F0]  }
0x21a: {  	[tilespmem:$0x13FD0] =	vst v0  }
0x21b: {  	v0 =	vld.idx.msk [tilespmem:v30+s17+$0x0], $0xffff;
	_ =	sdelay $0x3  }
0x21c: {  	v32 =	vld [tilespmem:$0x200]  }
0x21d: {  	[tilespmem:$0x13FE0] =	vst v0  }
0x21e: {  	v0 =	vld.idx.msk [tilespmem:v31+s17+$0x0], $0xffff;
	_ =	sdelay $0x3  }
0x21f: {  	v33 =	vld [tilespmem:$0x210]  }
0x220: {  	[tilespmem:$0x13FF0] =	vst v0  }
0x221: {  	v0 =	vld.idx.msk [tilespmem:v32+s17+$0x0], $0xffff;
	_ =	sdelay $0x3  }
0x222: {  	v34 =	vld [tilespmem:$0x220]  }
0x223: {  	[tilespmem:$0x14000] =	vst v0  }
0x224: {  	v0 =	vld.idx.msk [tilespmem:v33+s17+$0x0], $0xffff;
	_ =	sdelay $0x3  }
0x225: {  	v35 =	vld [tilespmem:$0x230]  }
0x226: {  	[tilespmem:$0x14010] =	vst v0  }
0x227: {  	v0 =	vld.idx.msk [tilespmem:v34+s17+$0x0], $0xffff;
	_ =	sdelay $0x3  }
0x228: {  	v36 =	vld [tilespmem:$0x240]  }
0x229: {  	[tilespmem:$0x14020] =	vst v0  }
0x22a: {  	v0 =	vld.idx.msk [tilespmem:v35+s17+$0x0], $0xffff;
	_ =	sdelay $0x3  }
0x22b: {  	v37 =	vld [tilespmem:$0x250]  }
0x22c: {  	[tilespmem:$0x14030] =	vst v0  }
0x22d: {  	v0 =	vld.idx.msk [tilespmem:v36+s17+$0x0], $0xffff;
	_ =	sdelay $0x3  }
0x22e: {  	v38 =	vld [tilespmem:$0x260]  }
0x22f: {  	[tilespmem:$0x14040] =	vst v0  }
0x230: {  	v0 =	vld.idx.msk [tilespmem:v37+s17+$0x0], $0xffff;
	_ =	sdelay $0x3  }
0x231: {  	v39 =	vld [tilespmem:$0x270]  }
0x232: {  	[tilespmem:$0x14050] =	vst v0  }
0x233: {  	v0 =	vld.idx.msk [tilespmem:v38+s17+$0x0], $0xffff;
	_ =	sdelay $0x3  }
0x234: {  	v40 =	vld [tilespmem:$0x280]  }
0x235: {  	[tilespmem:$0x14060] =	vst v0  }
0x236: {  	v0 =	vld.idx.msk [tilespmem:v39+s17+$0x0], $0xffff;
	_ =	sdelay $0x3  }
0x237: {  	v41 =	vld [tilespmem:$0x290]  }
0x238: {  	[tilespmem:$0x14070] =	vst v0  }
0x239: {  	v0 =	vld.idx.msk [tilespmem:v40+s17+$0x0], $0xffff;
	_ =	sdelay $0x3  }
0x23a: {  	v42 =	vld [tilespmem:$0x2A0]  }
0x23b: {  	[tilespmem:$0x14080] =	vst v0  }
0x23c: {  	v0 =	vld.idx.msk [tilespmem:v41+s17+$0x0], $0xffff;
	_ =	sdelay $0x3  }
0x23d: {  	v43 =	vld [tilespmem:$0x2B0]  }
0x23e: {  	[tilespmem:$0x14090] =	vst v0  }
0x23f: {  	v0 =	vld.idx.msk [tilespmem:v42+s17+$0x0], $0xffff;
	_ =	sdelay $0x3  }
0x240: {  	v44 =	vld [tilespmem:$0x2C0]  }
0x241: {  	[tilespmem:$0x140A0] =	vst v0  }
0x242: {  	v0 =	vld.idx.msk [tilespmem:v43+s17+$0x0], $0xffff;
	_ =	sdelay $0x3  }
0x243: {  	v45 =	vld [tilespmem:$0x2D0]  }
0x244: {  	[tilespmem:$0x140B0] =	vst v0  }
0x245: {  	v0 =	vld.idx.msk [tilespmem:v44+s17+$0x0], $0xffff;
	_ =	sdelay $0x3  }
0x246: {  	v46 =	vld [tilespmem:$0x2E0]  }
0x247: {  	[tilespmem:$0x140C0] =	vst v0  }
0x248: {  	v0 =	vld.idx.msk [tilespmem:v45+s17+$0x0], $0xffff;
	_ =	sdelay $0x3  }
0x249: {  	v47 =	vld [tilespmem:$0x2F0]  }
0x24a: {  	[tilespmem:$0x140D0] =	vst v0  }
0x24b: {  	v0 =	vld.idx.msk [tilespmem:v46+s17+$0x0], $0xffff;
	_ =	sdelay $0x3  }
0x24c: {  	v48 =	vld [tilespmem:$0x300]  }
0x24d: {  	[tilespmem:$0x140E0] =	vst v0  }
0x24e: {  	v0 =	vld.idx.msk [tilespmem:v47+s17+$0x0], $0xffff;
	_ =	sdelay $0x3  }
0x24f: {  	v49 =	vld [tilespmem:$0x310]  }
0x250: {  	[tilespmem:$0x140F0] =	vst v0  }
0x251: {  	v0 =	vld.idx.msk [tilespmem:v48+s17+$0x0], $0xffff;
	_ =	sdelay $0x3  }
0x252: {  	v50 =	vld [tilespmem:$0x320]  }
0x253: {  	[tilespmem:$0x14100] =	vst v0  }
0x254: {  	v0 =	vld.idx.msk [tilespmem:v49+s17+$0x0], $0xffff;
	_ =	sdelay $0x3  }
0x255: {  	v51 =	vld [tilespmem:$0x330]  }
0x256: {  	[tilespmem:$0x14110] =	vst v0  }
0x257: {  	v0 =	vld.idx.msk [tilespmem:v50+s17+$0x0], $0xffff;
	_ =	sdelay $0x3  }
0x258: {  	v52 =	vld [tilespmem:$0x340]  }
0x259: {  	[tilespmem:$0x14120] =	vst v0  }
0x25a: {  	v0 =	vld.idx.msk [tilespmem:v51+s17+$0x0], $0xffff;
	_ =	sdelay $0x3  }
0x25b: {  	v53 =	vld [tilespmem:$0x350]  }
0x25c: {  	[tilespmem:$0x14130] =	vst v0  }
0x25d: {  	v0 =	vld.idx.msk [tilespmem:v52+s17+$0x0], $0xffff;
	_ =	sdelay $0x3  }
0x25e: {  	v54 =	vld [tilespmem:$0x360]  }
0x25f: {  	[tilespmem:$0x14140] =	vst v0  }
0x260: {  	v0 =	vld.idx.msk [tilespmem:v53+s17+$0x0], $0xffff;
	_ =	sdelay $0x3  }
0x261: {  	v55 =	vld [tilespmem:$0x370]  }
0x262: {  	[tilespmem:$0x14150] =	vst v0  }
0x263: {  	v0 =	vld.idx.msk [tilespmem:v54+s17+$0x0], $0xffff;
	_ =	sdelay $0x3  }
0x264: {  	v56 =	vld [tilespmem:$0x380]  }
0x265: {  	[tilespmem:$0x14160] =	vst v0  }
0x266: {  	v0 =	vld.idx.msk [tilespmem:v55+s17+$0x0], $0xffff;
	_ =	sdelay $0x3  }
0x267: {  	v57 =	vld [tilespmem:$0x390]  }
0x268: {  	[tilespmem:$0x14170] =	vst v0  }
0x269: {  	v0 =	vld.idx.msk [tilespmem:v56+s17+$0x0], $0xffff;
	_ =	sdelay $0x3  }
0x26a: {  	v58 =	vld [tilespmem:$0x3A0]  }
0x26b: {  	[tilespmem:$0x14180] =	vst v0  }
0x26c: {  	v0 =	vld.idx.msk [tilespmem:v57+s17+$0x0], $0xffff;
	_ =	sdelay $0x3  }
0x26d: {  	v59 =	vld [tilespmem:$0x3B0]  }
0x26e: {  	[tilespmem:$0x14190] =	vst v0  }
0x26f: {  	v0 =	vld.idx.msk [tilespmem:v58+s17+$0x0], $0xffff;
	_ =	sdelay $0x3  }
0x270: {  	v60 =	vld [tilespmem:$0x3C0]  }
0x271: {  	[tilespmem:$0x141A0] =	vst v0  }
0x272: {  	v0 =	vld.idx.msk [tilespmem:v59+s17+$0x0], $0xffff;
	_ =	sdelay $0x3  }
0x273: {  	v61 =	vld [tilespmem:$0x3D0]  }
0x274: {  	[tilespmem:$0x141B0] =	vst v0  }
0x275: {  	v0 =	vld.idx.msk [tilespmem:v60+s17+$0x0], $0xffff;
	_ =	sdelay $0x3  }
0x276: {  	v62 =	vld [tilespmem:$0x3E0]  }
0x277: {  	[tilespmem:$0x141C0] =	vst v0  }
0x278: {  	v0 =	vld.idx.msk [tilespmem:v61+s17+$0x0], $0xffff;
	_ =	sdelay $0x3  }
0x279: {  	v63 =	vld [tilespmem:$0x3F0]  }
0x27a: {  	[tilespmem:$0x141D0] =	vst v0  }
0x27b: {  	v0 =	vld.idx.msk [tilespmem:v62+s17+$0x0], $0xffff;
	_ =	sdelay $0x4  }
0x27c: {  	[tilespmem:$0x141E0] =	vst v0  }
0x27d: {  	v0 =	vld.idx.msk [tilespmem:v63+s17+$0x0], $0xffff;
	_ =	sdelay $0x4  }
.Ltmp2:
0x27e: {  	[tilespmem:$0x141F0] =	vst v0;
	(pc) =	sbr.rel @p2 .LBB2_3-.Ltmp2, $4  }
0x27f: {  	[hbm4b:s11+s14] =	stream.strided.scatter [tilespmem:s20], [sflag:$0x5], $0x400, s15, s14, $0x38;
	[tilespmem:$0x14200] =	vst v63  }
0x280: {  	_ =	swait.ge [sflag:s18], $0x400  }
0x281: {  	[sflag:s18] =	ssyncset.done $0x0  }
0x282: {  	[sflag:s18] =	ssyncadd.s32 $0xFFFFFC00  }
0x283: {  	_ =	swait.ge [sflag:s23], $0x4E80  }
0x284: {  	[sflag:s23] =	ssyncset.done $0x0  }
0x285: {  	[sflag:s23] =	ssyncadd.s32 $0xFFFFB180  }
0x286: {  	v0 =	vld [tilespmem:$0x0];
	_ =	sdelay $0x5  }
0x287: {  	v1 =	vld [tilespmem:$0x10];
	_ =	sdelay $0x1  }
0x288: {  	v0 =	vld.idx.msk [tilespmem:v0+s24+$0x0], $0xffff;
	_ =	sdelay $0x3  }
0x289: {  	v2 =	vld [tilespmem:$0x20]  }
0x28a: {  	[tilespmem:$0x13E00] =	vst v0  }
0x28b: {  	v0 =	vld.idx.msk [tilespmem:v1+s24+$0x0], $0xffff;
	_ =	sdelay $0x3  }
0x28c: {  	v63 =	vld [tilespmem:$0x30]  }
0x28d: {  	[tilespmem:$0x13E10] =	vst v0  }
0x28e: {  	v0 =	vld.idx.msk [tilespmem:v2+s24+$0x0], $0xffff;
	_ =	sdelay $0x3  }
0x28f: {  	v4 =	vld [tilespmem:$0x40]  }
0x290: {  	[tilespmem:$0x13E20] =	vst v0  }
0x291: {  	v0 =	vld.idx.msk [tilespmem:v63+s24+$0x0], $0xffff;
	_ =	sdelay $0x3  }
0x292: {  	v5 =	vld [tilespmem:$0x50]  }
0x293: {  	[tilespmem:$0x13E30] =	vst v0  }
0x294: {  	v0 =	vld.idx.msk [tilespmem:v4+s24+$0x0], $0xffff;
	_ =	sdelay $0x3  }
0x295: {  	v6 =	vld [tilespmem:$0x60]  }
0x296: {  	[tilespmem:$0x13E40] =	vst v0  }
0x297: {  	v0 =	vld.idx.msk [tilespmem:v5+s24+$0x0], $0xffff;
	_ =	sdelay $0x3  }
0x298: {  	v7 =	vld [tilespmem:$0x70]  }
0x299: {  	[tilespmem:$0x13E50] =	vst v0  }
0x29a: {  	v0 =	vld.idx.msk [tilespmem:v6+s24+$0x0], $0xffff;
	_ =	sdelay $0x3  }
0x29b: {  	v8 =	vld [tilespmem:$0x80]  }
0x29c: {  	[tilespmem:$0x13E60] =	vst v0  }
0x29d: {  	v0 =	vld.idx.msk [tilespmem:v7+s24+$0x0], $0xffff;
	_ =	sdelay $0x3  }
0x29e: {  	v9 =	vld [tilespmem:$0x90]  }
0x29f: {  	[tilespmem:$0x13E70] =	vst v0  }
0x2a0: {  	v0 =	vld.idx.msk [tilespmem:v8+s24+$0x0], $0xffff;
	_ =	sdelay $0x3  }
0x2a1: {  	v10 =	vld [tilespmem:$0xA0]  }
0x2a2: {  	[tilespmem:$0x13E80] =	vst v0  }
0x2a3: {  	v0 =	vld.idx.msk [tilespmem:v9+s24+$0x0], $0xffff;
	_ =	sdelay $0x3  }
0x2a4: {  	v11 =	vld [tilespmem:$0xB0]  }
0x2a5: {  	[tilespmem:$0x13E90] =	vst v0  }
0x2a6: {  	v0 =	vld.idx.msk [tilespmem:v10+s24+$0x0], $0xffff;
	_ =	sdelay $0x3  }
0x2a7: {  	v12 =	vld [tilespmem:$0xC0]  }
0x2a8: {  	[tilespmem:$0x13EA0] =	vst v0  }
0x2a9: {  	v0 =	vld.idx.msk [tilespmem:v11+s24+$0x0], $0xffff;
	_ =	sdelay $0x3  }
0x2aa: {  	v13 =	vld [tilespmem:$0xD0]  }
0x2ab: {  	[tilespmem:$0x13EB0] =	vst v0  }
0x2ac: {  	v0 =	vld.idx.msk [tilespmem:v12+s24+$0x0], $0xffff;
	_ =	sdelay $0x3  }
0x2ad: {  	v14 =	vld [tilespmem:$0xE0]  }
0x2ae: {  	[tilespmem:$0x13EC0] =	vst v0  }
0x2af: {  	v0 =	vld.idx.msk [tilespmem:v13+s24+$0x0], $0xffff;
	_ =	sdelay $0x3  }
0x2b0: {  	v15 =	vld [tilespmem:$0xF0]  }
0x2b1: {  	[tilespmem:$0x13ED0] =	vst v0  }
0x2b2: {  	v0 =	vld.idx.msk [tilespmem:v14+s24+$0x0], $0xffff;
	_ =	sdelay $0x3  }
0x2b3: {  	v16 =	vld [tilespmem:$0x100]  }
0x2b4: {  	[tilespmem:$0x13EE0] =	vst v0  }
0x2b5: {  	v0 =	vld.idx.msk [tilespmem:v15+s24+$0x0], $0xffff;
	_ =	sdelay $0x3  }
0x2b6: {  	v17 =	vld [tilespmem:$0x110]  }
0x2b7: {  	[tilespmem:$0x13EF0] =	vst v0  }
0x2b8: {  	v0 =	vld.idx.msk [tilespmem:v16+s24+$0x0], $0xffff;
	_ =	sdelay $0x3  }
0x2b9: {  	v18 =	vld [tilespmem:$0x120]  }
0x2ba: {  	[tilespmem:$0x13F00] =	vst v0  }
0x2bb: {  	v0 =	vld.idx.msk [tilespmem:v17+s24+$0x0], $0xffff;
	_ =	sdelay $0x3  }
0x2bc: {  	v19 =	vld [tilespmem:$0x130]  }
0x2bd: {  	[tilespmem:$0x13F10] =	vst v0  }
0x2be: {  	v0 =	vld.idx.msk [tilespmem:v18+s24+$0x0], $0xffff;
	_ =	sdelay $0x3  }
0x2bf: {  	v20 =	vld [tilespmem:$0x140]  }
0x2c0: {  	[tilespmem:$0x13F20] =	vst v0  }
0x2c1: {  	v0 =	vld.idx.msk [tilespmem:v19+s24+$0x0], $0xffff;
	_ =	sdelay $0x3  }
0x2c2: {  	v21 =	vld [tilespmem:$0x150]  }
0x2c3: {  	[tilespmem:$0x13F30] =	vst v0  }
0x2c4: {  	v0 =	vld.idx.msk [tilespmem:v20+s24+$0x0], $0xffff;
	_ =	sdelay $0x3  }
0x2c5: {  	v22 =	vld [tilespmem:$0x160]  }
0x2c6: {  	[tilespmem:$0x13F40] =	vst v0  }
0x2c7: {  	v0 =	vld.idx.msk [tilespmem:v21+s24+$0x0], $0xffff;
	_ =	sdelay $0x3  }
0x2c8: {  	v23 =	vld [tilespmem:$0x170]  }
0x2c9: {  	[tilespmem:$0x13F50] =	vst v0  }
0x2ca: {  	v0 =	vld.idx.msk [tilespmem:v22+s24+$0x0], $0xffff;
	_ =	sdelay $0x3  }
0x2cb: {  	v24 =	vld [tilespmem:$0x180]  }
0x2cc: {  	[tilespmem:$0x13F60] =	vst v0  }
0x2cd: {  	v0 =	vld.idx.msk [tilespmem:v23+s24+$0x0], $0xffff;
	_ =	sdelay $0x3  }
0x2ce: {  	v25 =	vld [tilespmem:$0x190]  }
0x2cf: {  	[tilespmem:$0x13F70] =	vst v0  }
0x2d0: {  	v0 =	vld.idx.msk [tilespmem:v24+s24+$0x0], $0xffff;
	_ =	sdelay $0x3  }
0x2d1: {  	v26 =	vld [tilespmem:$0x1A0]  }
0x2d2: {  	[tilespmem:$0x13F80] =	vst v0  }
0x2d3: {  	v0 =	vld.idx.msk [tilespmem:v25+s24+$0x0], $0xffff;
	_ =	sdelay $0x3  }
0x2d4: {  	v27 =	vld [tilespmem:$0x1B0]  }
0x2d5: {  	[tilespmem:$0x13F90] =	vst v0  }
0x2d6: {  	v0 =	vld.idx.msk [tilespmem:v26+s24+$0x0], $0xffff;
	_ =	sdelay $0x3  }
0x2d7: {  	v28 =	vld [tilespmem:$0x1C0]  }
0x2d8: {  	[tilespmem:$0x13FA0] =	vst v0  }
0x2d9: {  	v0 =	vld.idx.msk [tilespmem:v27+s24+$0x0], $0xffff;
	_ =	sdelay $0x3  }
0x2da: {  	v29 =	vld [tilespmem:$0x1D0]  }
0x2db: {  	[tilespmem:$0x13FB0] =	vst v0  }
0x2dc: {  	v0 =	vld.idx.msk [tilespmem:v28+s24+$0x0], $0xffff;
	_ =	sdelay $0x3  }
0x2dd: {  	v30 =	vld [tilespmem:$0x1E0]  }
0x2de: {  	[tilespmem:$0x13FC0] =	vst v0  }
0x2df: {  	v0 =	vld.idx.msk [tilespmem:v29+s24+$0x0], $0xffff;
	_ =	sdelay $0x3  }
0x2e0: {  	v31 =	vld [tilespmem:$0x1F0]  }
0x2e1: {  	[tilespmem:$0x13FD0] =	vst v0  }
0x2e2: {  	v0 =	vld.idx.msk [tilespmem:v30+s24+$0x0], $0xffff;
	_ =	sdelay $0x3  }
0x2e3: {  	v32 =	vld [tilespmem:$0x200]  }
0x2e4: {  	[tilespmem:$0x13FE0] =	vst v0  }
0x2e5: {  	v0 =	vld.idx.msk [tilespmem:v31+s24+$0x0], $0xffff;
	_ =	sdelay $0x3  }
0x2e6: {  	v33 =	vld [tilespmem:$0x210]  }
0x2e7: {  	[tilespmem:$0x13FF0] =	vst v0  }
0x2e8: {  	v0 =	vld.idx.msk [tilespmem:v32+s24+$0x0], $0xffff;
	_ =	sdelay $0x3  }
0x2e9: {  	v34 =	vld [tilespmem:$0x220]  }
0x2ea: {  	[tilespmem:$0x14000] =	vst v0  }
0x2eb: {  	v0 =	vld.idx.msk [tilespmem:v33+s24+$0x0], $0xffff;
	_ =	sdelay $0x3  }
0x2ec: {  	v35 =	vld [tilespmem:$0x230]  }
0x2ed: {  	[tilespmem:$0x14010] =	vst v0  }
0x2ee: {  	v0 =	vld.idx.msk [tilespmem:v34+s24+$0x0], $0xffff;
	_ =	sdelay $0x3  }
0x2ef: {  	v36 =	vld [tilespmem:$0x240]  }
0x2f0: {  	[tilespmem:$0x14020] =	vst v0  }
0x2f1: {  	v0 =	vld.idx.msk [tilespmem:v35+s24+$0x0], $0xffff;
	_ =	sdelay $0x3  }
0x2f2: {  	v37 =	vld [tilespmem:$0x250]  }
0x2f3: {  	[tilespmem:$0x14030] =	vst v0  }
0x2f4: {  	v0 =	vld.idx.msk [tilespmem:v36+s24+$0x0], $0xffff;
	_ =	sdelay $0x3  }
0x2f5: {  	v38 =	vld [tilespmem:$0x260]  }
0x2f6: {  	[tilespmem:$0x14040] =	vst v0  }
0x2f7: {  	v0 =	vld.idx.msk [tilespmem:v37+s24+$0x0], $0xffff;
	_ =	sdelay $0x3  }
0x2f8: {  	v39 =	vld [tilespmem:$0x270]  }
0x2f9: {  	[tilespmem:$0x14050] =	vst v0  }
0x2fa: {  	v0 =	vld.idx.msk [tilespmem:v38+s24+$0x0], $0xffff;
	_ =	sdelay $0x3  }
0x2fb: {  	v40 =	vld [tilespmem:$0x280]  }
0x2fc: {  	[tilespmem:$0x14060] =	vst v0  }
0x2fd: {  	v0 =	vld.idx.msk [tilespmem:v39+s24+$0x0], $0xffff;
	_ =	sdelay $0x3  }
0x2fe: {  	v41 =	vld [tilespmem:$0x290]  }
0x2ff: {  	[tilespmem:$0x14070] =	vst v0  }
0x300: {  	v0 =	vld.idx.msk [tilespmem:v40+s24+$0x0], $0xffff;
	_ =	sdelay $0x3  }
0x301: {  	v42 =	vld [tilespmem:$0x2A0]  }
0x302: {  	[tilespmem:$0x14080] =	vst v0  }
0x303: {  	v0 =	vld.idx.msk [tilespmem:v41+s24+$0x0], $0xffff;
	_ =	sdelay $0x3  }
0x304: {  	v43 =	vld [tilespmem:$0x2B0]  }
0x305: {  	[tilespmem:$0x14090] =	vst v0  }
0x306: {  	v0 =	vld.idx.msk [tilespmem:v42+s24+$0x0], $0xffff;
	_ =	sdelay $0x3  }
0x307: {  	v44 =	vld [tilespmem:$0x2C0]  }
0x308: {  	[tilespmem:$0x140A0] =	vst v0  }
0x309: {  	v0 =	vld.idx.msk [tilespmem:v43+s24+$0x0], $0xffff;
	_ =	sdelay $0x3  }
0x30a: {  	v45 =	vld [tilespmem:$0x2D0]  }
0x30b: {  	[tilespmem:$0x140B0] =	vst v0  }
0x30c: {  	v0 =	vld.idx.msk [tilespmem:v44+s24+$0x0], $0xffff;
	_ =	sdelay $0x3  }
0x30d: {  	v46 =	vld [tilespmem:$0x2E0]  }
0x30e: {  	[tilespmem:$0x140C0] =	vst v0  }
0x30f: {  	v0 =	vld.idx.msk [tilespmem:v45+s24+$0x0], $0xffff;
	_ =	sdelay $0x3  }
0x310: {  	v47 =	vld [tilespmem:$0x2F0]  }
0x311: {  	[tilespmem:$0x140D0] =	vst v0  }
0x312: {  	v0 =	vld.idx.msk [tilespmem:v46+s24+$0x0], $0xffff;
	_ =	sdelay $0x3  }
0x313: {  	v48 =	vld [tilespmem:$0x300]  }
0x314: {  	[tilespmem:$0x140E0] =	vst v0  }
0x315: {  	v0 =	vld.idx.msk [tilespmem:v47+s24+$0x0], $0xffff;
	_ =	sdelay $0x3  }
0x316: {  	v49 =	vld [tilespmem:$0x310]  }
0x317: {  	[tilespmem:$0x140F0] =	vst v0  }
0x318: {  	v0 =	vld.idx.msk [tilespmem:v48+s24+$0x0], $0xffff;
	_ =	sdelay $0x3  }
0x319: {  	v50 =	vld [tilespmem:$0x320]  }
0x31a: {  	[tilespmem:$0x14100] =	vst v0  }
0x31b: {  	v0 =	vld.idx.msk [tilespmem:v49+s24+$0x0], $0xffff;
	_ =	sdelay $0x3  }
0x31c: {  	v51 =	vld [tilespmem:$0x330]  }
0x31d: {  	[tilespmem:$0x14110] =	vst v0  }
0x31e: {  	v0 =	vld.idx.msk [tilespmem:v50+s24+$0x0], $0xffff;
	_ =	sdelay $0x3  }
0x31f: {  	v52 =	vld [tilespmem:$0x340]  }
0x320: {  	[tilespmem:$0x14120] =	vst v0  }
0x321: {  	v0 =	vld.idx.msk [tilespmem:v51+s24+$0x0], $0xffff;
	_ =	sdelay $0x3  }
0x322: {  	v53 =	vld [tilespmem:$0x350]  }
0x323: {  	[tilespmem:$0x14130] =	vst v0  }
0x324: {  	v0 =	vld.idx.msk [tilespmem:v52+s24+$0x0], $0xffff;
	_ =	sdelay $0x3  }
0x325: {  	v54 =	vld [tilespmem:$0x360]  }
0x326: {  	[tilespmem:$0x14140] =	vst v0  }
0x327: {  	v0 =	vld.idx.msk [tilespmem:v53+s24+$0x0], $0xffff;
	_ =	sdelay $0x3  }
0x328: {  	v55 =	vld [tilespmem:$0x370]  }
0x329: {  	[tilespmem:$0x14150] =	vst v0  }
0x32a: {  	v0 =	vld.idx.msk [tilespmem:v54+s24+$0x0], $0xffff;
	_ =	sdelay $0x3  }
0x32b: {  	v56 =	vld [tilespmem:$0x380]  }
0x32c: {  	[tilespmem:$0x14160] =	vst v0  }
0x32d: {  	v0 =	vld.idx.msk [tilespmem:v55+s24+$0x0], $0xffff;
	_ =	sdelay $0x3  }
0x32e: {  	v57 =	vld [tilespmem:$0x390]  }
0x32f: {  	[tilespmem:$0x14170] =	vst v0  }
0x330: {  	v0 =	vld.idx.msk [tilespmem:v56+s24+$0x0], $0xffff;
	_ =	sdelay $0x3  }
0x331: {  	v58 =	vld [tilespmem:$0x3A0]  }
0x332: {  	[tilespmem:$0x14180] =	vst v0  }
0x333: {  	v0 =	vld.idx.msk [tilespmem:v57+s24+$0x0], $0xffff;
	_ =	sdelay $0x3  }
0x334: {  	v59 =	vld [tilespmem:$0x3B0]  }
0x335: {  	[tilespmem:$0x14190] =	vst v0  }
0x336: {  	v0 =	vld.idx.msk [tilespmem:v58+s24+$0x0], $0xffff;
	_ =	sdelay $0x3  }
0x337: {  	v60 =	vld [tilespmem:$0x3C0]  }
0x338: {  	[tilespmem:$0x141A0] =	vst v0  }
0x339: {  	v0 =	vld.idx.msk [tilespmem:v59+s24+$0x0], $0xffff;
	_ =	sdelay $0x3  }
0x33a: {  	v61 =	vld [tilespmem:$0x3D0]  }
0x33b: {  	[tilespmem:$0x141B0] =	vst v0  }
0x33c: {  	v0 =	vld.idx.msk [tilespmem:v60+s24+$0x0], $0xffff;
	_ =	sdelay $0x3  }
0x33d: {  	v62 =	vld [tilespmem:$0x3E0]  }
0x33e: {  	[tilespmem:$0x141C0] =	vst v0  }
0x33f: {  	v0 =	vld.idx.msk [tilespmem:v61+s24+$0x0], $0xffff;
	_ =	sdelay $0x3  }
0x340: {  	v63 =	vld [tilespmem:$0x3F0]  }
0x341: {  	[tilespmem:$0x141D0] =	vst v0  }
0x342: {  	v0 =	vld.idx.msk [tilespmem:v62+s24+$0x0], $0xffff;
	_ =	sdelay $0x4  }
0x343: {  	[tilespmem:$0x141E0] =	vst v0  }
0x344: {  	v0 =	vld.idx.msk [tilespmem:v63+s24+$0x0], $0xffff;
	_ =	sdelay $0x4  }
.Ltmp3:
0x345: {  	[tilespmem:$0x141F0] =	vst v0;
	(pc) =	sbr.rel .LBB2_3-.Ltmp3, $4  }
0x346: {  	[hbm4b:s12+s14] =	stream.strided.scatter [tilespmem:s20], [sflag:$0x5], $0x400, s15, s14, $0x38;
	[tilespmem:$0x14200] =	vst v63  }
0x347: {  	_ =	swait.ge [sflag:s18], $0x400  }
0x348: {  	[sflag:s18] =	ssyncset.done $0x0  }
0x349: {  	[sflag:s18] =	ssyncadd.s32 $0xFFFFFC00  }
.LBB2_4:
0x34a: {  	_ =	sfence.sel $0x180000  }
0x34b: {  	[bflag:$0x0] =	sbarrier.arrive $0xFFFF  }
0x34c: {  	p0 =	sne.s32 s3, $0x0;
	_ =	strace $0x90000047  }
0x34d: {  	s0 =	sadd.s32 @!p0 $0x100000, s0;
	[bflag:$0x2] =	sbarrier.arrive $0xFFFF  }
0x34e: {  	[sflag:s0] =	ssyncadd.tile.s32 @!p0 $0x1;
	_ =	shalt  }
.Lfunc_end2:
_tile_overlayer_lowered:
.L_overlay_start_2:
0x34f: {  	(tag) =	ssettag $0x2  }
0x350: {  	s0 =	rddreg [dreg:$0x0];
	s2 =	stileid.u32  }
0x351: {  	s1 =	rddreg [dreg:$0x1];
	p0 =	sne.s32 s2, $0x0  }
0x352: {  	s3 =	rddreg [dreg:$0x2];
	[bflag:$0x3] =	sbarrier.arrive $0xFFFF;
	s2 =	simm.s32 @!p0 $0x1C05  }
0x353: {  	[timem:s3], [sflag:s2] =	dma.local @!p0 [hbm:s0], s1  }
0x354: {  	s0 =	simm.s32 @!p0 $0x5  }
0x355: {  	_ =	swait.ge @!p0 [sflag:s0], s1  }
0x356: {  	s1 =	ssub.s32 @!p0 $0x0, s1;
	[sflag:s0] =	ssyncset.done @!p0 $0x0  }
0x357: {  	[sflag:s0] =	ssyncadd.s32 @!p0 s1  }
0x358: {  	[bflag:$0x3] =	sbarrier.arrive $0xFFFF  }
0x359: {  	_ =	shalt  }

</sc_bundles>
